<compile_context>
chip_gen: v7x
topology: tpu7x:2x2x1
jax: 0.10.2.dev20260603
libtpu: 0.0.44.dev20260713+nightly
codegen_flags: <defaults>
</compile_context>

<pallas_src>
import functools

import jax
import jax.numpy as jnp
from jax import lax
from jax.experimental import pallas as pl
from jax.experimental.pallas import tpu as pltpu
from jax.experimental.pallas import tpu_sc as plsc

NC, NS, L = 2, 16, 16
NW = NC * NS
B, SEQ, C = 4096, 200, 64
V = 1_000_000
RCH = 256
NCHUNK = V // RCH
TAIL = V - NCHUNK * RCH
BPW = B // NW
NOCT = SEQ // 8


def _mesh():
    return plsc.VectorSubcoreMesh(
        core_axis_name="c", subcore_axis_name="s",
        num_cores=NC, num_subcores=NS)


def _make_k1():
    @functools.partial(
        pl.kernel,
        out_type=jax.ShapeDtypeStruct((V, 128), jnp.float32),
        mesh=_mesh(),
        scratch_types=[
            pltpu.VMEM((2, C, RCH), jnp.float32),
            pltpu.VMEM((2, RCH, 128), jnp.float32),
            pltpu.VMEM((C, TAIL), jnp.float32),
            pltpu.VMEM((TAIL, 128), jnp.float32),
            pltpu.SemaphoreType.DMA((2,)),
            pltpu.SemaphoreType.DMA((2,)),
        ],
        compiler_params=pltpu.CompilerParams(
            use_tc_tiling_on_sc=True, needs_layout_passes=False),
    )
    def k1(tt_hbm, tail_hbm, trm_hbm, tbuf, obuf, tailin, tailout,
           in_sem, out_sem):
        wid = lax.axis_index("s") * NC + lax.axis_index("c")
        niter = (NCHUNK - wid + NW - 1) // NW
        ciota = lax.iota(jnp.int32, L)

        def r0_of(i):
            return pl.multiple_of((wid + i * NW) * RCH, RCH)

        def start_in(i, p):
            pltpu.async_copy(
                tt_hbm.at[:, pl.ds(r0_of(i), RCH)], tbuf.at[p], in_sem.at[p])

        def wait_in(p):
            pltpu.make_async_copy(
                tt_hbm.at[:, pl.ds(0, RCH)], tbuf.at[p], in_sem.at[p]).wait()

        def start_out(i, p):
            pltpu.async_copy(
                obuf.at[p], trm_hbm.at[pl.ds(r0_of(i), RCH)], out_sem.at[p])

        def wait_out(p):
            pltpu.make_async_copy(
                obuf.at[p], trm_hbm.at[pl.ds(0, RCH)], out_sem.at[p]).wait()

        @pl.when(wid == 0)
        def _():
            pltpu.sync_copy(tail_hbm, tailin)

            @plsc.parallel_loop(0, TAIL, 1, unroll=4)
            def tbody(r):
                rsplat = jnp.full((L,), r, jnp.int32)
                for k in range(C // L):
                    v = plsc.load_gather(tailin, [ciota + k * L, rsplat])
                    tailout[r, pl.ds(k * L, L)] = v

            pltpu.sync_copy(tailout, trm_hbm.at[pl.ds(V - TAIL, TAIL)])

        start_in(0, 0)

        def body(i, carry):
            p = lax.rem(i, 2)

            @pl.when(i + 1 < niter)
            def _():
                start_in(i + 1, 1 - p)

            wait_in(p)

            @pl.when(i >= 2)
            def _():
                wait_out(p)

            tb = tbuf.at[p]

            @plsc.parallel_loop(0, RCH, 1, unroll=4)
            def rbody(r):
                rsplat = jnp.full((L,), r, jnp.int32)
                for k in range(C // L):
                    v = plsc.load_gather(tb, [ciota + k * L, rsplat])
                    obuf[p, r, pl.ds(k * L, L)] = v

            start_out(i, p)
            return carry

        lax.fori_loop(0, niter, body, 0)
        wait_out(lax.rem(niter - 1, 2))
        wait_out(lax.rem(niter, 2))

    return k1


def _make_k2():
    @functools.partial(
        pl.kernel,
        out_type=jax.ShapeDtypeStruct((C, SEQ, B), jnp.float32),
        mesh=_mesh(),
        scratch_types=[
            pltpu.VMEM((2, 8, 128), jnp.int32),
            pltpu.VMEM((2, 8, 128), jnp.float32),
            pltpu.VMEM((128,), jnp.int32),
            pltpu.VMEM((128,), jnp.int32),
            pltpu.VMEM((3, 128, 128), jnp.float32),
            pltpu.VMEM((C, 8, 128), jnp.float32),
            pltpu.SemaphoreType.DMA((2,)),
            pltpu.SemaphoreType.DMA((3,)),
            pltpu.SemaphoreType.DMA,
        ],
        compiler_params=pltpu.CompilerParams(
            use_tc_tiling_on_sc=True, needs_layout_passes=False),
    )
    def k2(xt_hbm, mt_hbm, trm_hbm, out_hbm,
           idx_v, mask_v, idx1d_a, idx1d_b, rows_v, outt_v,
           in_sem, gat_sem, out_sem):
        wid = lax.axis_index("s") * NC + lax.axis_index("c")
        b0 = pl.multiple_of(wid * BPW, 128)
        biota = lax.iota(jnp.int32, L)

        def l0_of(j):
            return pl.multiple_of(j * 8, 8)

        def start_in(j, p):
            pltpu.async_copy(
                xt_hbm.at[pl.ds(l0_of(j), 8), pl.ds(b0, 128)], idx_v.at[p],
                in_sem.at[p])
            pltpu.async_copy(
                mt_hbm.at[pl.ds(l0_of(j), 8), pl.ds(b0, 128)], mask_v.at[p],
                in_sem.at[p])

        def wait_in(p):
            pltpu.make_async_copy(
                xt_hbm.at[pl.ds(0, 8), pl.ds(0, 128)], idx_v.at[p],
                in_sem.at[p]).wait()
            pltpu.make_async_copy(
                mt_hbm.at[pl.ds(0, 8), pl.ds(0, 128)], mask_v.at[p],
                in_sem.at[p]).wait()

        def issue_gather(pj, t):
            slot = lax.rem(t, 3)

            def _do(buf):
                for k in range(128 // L):
                    buf[pl.ds(k * L, L)] = idx_v[pj, t, pl.ds(k * L, L)]
                pltpu.async_copy(
                    trm_hbm.at[buf], rows_v.at[slot], gat_sem.at[slot])

            @pl.when(lax.rem(t, 2) == 0)
            def _():
                _do(idx1d_a)

            @pl.when(lax.rem(t, 2) == 1)
            def _():
                _do(idx1d_b)

        def wait_gather(slot):
            pltpu.make_async_copy(
                trm_hbm.at[pl.ds(0, 128)], rows_v.at[slot],
                gat_sem.at[slot]).wait()

        def wait_out():
            pltpu.make_async_copy(
                outt_v, out_hbm.at[:, pl.ds(0, 8), pl.ds(0, 128)],
                out_sem).wait()

        start_in(0, 0)
        start_in(1, 1)
        wait_in(0)
        issue_gather(0, 0)

        def octet(j, carry):
            pj = lax.rem(j, 2)

            def lbody(dl, carry2):
                wait_gather(lax.rem(dl, 3))

                @pl.when(dl == 0)
                def _():
                    issue_gather(pj, 1)

                @pl.when(dl < 6)
                def _():
                    issue_gather(pj, dl + 2)

                @pl.when((dl == 7) & (j < NOCT - 1))
                def _():
                    wait_in(1 - pj)
                    issue_gather(1 - pj, 0)

                rows = rows_v.at[lax.rem(dl, 3)]
                mvs = [mask_v[pj, dl, pl.ds(k * L, L)] for k in range(8)]
                lidx = [biota + k * L for k in range(8)]

                @pl.when((j > 0) & (dl == 0))
                def _():
                    wait_out()

                @plsc.parallel_loop(0, C, 1, unroll=2)
                def cbody(c):
                    csplat = jnp.full((L,), c, jnp.int32)
                    for k in range(8):
                        v = plsc.load_gather(rows, [lidx[k], csplat])
                        outt_v[c, dl, pl.ds(k * L, L)] = v * mvs[k]

                return carry2

            lax.fori_loop(0, 8, lbody, 0)

            @pl.when(j < NOCT - 2)
            def _():
                start_in(j + 2, pj)

            pltpu.async_copy(
                outt_v,
                out_hbm.at[:, pl.ds(l0_of(j), 8), pl.ds(b0, 128)], out_sem)
            return carry

        lax.fori_loop(0, NOCT, octet, 0)
        wait_out()

    return k2


_k1 = _make_k1()
_k2 = _make_k2()


@jax.jit
def kernel(x, mask, table):
    xt = x.astype(jnp.int32).T
    mt = mask.reshape(B, SEQ).T
    tt = table.T
    ttail = lax.slice(table, (V - TAIL, 0), (V, C)).T
    trm = _k1(tt, ttail)
    outt = _k2(xt, mt, trm)
    return outt.transpose(2, 0, 1)

# --- scband reference (transcript-rebuilt; emitter-appended) ---
"""Pipeline reference for scband-embedding-layer-32710470926387 (READ-ONLY COPY).

The authoritative reference and input builder live on the scoring server;
editing this copy changes nothing except your own understanding.
"""

import jax, jax.numpy as jnp
import numpy as np

NUM_VOCAB = 1000000
CHANNELS = 64
BATCH = 4096
SEQ = 200


def setup_inputs(seed: int = 0) -> dict:
    key = jax.random.key(seed)
    k1, k2, k3 = jax.random.split(key, 3)
    x = jax.random.randint(k1, (BATCH, SEQ), 0, NUM_VOCAB, dtype=jnp.int64 if jax.config.jax_enable_x64 else jnp.int32)
    mask = jax.random.uniform(k2, (BATCH, 1, SEQ), dtype=jnp.float32)
    table = jax.random.normal(k3, (NUM_VOCAB, CHANNELS), dtype=jnp.float32)
    # padding_idx=0: row 0 is zeroed in nn.Embedding
    table = table.at[0].set(0.0)
    return {"x": x, "mask": mask, "table": table}


def reference(x, mask, table):
    # nn.Embedding lookup with padding_idx=0 (row 0 already zero)
    emb = jnp.take(table, x, axis=0)          # [B, L, C]
    emb = jnp.transpose(emb, (0, 2, 1))       # [B, C, L]
    out = emb * mask                           # broadcast [B, 1, L]
    return out

if __name__ == "__main__":
    import jax
    _d = setup_inputs()
    print(jax.jit(kernel)(*tuple(_d.values())))

</pallas_src>

<mosaic_0001>
#map = affine_map<(d0, d1) -> (0, 0)>
module attributes {stable_mosaic.version = 14 : i64} {
  func.func @k1(%arg0: i32, %arg1: i32, %arg2: memref<64x1000000xf32, #tpu.memory_space<hbm>>, %arg3: memref<64x64xf32, #tpu.memory_space<hbm>>, %arg4: memref<1000000x128xf32, #tpu.memory_space<hbm>>, %arg5: memref<2x64x256xf32, #tpu.memory_space<vmem>>, %arg6: memref<2x256x128xf32, #tpu.memory_space<vmem>>, %arg7: memref<64x64xf32, #tpu.memory_space<vmem>>, %arg8: memref<64x128xf32, #tpu.memory_space<vmem>>, %arg9: memref<2x!tpu.dma_semaphore, #tpu.memory_space<semaphore_mem>>, %arg10: memref<2x!tpu.dma_semaphore, #tpu.memory_space<semaphore_mem>>) attributes {dimension_semantics = [#tpu.dimension_semantics<core_parallel>, #tpu.dimension_semantics<subcore_parallel>], iteration_bounds = array<i64: 2, 16>, scalar_prefetch = 0 : i64, scratch_operands = 6 : i64, tpu.core_type = #tpu.core_type<sc_vector_subcore>, window_params = [{transform_indices = #map}, {transform_indices = #map}, {transform_indices = #map}]} {
    %mul3A = arith.constant 2 : i32
    %mul3A_0 = arith.muli %arg1, %mul3A : i32
    %add3A = arith.addi %mul3A_0, %arg0 : i32
    %sub3A = arith.constant 3906 : i32
    %sub3A_1 = arith.subi %sub3A, %add3A : i32
    %add3A_2 = arith.constant 32 : i32
    %add3A_3 = arith.addi %sub3A_1, %add3A_2 : i32
    %sub3A_4 = arith.constant 1 : i32
    %sub3A_5 = arith.subi %add3A_3, %sub3A_4 : i32
    %jit3A = arith.constant 32 : i32
    %div3A = arith.divsi %sub3A_5, %jit3A : i32
    %sign3A = arith.constant 0 : i32
    %sign3A_6 = arith.cmpi sgt, %sub3A_5, %sign3A : i32
    %sign3A_7 = arith.extui %sign3A_6 : i1 to i32
    %sign3A_8 = arith.constant 0 : i32
    %sign3A_9 = arith.cmpi slt, %sub3A_5, %sign3A_8 : i32
    %sign3A_10 = arith.extui %sign3A_9 : i1 to i32
    %sign3A_11 = arith.subi %sign3A_7, %sign3A_10 : i32
    %sign3A_12 = arith.constant 0 : i32
    %sign3A_13 = arith.cmpi sgt, %jit3A, %sign3A_12 : i32
    %sign3A_14 = arith.extui %sign3A_13 : i1 to i32
    %sign3A_15 = arith.constant 0 : i32
    %sign3A_16 = arith.cmpi slt, %jit3A, %sign3A_15 : i32
    %sign3A_17 = arith.extui %sign3A_16 : i1 to i32
    %sign3A_18 = arith.subi %sign3A_14, %sign3A_17 : i32
    %ne3A = arith.cmpi ne, %sign3A_11, %sign3A_18 : i32
    %rem3A = arith.remsi %sub3A_5, %jit3A : i32
    %ne3A_19 = arith.constant 0 : i32
    %ne3A_20 = arith.cmpi ne, %rem3A, %ne3A_19 : i32
    %and3A = arith.andi %ne3A, %ne3A_20 : i1
    %sub3A_21 = arith.constant 1 : i32
    %sub3A_22 = arith.subi %div3A, %sub3A_21 : i32
    %select_n3A = arith.select %and3A, %sub3A_22, %div3A : i32
    %iota3A = tpu.iota {dimensions = array<i32: 0>} : vector<16xi32>
    %eq3A = arith.constant 0 : i32
    %eq3A_23 = arith.cmpi eq, %add3A, %eq3A : i32
    %convert_element_type3A = arith.extui %eq3A_23 : i1 to i32
    %cond3A = arith.constant 0 : i32
    %cond3A_24 = arith.cmpi ne, %convert_element_type3A, %cond3A : i32
    scf.if %cond3A_24 {
      "tpu.region"() ({
        %run_scoped3A = tpu.sem_alloc : memref<!tpu.dma_semaphore, #tpu.memory_space<semaphore_mem>>
        tpu.enqueue_dma source(%arg3 : memref<64x64xf32, #tpu.memory_space<hbm>>) target(%arg7 : memref<64x64xf32, #tpu.memory_space<vmem>>) target_semaphore(%run_scoped3A : memref<!tpu.dma_semaphore, #tpu.memory_space<semaphore_mem>>)
        tpu.wait_dma2 semaphore(%run_scoped3A : memref<!tpu.dma_semaphore, #tpu.memory_space<semaphore_mem>>) src(%arg3 : memref<64x64xf32, #tpu.memory_space<hbm>>) dst(%arg7 : memref<64x64xf32, #tpu.memory_space<vmem>>)
        tpu.yield
      }) : () -> ()
      %parallel_loop3A = arith.constant 0 : i32
      %parallel_loop3A_90 = arith.constant 64 : i32
      %parallel_loop3A_91 = arith.constant 1 : i32
      scf.for %parallel_loop3A_92 = %parallel_loop3A to %parallel_loop3A_90 step %parallel_loop3A_91  : i32 {
        %parallel_loop3A_93 = vector.broadcast %parallel_loop3A_92 : i32 to vector<16xi32>
        %parallel_loop3A_94 = arith.constant 0 : i32
        %parallel_loop3A_95 = vector.broadcast %parallel_loop3A_94 : i32 to vector<16xi32>
        %parallel_loop3A_96 = arith.addi %iota3A, %parallel_loop3A_95 : vector<16xi32>
        %parallel_loop3A_97 = tpu.vector_load_idx %arg7[%parallel_loop3A_96, %parallel_loop3A_93] : memref<64x64xf32, #tpu.memory_space<vmem>>[vector<16xi32>, vector<16xi32>], vector<16xf32>,
        %parallel_loop3A_98 = arith.index_cast %parallel_loop3A_92 : i32 to index
        %parallel_loop3A_99 = arith.constant 0 : index
        %parallel_loop3A_100 = tpu.vector_load %arg8[%parallel_loop3A_98, %parallel_loop3A_99] {strides = array<i32>} : memref<64x128xf32, #tpu.memory_space<vmem>>, vector<16xf32>,
        tpu.vector_store %arg8[%parallel_loop3A_98, %parallel_loop3A_99], %parallel_loop3A_97 {strides = array<i32>} : memref<64x128xf32, #tpu.memory_space<vmem>>, vector<16xf32>,
        %parallel_loop3A_101 = arith.constant 16 : i32
        %parallel_loop3A_102 = vector.broadcast %parallel_loop3A_101 : i32 to vector<16xi32>
        %parallel_loop3A_103 = arith.addi %iota3A, %parallel_loop3A_102 : vector<16xi32>
        %parallel_loop3A_104 = tpu.vector_load_idx %arg7[%parallel_loop3A_103, %parallel_loop3A_93] : memref<64x64xf32, #tpu.memory_space<vmem>>[vector<16xi32>, vector<16xi32>], vector<16xf32>,
        %parallel_loop3A_105 = arith.index_cast %parallel_loop3A_92 : i32 to index
        %parallel_loop3A_106 = arith.constant 16 : index
        %parallel_loop3A_107 = tpu.vector_load %arg8[%parallel_loop3A_105, %parallel_loop3A_106] {strides = array<i32>} : memref<64x128xf32, #tpu.memory_space<vmem>>, vector<16xf32>,
        tpu.vector_store %arg8[%parallel_loop3A_105, %parallel_loop3A_106], %parallel_loop3A_104 {strides = array<i32>} : memref<64x128xf32, #tpu.memory_space<vmem>>, vector<16xf32>,
        %parallel_loop3A_108 = arith.constant 32 : i32
        %parallel_loop3A_109 = vector.broadcast %parallel_loop3A_108 : i32 to vector<16xi32>
        %parallel_loop3A_110 = arith.addi %iota3A, %parallel_loop3A_109 : vector<16xi32>
        %parallel_loop3A_111 = tpu.vector_load_idx %arg7[%parallel_loop3A_110, %parallel_loop3A_93] : memref<64x64xf32, #tpu.memory_space<vmem>>[vector<16xi32>, vector<16xi32>], vector<16xf32>,
        %parallel_loop3A_112 = arith.index_cast %parallel_loop3A_92 : i32 to index
        %parallel_loop3A_113 = arith.constant 32 : index
        %parallel_loop3A_114 = tpu.vector_load %arg8[%parallel_loop3A_112, %parallel_loop3A_113] {strides = array<i32>} : memref<64x128xf32, #tpu.memory_space<vmem>>, vector<16xf32>,
        tpu.vector_store %arg8[%parallel_loop3A_112, %parallel_loop3A_113], %parallel_loop3A_111 {strides = array<i32>} : memref<64x128xf32, #tpu.memory_space<vmem>>, vector<16xf32>,
        %parallel_loop3A_115 = arith.constant 48 : i32
        %parallel_loop3A_116 = vector.broadcast %parallel_loop3A_115 : i32 to vector<16xi32>
        %parallel_loop3A_117 = arith.addi %iota3A, %parallel_loop3A_116 : vector<16xi32>
        %parallel_loop3A_118 = tpu.vector_load_idx %arg7[%parallel_loop3A_117, %parallel_loop3A_93] : memref<64x64xf32, #tpu.memory_space<vmem>>[vector<16xi32>, vector<16xi32>], vector<16xf32>,
        %parallel_loop3A_119 = arith.index_cast %parallel_loop3A_92 : i32 to index
        %parallel_loop3A_120 = arith.constant 48 : index
        %parallel_loop3A_121 = tpu.vector_load %arg8[%parallel_loop3A_119, %parallel_loop3A_120] {strides = array<i32>} : memref<64x128xf32, #tpu.memory_space<vmem>>, vector<16xf32>,
        tpu.vector_store %arg8[%parallel_loop3A_119, %parallel_loop3A_120], %parallel_loop3A_118 {strides = array<i32>} : memref<64x128xf32, #tpu.memory_space<vmem>>, vector<16xf32>,
      } {sc.loop_unroll_factor = 4 : i64, sc.parallel_access}
      "tpu.region"() ({
        %run_scoped3A = tpu.sem_alloc : memref<!tpu.dma_semaphore, #tpu.memory_space<semaphore_mem>>
        %dma_start3A_92 = arith.constant 999936 : i32
        %dma_start3A_93 = arith.constant 0 : i32
        %dma_start3A_94 = tpu.memref_slice %arg4[%dma_start3A_92, %dma_start3A_93] : memref<1000000x128xf32, #tpu.memory_space<hbm>> -> memref<64x128xf32, #tpu.memory_space<hbm>>
        %dma_start3A_95 = arith.constant 999936 : i32
        %dma_start3A_96 = arith.constant 0 : i32
        %dma_start3A_97 = tpu.memref_slice %arg4[%dma_start3A_95, %dma_start3A_96] : memref<1000000x128xf32, #tpu.memory_space<hbm>> -> memref<64x128xf32, #tpu.memory_space<hbm>>
        tpu.enqueue_dma source(%arg8 : memref<64x128xf32, #tpu.memory_space<vmem>>) target(%dma_start3A_97 : memref<64x128xf32, #tpu.memory_space<hbm>>) target_semaphore(%run_scoped3A : memref<!tpu.dma_semaphore, #tpu.memory_space<semaphore_mem>>)
        %dma_wait3A_98 = arith.constant 999936 : i32
        %dma_wait3A_99 = arith.constant 0 : i32
        %dma_wait3A_100 = tpu.memref_slice %arg4[%dma_wait3A_98, %dma_wait3A_99] : memref<1000000x128xf32, #tpu.memory_space<hbm>> -> memref<64x128xf32, #tpu.memory_space<hbm>>
        %dma_wait3A_101 = arith.constant 999936 : i32
        %dma_wait3A_102 = arith.constant 0 : i32
        %dma_wait3A_103 = tpu.memref_slice %arg4[%dma_wait3A_101, %dma_wait3A_102] : memref<1000000x128xf32, #tpu.memory_space<hbm>> -> memref<64x128xf32, #tpu.memory_space<hbm>>
        tpu.wait_dma2 semaphore(%run_scoped3A : memref<!tpu.dma_semaphore, #tpu.memory_space<semaphore_mem>>) src(%arg8 : memref<64x128xf32, #tpu.memory_space<vmem>>) dst(%dma_wait3A_103 : memref<64x128xf32, #tpu.memory_space<hbm>>)
        tpu.yield
      }) : () -> ()
    } else {
    }
    %add3A_25 = arith.constant 0 : i32
    %add3A_26 = arith.addi %add3A, %add3A_25 : i32
    %mul3A_27 = arith.constant 256 : i32
    %mul3A_28 = arith.muli %add3A_26, %mul3A_27 : i32
    %multiple_of3A = tpu.assume_multiple %mul3A_28, 256 : i32
    %dma_start3A = arith.constant 0 : i32
    %dma_start3A_29 = arith.constant 0 : i32
    %dma_start3A_30 = arith.constant 0 : i32
    %dma_start3A_31 = arith.constant 0 : i32
    %dma_start3A_32 = tpu.memref_slice %arg5[%dma_start3A, %dma_start3A_30, %dma_start3A_31] : memref<2x64x256xf32, #tpu.memory_space<vmem>> -> memref<1x64x256xf32, #tpu.memory_space<vmem>>
    %dma_start3A_33 = tpu.memref_squeeze %dma_start3A_32 : memref<1x64x256xf32, #tpu.memory_space<vmem>> -> memref<64x256xf32, #tpu.memory_space<vmem>>
    %dma_start3A_34 = arith.constant 0 : i32
    %dma_start3A_35 = tpu.memref_slice %arg2[%dma_start3A_34, %multiple_of3A] : memref<64x1000000xf32, #tpu.memory_space<hbm>> -> memref<64x256xf32, #tpu.memory_space<hbm>>
    %dma_start3A_36 = tpu.memref_slice %arg9[%dma_start3A_29] : memref<2x!tpu.dma_semaphore, #tpu.memory_space<semaphore_mem>> -> memref<1x!tpu.dma_semaphore, #tpu.memory_space<semaphore_mem>>
    %dma_start3A_37 = tpu.memref_squeeze %dma_start3A_36 : memref<1x!tpu.dma_semaphore, #tpu.memory_space<semaphore_mem>> -> memref<!tpu.dma_semaphore, #tpu.memory_space<semaphore_mem>>
    %dma_start3A_38 = arith.constant 0 : i32
    %dma_start3A_39 = arith.constant 0 : i32
    %dma_start3A_40 = tpu.memref_slice %arg5[%dma_start3A, %dma_start3A_38, %dma_start3A_39] : memref<2x64x256xf32, #tpu.memory_space<vmem>> -> memref<1x64x256xf32, #tpu.memory_space<vmem>>
    %dma_start3A_41 = tpu.memref_squeeze %dma_start3A_40 : memref<1x64x256xf32, #tpu.memory_space<vmem>> -> memref<64x256xf32, #tpu.memory_space<vmem>>
    %dma_start3A_42 = arith.constant 0 : i32
    %dma_start3A_43 = tpu.memref_slice %arg2[%dma_start3A_42, %multiple_of3A] : memref<64x1000000xf32, #tpu.memory_space<hbm>> -> memref<64x256xf32, #tpu.memory_space<hbm>>
    tpu.enqueue_dma source(%dma_start3A_43 : memref<64x256xf32, #tpu.memory_space<hbm>>) target(%dma_start3A_41 : memref<64x256xf32, #tpu.memory_space<vmem>>) target_semaphore(%dma_start3A_37 : memref<!tpu.dma_semaphore, #tpu.memory_space<semaphore_mem>>)
    %while3A = arith.constant 0 : i32
    %while3A_44 = arith.constant 0 : i32
    %while3A_45 = arith.subi %select_n3A, %while3A_44 : i32
    %while3A_46 = arith.addi %while3A_44, %while3A_45 : i32
    %while3A_47 = arith.constant 1 : i32
    %while3A_48 = arith.divsi %while3A_45, %while3A_47 : i32
    %while3A_49 = arith.muli %while3A_48, %while3A_47 : i32
    %while3A_50 = arith.addi %while3A_44, %while3A_49 : i32
    %while3A_51 = arith.constant 1 : i32
    scf.for %while3A_90 = %while3A_44 to %while3A_50 step %while3A_51  : i32 {
      %rem3A_91 = arith.constant 2 : i32
      %rem3A_92 = arith.remsi %while3A_90, %rem3A_91 : i32
      %add3A_93 = arith.constant 1 : i32
      %add3A_94 = arith.addi %while3A_90, %add3A_93 : i32
      %lt3A = arith.cmpi slt, %add3A_94, %select_n3A : i32
      %convert_element_type3A_95 = arith.extui %lt3A : i1 to i32
      %cond3A_96 = arith.constant 0 : i32
      %cond3A_97 = arith.cmpi ne, %convert_element_type3A_95, %cond3A_96 : i32
      scf.if %cond3A_97 {
        %add3A_140 = arith.constant 1 : i32
        %add3A_141 = arith.addi %while3A_90, %add3A_140 : i32
        %sub3A_142 = arith.constant 1 : i32
        %sub3A_143 = arith.subi %sub3A_142, %rem3A_92 : i32
        %mul3A_144 = arith.constant 32 : i32
        %mul3A_145 = arith.muli %add3A_141, %mul3A_144 : i32
        %add3A_146 = arith.addi %add3A, %mul3A_145 : i32
        %mul3A_147 = arith.constant 256 : i32
        %mul3A_148 = arith.muli %add3A_146, %mul3A_147 : i32
        %multiple_of3A_149 = tpu.assume_multiple %mul3A_148, 256 : i32
        %dma_start3A_150 = arith.constant 0 : i32
        %dma_start3A_151 = arith.constant 0 : i32
        %dma_start3A_152 = tpu.memref_slice %arg5[%sub3A_143, %dma_start3A_150, %dma_start3A_151] : memref<2x64x256xf32, #tpu.memory_space<vmem>> -> memref<1x64x256xf32, #tpu.memory_space<vmem>>
        %dma_start3A_153 = tpu.memref_squeeze %dma_start3A_152 : memref<1x64x256xf32, #tpu.memory_space<vmem>> -> memref<64x256xf32, #tpu.memory_space<vmem>>
        %dma_start3A_154 = arith.constant 0 : i32
        %dma_start3A_155 = tpu.memref_slice %arg2[%dma_start3A_154, %multiple_of3A_149] : memref<64x1000000xf32, #tpu.memory_space<hbm>> -> memref<64x256xf32, #tpu.memory_space<hbm>>
        %dma_start3A_156 = tpu.memref_slice %arg9[%sub3A_143] : memref<2x!tpu.dma_semaphore, #tpu.memory_space<semaphore_mem>> -> memref<1x!tpu.dma_semaphore, #tpu.memory_space<semaphore_mem>>
        %dma_start3A_157 = tpu.memref_squeeze %dma_start3A_156 : memref<1x!tpu.dma_semaphore, #tpu.memory_space<semaphore_mem>> -> memref<!tpu.dma_semaphore, #tpu.memory_space<semaphore_mem>>
        %dma_start3A_158 = arith.constant 0 : i32
        %dma_start3A_159 = arith.constant 0 : i32
        %dma_start3A_160 = tpu.memref_slice %arg5[%sub3A_143, %dma_start3A_158, %dma_start3A_159] : memref<2x64x256xf32, #tpu.memory_space<vmem>> -> memref<1x64x256xf32, #tpu.memory_space<vmem>>
        %dma_start3A_161 = tpu.memref_squeeze %dma_start3A_160 : memref<1x64x256xf32, #tpu.memory_space<vmem>> -> memref<64x256xf32, #tpu.memory_space<vmem>>
        %dma_start3A_162 = arith.constant 0 : i32
        %dma_start3A_163 = tpu.memref_slice %arg2[%dma_start3A_162, %multiple_of3A_149] : memref<64x1000000xf32, #tpu.memory_space<hbm>> -> memref<64x256xf32, #tpu.memory_space<hbm>>
        tpu.enqueue_dma source(%dma_start3A_163 : memref<64x256xf32, #tpu.memory_space<hbm>>) target(%dma_start3A_161 : memref<64x256xf32, #tpu.memory_space<vmem>>) target_semaphore(%dma_start3A_157 : memref<!tpu.dma_semaphore, #tpu.memory_space<semaphore_mem>>)
      } else {
      }
      %dma_wait3A_98 = arith.constant 0 : i32
      %dma_wait3A_99 = arith.constant 0 : i32
      %dma_wait3A_100 = tpu.memref_slice %arg5[%rem3A_92, %dma_wait3A_98, %dma_wait3A_99] : memref<2x64x256xf32, #tpu.memory_space<vmem>> -> memref<1x64x256xf32, #tpu.memory_space<vmem>>
      %dma_wait3A_101 = tpu.memref_squeeze %dma_wait3A_100 : memref<1x64x256xf32, #tpu.memory_space<vmem>> -> memref<64x256xf32, #tpu.memory_space<vmem>>
      %dma_wait3A_102 = arith.constant 0 : i32
      %dma_wait3A_103 = arith.constant 0 : i32
      %dma_wait3A_104 = tpu.memref_slice %arg2[%dma_wait3A_102, %dma_wait3A_103] : memref<64x1000000xf32, #tpu.memory_space<hbm>> -> memref<64x256xf32, #tpu.memory_space<hbm>>
      %dma_wait3A_105 = tpu.memref_slice %arg9[%rem3A_92] : memref<2x!tpu.dma_semaphore, #tpu.memory_space<semaphore_mem>> -> memref<1x!tpu.dma_semaphore, #tpu.memory_space<semaphore_mem>>
      %dma_wait3A_106 = tpu.memref_squeeze %dma_wait3A_105 : memref<1x!tpu.dma_semaphore, #tpu.memory_space<semaphore_mem>> -> memref<!tpu.dma_semaphore, #tpu.memory_space<semaphore_mem>>
      %dma_wait3A_107 = arith.constant 0 : i32
      %dma_wait3A_108 = arith.constant 0 : i32
      %dma_wait3A_109 = tpu.memref_slice %arg5[%rem3A_92, %dma_wait3A_107, %dma_wait3A_108] : memref<2x64x256xf32, #tpu.memory_space<vmem>> -> memref<1x64x256xf32, #tpu.memory_space<vmem>>
      %dma_wait3A_110 = tpu.memref_squeeze %dma_wait3A_109 : memref<1x64x256xf32, #tpu.memory_space<vmem>> -> memref<64x256xf32, #tpu.memory_space<vmem>>
      %dma_wait3A_111 = arith.constant 0 : i32
      %dma_wait3A_112 = arith.constant 0 : i32
      %dma_wait3A_113 = tpu.memref_slice %arg2[%dma_wait3A_111, %dma_wait3A_112] : memref<64x1000000xf32, #tpu.memory_space<hbm>> -> memref<64x256xf32, #tpu.memory_space<hbm>>
      tpu.wait_dma2 semaphore(%dma_wait3A_106 : memref<!tpu.dma_semaphore, #tpu.memory_space<semaphore_mem>>) src(%dma_wait3A_113 : memref<64x256xf32, #tpu.memory_space<hbm>>) dst(%dma_wait3A_110 : memref<64x256xf32, #tpu.memory_space<vmem>>)
      %ge3A = arith.constant 2 : i32
      %ge3A_114 = arith.cmpi sge, %while3A_90, %ge3A : i32
      %convert_element_type3A_115 = arith.extui %ge3A_114 : i1 to i32
      %cond3A_116 = arith.constant 0 : i32
      %cond3A_117 = arith.cmpi ne, %convert_element_type3A_115, %cond3A_116 : i32
      scf.if %cond3A_117 {
        %dma_wait3A_140 = arith.constant 0 : i32
        %dma_wait3A_141 = arith.constant 0 : i32
        %dma_wait3A_142 = tpu.memref_slice %arg6[%rem3A_92, %dma_wait3A_140, %dma_wait3A_141] : memref<2x256x128xf32, #tpu.memory_space<vmem>> -> memref<1x256x128xf32, #tpu.memory_space<vmem>>
        %dma_wait3A_143 = tpu.memref_squeeze %dma_wait3A_142 : memref<1x256x128xf32, #tpu.memory_space<vmem>> -> memref<256x128xf32, #tpu.memory_space<vmem>>
        %dma_wait3A_144 = arith.constant 0 : i32
        %dma_wait3A_145 = arith.constant 0 : i32
        %dma_wait3A_146 = tpu.memref_slice %arg4[%dma_wait3A_144, %dma_wait3A_145] : memref<1000000x128xf32, #tpu.memory_space<hbm>> -> memref<256x128xf32, #tpu.memory_space<hbm>>
        %dma_wait3A_147 = tpu.memref_slice %arg10[%rem3A_92] : memref<2x!tpu.dma_semaphore, #tpu.memory_space<semaphore_mem>> -> memref<1x!tpu.dma_semaphore, #tpu.memory_space<semaphore_mem>>
        %dma_wait3A_148 = tpu.memref_squeeze %dma_wait3A_147 : memref<1x!tpu.dma_semaphore, #tpu.memory_space<semaphore_mem>> -> memref<!tpu.dma_semaphore, #tpu.memory_space<semaphore_mem>>
        %dma_wait3A_149 = arith.constant 0 : i32
        %dma_wait3A_150 = arith.constant 0 : i32
        %dma_wait3A_151 = tpu.memref_slice %arg4[%dma_wait3A_149, %dma_wait3A_150] : memref<1000000x128xf32, #tpu.memory_space<hbm>> -> memref<256x128xf32, #tpu.memory_space<hbm>>
        %dma_wait3A_152 = arith.constant 0 : i32
        %dma_wait3A_153 = arith.constant 0 : i32
        %dma_wait3A_154 = tpu.memref_slice %arg6[%rem3A_92, %dma_wait3A_152, %dma_wait3A_153] : memref<2x256x128xf32, #tpu.memory_space<vmem>> -> memref<1x256x128xf32, #tpu.memory_space<vmem>>
        %dma_wait3A_155 = tpu.memref_squeeze %dma_wait3A_154 : memref<1x256x128xf32, #tpu.memory_space<vmem>> -> memref<256x128xf32, #tpu.memory_space<vmem>>
        tpu.wait_dma2 semaphore(%dma_wait3A_148 : memref<!tpu.dma_semaphore, #tpu.memory_space<semaphore_mem>>) src(%dma_wait3A_155 : memref<256x128xf32, #tpu.memory_space<vmem>>) dst(%dma_wait3A_151 : memref<256x128xf32, #tpu.memory_space<hbm>>)
      } else {
      }
      %parallel_loop3A = arith.constant 0 : i32
      %parallel_loop3A_118 = arith.constant 256 : i32
      %parallel_loop3A_119 = arith.constant 1 : i32
      scf.for %parallel_loop3A_140 = %parallel_loop3A to %parallel_loop3A_118 step %parallel_loop3A_119  : i32 {
        %parallel_loop3A_141 = vector.broadcast %parallel_loop3A_140 : i32 to vector<16xi32>
        %parallel_loop3A_142 = arith.constant 0 : i32
        %parallel_loop3A_143 = vector.broadcast %parallel_loop3A_142 : i32 to vector<16xi32>
        %parallel_loop3A_144 = arith.addi %iota3A, %parallel_loop3A_143 : vector<16xi32>
        %parallel_loop3A_145 = arith.constant 0 : i32
        %parallel_loop3A_146 = arith.constant 0 : i32
        %parallel_loop3A_147 = tpu.memref_slice %arg5[%rem3A_92, %parallel_loop3A_145, %parallel_loop3A_146] : memref<2x64x256xf32, #tpu.memory_space<vmem>> -> memref<1x64x256xf32, #tpu.memory_space<vmem>>
        %parallel_loop3A_148 = tpu.memref_squeeze %parallel_loop3A_147 : memref<1x64x256xf32, #tpu.memory_space<vmem>> -> memref<64x256xf32, #tpu.memory_space<vmem>>
        %parallel_loop3A_149 = tpu.vector_load_idx %parallel_loop3A_148[%parallel_loop3A_144, %parallel_loop3A_141] : memref<64x256xf32, #tpu.memory_space<vmem>>[vector<16xi32>, vector<16xi32>], vector<16xf32>,
        %parallel_loop3A_150 = arith.index_cast %rem3A_92 : i32 to index
        %parallel_loop3A_151 = arith.index_cast %parallel_loop3A_140 : i32 to index
        %parallel_loop3A_152 = arith.constant 0 : index
        %parallel_loop3A_153 = tpu.vector_load %arg6[%parallel_loop3A_150, %parallel_loop3A_151, %parallel_loop3A_152] {strides = array<i32>} : memref<2x256x128xf32, #tpu.memory_space<vmem>>, vector<16xf32>,
        tpu.vector_store %arg6[%parallel_loop3A_150, %parallel_loop3A_151, %parallel_loop3A_152], %parallel_loop3A_149 {strides = array<i32>} : memref<2x256x128xf32, #tpu.memory_space<vmem>>, vector<16xf32>,
        %parallel_loop3A_154 = arith.constant 16 : i32
        %parallel_loop3A_155 = vector.broadcast %parallel_loop3A_154 : i32 to vector<16xi32>
        %parallel_loop3A_156 = arith.addi %iota3A, %parallel_loop3A_155 : vector<16xi32>
        %parallel_loop3A_157 = arith.constant 0 : i32
        %parallel_loop3A_158 = arith.constant 0 : i32
        %parallel_loop3A_159 = tpu.memref_slice %arg5[%rem3A_92, %parallel_loop3A_157, %parallel_loop3A_158] : memref<2x64x256xf32, #tpu.memory_space<vmem>> -> memref<1x64x256xf32, #tpu.memory_space<vmem>>
        %parallel_loop3A_160 = tpu.memref_squeeze %parallel_loop3A_159 : memref<1x64x256xf32, #tpu.memory_space<vmem>> -> memref<64x256xf32, #tpu.memory_space<vmem>>
        %parallel_loop3A_161 = tpu.vector_load_idx %parallel_loop3A_160[%parallel_loop3A_156, %parallel_loop3A_141] : memref<64x256xf32, #tpu.memory_space<vmem>>[vector<16xi32>, vector<16xi32>], vector<16xf32>,
        %parallel_loop3A_162 = arith.index_cast %rem3A_92 : i32 to index
        %parallel_loop3A_163 = arith.index_cast %parallel_loop3A_140 : i32 to index
        %parallel_loop3A_164 = arith.constant 16 : index
        %parallel_loop3A_165 = tpu.vector_load %arg6[%parallel_loop3A_162, %parallel_loop3A_163, %parallel_loop3A_164] {strides = array<i32>} : memref<2x256x128xf32, #tpu.memory_space<vmem>>, vector<16xf32>,
        tpu.vector_store %arg6[%parallel_loop3A_162, %parallel_loop3A_163, %parallel_loop3A_164], %parallel_loop3A_161 {strides = array<i32>} : memref<2x256x128xf32, #tpu.memory_space<vmem>>, vector<16xf32>,
        %parallel_loop3A_166 = arith.constant 32 : i32
        %parallel_loop3A_167 = vector.broadcast %parallel_loop3A_166 : i32 to vector<16xi32>
        %parallel_loop3A_168 = arith.addi %iota3A, %parallel_loop3A_167 : vector<16xi32>
        %parallel_loop3A_169 = arith.constant 0 : i32
        %parallel_loop3A_170 = arith.constant 0 : i32
        %parallel_loop3A_171 = tpu.memref_slice %arg5[%rem3A_92, %parallel_loop3A_169, %parallel_loop3A_170] : memref<2x64x256xf32, #tpu.memory_space<vmem>> -> memref<1x64x256xf32, #tpu.memory_space<vmem>>
        %parallel_loop3A_172 = tpu.memref_squeeze %parallel_loop3A_171 : memref<1x64x256xf32, #tpu.memory_space<vmem>> -> memref<64x256xf32, #tpu.memory_space<vmem>>
        %parallel_loop3A_173 = tpu.vector_load_idx %parallel_loop3A_172[%parallel_loop3A_168, %parallel_loop3A_141] : memref<64x256xf32, #tpu.memory_space<vmem>>[vector<16xi32>, vector<16xi32>], vector<16xf32>,
        %parallel_loop3A_174 = arith.index_cast %rem3A_92 : i32 to index
        %parallel_loop3A_175 = arith.index_cast %parallel_loop3A_140 : i32 to index
        %parallel_loop3A_176 = arith.constant 32 : index
        %parallel_loop3A_177 = tpu.vector_load %arg6[%parallel_loop3A_174, %parallel_loop3A_175, %parallel_loop3A_176] {strides = array<i32>} : memref<2x256x128xf32, #tpu.memory_space<vmem>>, vector<16xf32>,
        tpu.vector_store %arg6[%parallel_loop3A_174, %parallel_loop3A_175, %parallel_loop3A_176], %parallel_loop3A_173 {strides = array<i32>} : memref<2x256x128xf32, #tpu.memory_space<vmem>>, vector<16xf32>,
        %parallel_loop3A_178 = arith.constant 48 : i32
        %parallel_loop3A_179 = vector.broadcast %parallel_loop3A_178 : i32 to vector<16xi32>
        %parallel_loop3A_180 = arith.addi %iota3A, %parallel_loop3A_179 : vector<16xi32>
        %parallel_loop3A_181 = arith.constant 0 : i32
        %parallel_loop3A_182 = arith.constant 0 : i32
        %parallel_loop3A_183 = tpu.memref_slice %arg5[%rem3A_92, %parallel_loop3A_181, %parallel_loop3A_182] : memref<2x64x256xf32, #tpu.memory_space<vmem>> -> memref<1x64x256xf32, #tpu.memory_space<vmem>>
        %parallel_loop3A_184 = tpu.memref_squeeze %parallel_loop3A_183 : memref<1x64x256xf32, #tpu.memory_space<vmem>> -> memref<64x256xf32, #tpu.memory_space<vmem>>
        %parallel_loop3A_185 = tpu.vector_load_idx %parallel_loop3A_184[%parallel_loop3A_180, %parallel_loop3A_141] : memref<64x256xf32, #tpu.memory_space<vmem>>[vector<16xi32>, vector<16xi32>], vector<16xf32>,
        %parallel_loop3A_186 = arith.index_cast %rem3A_92 : i32 to index
        %parallel_loop3A_187 = arith.index_cast %parallel_loop3A_140 : i32 to index
        %parallel_loop3A_188 = arith.constant 48 : index
        %parallel_loop3A_189 = tpu.vector_load %arg6[%parallel_loop3A_186, %parallel_loop3A_187, %parallel_loop3A_188] {strides = array<i32>} : memref<2x256x128xf32, #tpu.memory_space<vmem>>, vector<16xf32>,
        tpu.vector_store %arg6[%parallel_loop3A_186, %parallel_loop3A_187, %parallel_loop3A_188], %parallel_loop3A_185 {strides = array<i32>} : memref<2x256x128xf32, #tpu.memory_space<vmem>>, vector<16xf32>,
      } {sc.loop_unroll_factor = 4 : i64, sc.parallel_access}
      %mul3A_120 = arith.constant 32 : i32
      %mul3A_121 = arith.muli %while3A_90, %mul3A_120 : i32
      %add3A_122 = arith.addi %add3A, %mul3A_121 : i32
      %mul3A_123 = arith.constant 256 : i32
      %mul3A_124 = arith.muli %add3A_122, %mul3A_123 : i32
      %multiple_of3A_125 = tpu.assume_multiple %mul3A_124, 256 : i32
      %dma_start3A_126 = arith.constant 0 : i32
      %dma_start3A_127 = arith.constant 0 : i32
      %dma_start3A_128 = tpu.memref_slice %arg6[%rem3A_92, %dma_start3A_126, %dma_start3A_127] : memref<2x256x128xf32, #tpu.memory_space<vmem>> -> memref<1x256x128xf32, #tpu.memory_space<vmem>>
      %dma_start3A_129 = tpu.memref_squeeze %dma_start3A_128 : memref<1x256x128xf32, #tpu.memory_space<vmem>> -> memref<256x128xf32, #tpu.memory_space<vmem>>
      %dma_start3A_130 = arith.constant 0 : i32
      %dma_start3A_131 = tpu.memref_slice %arg4[%multiple_of3A_125, %dma_start3A_130] : memref<1000000x128xf32, #tpu.memory_space<hbm>> -> memref<256x128xf32, #tpu.memory_space<hbm>>
      %dma_start3A_132 = tpu.memref_slice %arg10[%rem3A_92] : memref<2x!tpu.dma_semaphore, #tpu.memory_space<semaphore_mem>> -> memref<1x!tpu.dma_semaphore, #tpu.memory_space<semaphore_mem>>
      %dma_start3A_133 = tpu.memref_squeeze %dma_start3A_132 : memref<1x!tpu.dma_semaphore, #tpu.memory_space<semaphore_mem>> -> memref<!tpu.dma_semaphore, #tpu.memory_space<semaphore_mem>>
      %dma_start3A_134 = arith.constant 0 : i32
      %dma_start3A_135 = tpu.memref_slice %arg4[%multiple_of3A_125, %dma_start3A_134] : memref<1000000x128xf32, #tpu.memory_space<hbm>> -> memref<256x128xf32, #tpu.memory_space<hbm>>
      %dma_start3A_136 = arith.constant 0 : i32
      %dma_start3A_137 = arith.constant 0 : i32
      %dma_start3A_138 = tpu.memref_slice %arg6[%rem3A_92, %dma_start3A_136, %dma_start3A_137] : memref<2x256x128xf32, #tpu.memory_space<vmem>> -> memref<1x256x128xf32, #tpu.memory_space<vmem>>
      %dma_start3A_139 = tpu.memref_squeeze %dma_start3A_138 : memref<1x256x128xf32, #tpu.memory_space<vmem>> -> memref<256x128xf32, #tpu.memory_space<vmem>>
      tpu.enqueue_dma source(%dma_start3A_139 : memref<256x128xf32, #tpu.memory_space<vmem>>) target(%dma_start3A_135 : memref<256x128xf32, #tpu.memory_space<hbm>>) target_semaphore(%dma_start3A_133 : memref<!tpu.dma_semaphore, #tpu.memory_space<semaphore_mem>>)
    }
    %while3A_52 = arith.constant 1 : i32
    scf.for %while3A_90 = %while3A_50 to %while3A_46 step %while3A_52  : i32 {
      %rem3A_91 = arith.constant 2 : i32
      %rem3A_92 = arith.remsi %while3A_90, %rem3A_91 : i32
      %add3A_93 = arith.constant 1 : i32
      %add3A_94 = arith.addi %while3A_90, %add3A_93 : i32
      %lt3A = arith.cmpi slt, %add3A_94, %select_n3A : i32
      %convert_element_type3A_95 = arith.extui %lt3A : i1 to i32
      %cond3A_96 = arith.constant 0 : i32
      %cond3A_97 = arith.cmpi ne, %convert_element_type3A_95, %cond3A_96 : i32
      scf.if %cond3A_97 {
        %add3A_140 = arith.constant 1 : i32
        %add3A_141 = arith.addi %while3A_90, %add3A_140 : i32
        %sub3A_142 = arith.constant 1 : i32
        %sub3A_143 = arith.subi %sub3A_142, %rem3A_92 : i32
        %mul3A_144 = arith.constant 32 : i32
        %mul3A_145 = arith.muli %add3A_141, %mul3A_144 : i32
        %add3A_146 = arith.addi %add3A, %mul3A_145 : i32
        %mul3A_147 = arith.constant 256 : i32
        %mul3A_148 = arith.muli %add3A_146, %mul3A_147 : i32
        %multiple_of3A_149 = tpu.assume_multiple %mul3A_148, 256 : i32
        %dma_start3A_150 = arith.constant 0 : i32
        %dma_start3A_151 = arith.constant 0 : i32
        %dma_start3A_152 = tpu.memref_slice %arg5[%sub3A_143, %dma_start3A_150, %dma_start3A_151] : memref<2x64x256xf32, #tpu.memory_space<vmem>> -> memref<1x64x256xf32, #tpu.memory_space<vmem>>
        %dma_start3A_153 = tpu.memref_squeeze %dma_start3A_152 : memref<1x64x256xf32, #tpu.memory_space<vmem>> -> memref<64x256xf32, #tpu.memory_space<vmem>>
        %dma_start3A_154 = arith.constant 0 : i32
        %dma_start3A_155 = tpu.memref_slice %arg2[%dma_start3A_154, %multiple_of3A_149] : memref<64x1000000xf32, #tpu.memory_space<hbm>> -> memref<64x256xf32, #tpu.memory_space<hbm>>
        %dma_start3A_156 = tpu.memref_slice %arg9[%sub3A_143] : memref<2x!tpu.dma_semaphore, #tpu.memory_space<semaphore_mem>> -> memref<1x!tpu.dma_semaphore, #tpu.memory_space<semaphore_mem>>
        %dma_start3A_157 = tpu.memref_squeeze %dma_start3A_156 : memref<1x!tpu.dma_semaphore, #tpu.memory_space<semaphore_mem>> -> memref<!tpu.dma_semaphore, #tpu.memory_space<semaphore_mem>>
        %dma_start3A_158 = arith.constant 0 : i32
        %dma_start3A_159 = arith.constant 0 : i32
        %dma_start3A_160 = tpu.memref_slice %arg5[%sub3A_143, %dma_start3A_158, %dma_start3A_159] : memref<2x64x256xf32, #tpu.memory_space<vmem>> -> memref<1x64x256xf32, #tpu.memory_space<vmem>>
        %dma_start3A_161 = tpu.memref_squeeze %dma_start3A_160 : memref<1x64x256xf32, #tpu.memory_space<vmem>> -> memref<64x256xf32, #tpu.memory_space<vmem>>
        %dma_start3A_162 = arith.constant 0 : i32
        %dma_start3A_163 = tpu.memref_slice %arg2[%dma_start3A_162, %multiple_of3A_149] : memref<64x1000000xf32, #tpu.memory_space<hbm>> -> memref<64x256xf32, #tpu.memory_space<hbm>>
        tpu.enqueue_dma source(%dma_start3A_163 : memref<64x256xf32, #tpu.memory_space<hbm>>) target(%dma_start3A_161 : memref<64x256xf32, #tpu.memory_space<vmem>>) target_semaphore(%dma_start3A_157 : memref<!tpu.dma_semaphore, #tpu.memory_space<semaphore_mem>>)
      } else {
      }
      %dma_wait3A_98 = arith.constant 0 : i32
      %dma_wait3A_99 = arith.constant 0 : i32
      %dma_wait3A_100 = tpu.memref_slice %arg5[%rem3A_92, %dma_wait3A_98, %dma_wait3A_99] : memref<2x64x256xf32, #tpu.memory_space<vmem>> -> memref<1x64x256xf32, #tpu.memory_space<vmem>>
      %dma_wait3A_101 = tpu.memref_squeeze %dma_wait3A_100 : memref<1x64x256xf32, #tpu.memory_space<vmem>> -> memref<64x256xf32, #tpu.memory_space<vmem>>
      %dma_wait3A_102 = arith.constant 0 : i32
      %dma_wait3A_103 = arith.constant 0 : i32
      %dma_wait3A_104 = tpu.memref_slice %arg2[%dma_wait3A_102, %dma_wait3A_103] : memref<64x1000000xf32, #tpu.memory_space<hbm>> -> memref<64x256xf32, #tpu.memory_space<hbm>>
      %dma_wait3A_105 = tpu.memref_slice %arg9[%rem3A_92] : memref<2x!tpu.dma_semaphore, #tpu.memory_space<semaphore_mem>> -> memref<1x!tpu.dma_semaphore, #tpu.memory_space<semaphore_mem>>
      %dma_wait3A_106 = tpu.memref_squeeze %dma_wait3A_105 : memref<1x!tpu.dma_semaphore, #tpu.memory_space<semaphore_mem>> -> memref<!tpu.dma_semaphore, #tpu.memory_space<semaphore_mem>>
      %dma_wait3A_107 = arith.constant 0 : i32
      %dma_wait3A_108 = arith.constant 0 : i32
      %dma_wait3A_109 = tpu.memref_slice %arg5[%rem3A_92, %dma_wait3A_107, %dma_wait3A_108] : memref<2x64x256xf32, #tpu.memory_space<vmem>> -> memref<1x64x256xf32, #tpu.memory_space<vmem>>
      %dma_wait3A_110 = tpu.memref_squeeze %dma_wait3A_109 : memref<1x64x256xf32, #tpu.memory_space<vmem>> -> memref<64x256xf32, #tpu.memory_space<vmem>>
      %dma_wait3A_111 = arith.constant 0 : i32
      %dma_wait3A_112 = arith.constant 0 : i32
      %dma_wait3A_113 = tpu.memref_slice %arg2[%dma_wait3A_111, %dma_wait3A_112] : memref<64x1000000xf32, #tpu.memory_space<hbm>> -> memref<64x256xf32, #tpu.memory_space<hbm>>
      tpu.wait_dma2 semaphore(%dma_wait3A_106 : memref<!tpu.dma_semaphore, #tpu.memory_space<semaphore_mem>>) src(%dma_wait3A_113 : memref<64x256xf32, #tpu.memory_space<hbm>>) dst(%dma_wait3A_110 : memref<64x256xf32, #tpu.memory_space<vmem>>)
      %ge3A = arith.constant 2 : i32
      %ge3A_114 = arith.cmpi sge, %while3A_90, %ge3A : i32
      %convert_element_type3A_115 = arith.extui %ge3A_114 : i1 to i32
      %cond3A_116 = arith.constant 0 : i32
      %cond3A_117 = arith.cmpi ne, %convert_element_type3A_115, %cond3A_116 : i32
      scf.if %cond3A_117 {
        %dma_wait3A_140 = arith.constant 0 : i32
        %dma_wait3A_141 = arith.constant 0 : i32
        %dma_wait3A_142 = tpu.memref_slice %arg6[%rem3A_92, %dma_wait3A_140, %dma_wait3A_141] : memref<2x256x128xf32, #tpu.memory_space<vmem>> -> memref<1x256x128xf32, #tpu.memory_space<vmem>>
        %dma_wait3A_143 = tpu.memref_squeeze %dma_wait3A_142 : memref<1x256x128xf32, #tpu.memory_space<vmem>> -> memref<256x128xf32, #tpu.memory_space<vmem>>
        %dma_wait3A_144 = arith.constant 0 : i32
        %dma_wait3A_145 = arith.constant 0 : i32
        %dma_wait3A_146 = tpu.memref_slice %arg4[%dma_wait3A_144, %dma_wait3A_145] : memref<1000000x128xf32, #tpu.memory_space<hbm>> -> memref<256x128xf32, #tpu.memory_space<hbm>>
        %dma_wait3A_147 = tpu.memref_slice %arg10[%rem3A_92] : memref<2x!tpu.dma_semaphore, #tpu.memory_space<semaphore_mem>> -> memref<1x!tpu.dma_semaphore, #tpu.memory_space<semaphore_mem>>
        %dma_wait3A_148 = tpu.memref_squeeze %dma_wait3A_147 : memref<1x!tpu.dma_semaphore, #tpu.memory_space<semaphore_mem>> -> memref<!tpu.dma_semaphore, #tpu.memory_space<semaphore_mem>>
        %dma_wait3A_149 = arith.constant 0 : i32
        %dma_wait3A_150 = arith.constant 0 : i32
        %dma_wait3A_151 = tpu.memref_slice %arg4[%dma_wait3A_149, %dma_wait3A_150] : memref<1000000x128xf32, #tpu.memory_space<hbm>> -> memref<256x128xf32, #tpu.memory_space<hbm>>
        %dma_wait3A_152 = arith.constant 0 : i32
        %dma_wait3A_153 = arith.constant 0 : i32
        %dma_wait3A_154 = tpu.memref_slice %arg6[%rem3A_92, %dma_wait3A_152, %dma_wait3A_153] : memref<2x256x128xf32, #tpu.memory_space<vmem>> -> memref<1x256x128xf32, #tpu.memory_space<vmem>>
        %dma_wait3A_155 = tpu.memref_squeeze %dma_wait3A_154 : memref<1x256x128xf32, #tpu.memory_space<vmem>> -> memref<256x128xf32, #tpu.memory_space<vmem>>
        tpu.wait_dma2 semaphore(%dma_wait3A_148 : memref<!tpu.dma_semaphore, #tpu.memory_space<semaphore_mem>>) src(%dma_wait3A_155 : memref<256x128xf32, #tpu.memory_space<vmem>>) dst(%dma_wait3A_151 : memref<256x128xf32, #tpu.memory_space<hbm>>)
      } else {
      }
      %parallel_loop3A = arith.constant 0 : i32
      %parallel_loop3A_118 = arith.constant 256 : i32
      %parallel_loop3A_119 = arith.constant 1 : i32
      scf.for %parallel_loop3A_140 = %parallel_loop3A to %parallel_loop3A_118 step %parallel_loop3A_119  : i32 {
        %parallel_loop3A_141 = vector.broadcast %parallel_loop3A_140 : i32 to vector<16xi32>
        %parallel_loop3A_142 = arith.constant 0 : i32
        %parallel_loop3A_143 = vector.broadcast %parallel_loop3A_142 : i32 to vector<16xi32>
        %parallel_loop3A_144 = arith.addi %iota3A, %parallel_loop3A_143 : vector<16xi32>
        %parallel_loop3A_145 = arith.constant 0 : i32
        %parallel_loop3A_146 = arith.constant 0 : i32
        %parallel_loop3A_147 = tpu.memref_slice %arg5[%rem3A_92, %parallel_loop3A_145, %parallel_loop3A_146] : memref<2x64x256xf32, #tpu.memory_space<vmem>> -> memref<1x64x256xf32, #tpu.memory_space<vmem>>
        %parallel_loop3A_148 = tpu.memref_squeeze %parallel_loop3A_147 : memref<1x64x256xf32, #tpu.memory_space<vmem>> -> memref<64x256xf32, #tpu.memory_space<vmem>>
        %parallel_loop3A_149 = tpu.vector_load_idx %parallel_loop3A_148[%parallel_loop3A_144, %parallel_loop3A_141] : memref<64x256xf32, #tpu.memory_space<vmem>>[vector<16xi32>, vector<16xi32>], vector<16xf32>,
        %parallel_loop3A_150 = arith.index_cast %rem3A_92 : i32 to index
        %parallel_loop3A_151 = arith.index_cast %parallel_loop3A_140 : i32 to index
        %parallel_loop3A_152 = arith.constant 0 : index
        %parallel_loop3A_153 = tpu.vector_load %arg6[%parallel_loop3A_150, %parallel_loop3A_151, %parallel_loop3A_152] {strides = array<i32>} : memref<2x256x128xf32, #tpu.memory_space<vmem>>, vector<16xf32>,
        tpu.vector_store %arg6[%parallel_loop3A_150, %parallel_loop3A_151, %parallel_loop3A_152], %parallel_loop3A_149 {strides = array<i32>} : memref<2x256x128xf32, #tpu.memory_space<vmem>>, vector<16xf32>,
        %parallel_loop3A_154 = arith.constant 16 : i32
        %parallel_loop3A_155 = vector.broadcast %parallel_loop3A_154 : i32 to vector<16xi32>
        %parallel_loop3A_156 = arith.addi %iota3A, %parallel_loop3A_155 : vector<16xi32>
        %parallel_loop3A_157 = arith.constant 0 : i32
        %parallel_loop3A_158 = arith.constant 0 : i32
        %parallel_loop3A_159 = tpu.memref_slice %arg5[%rem3A_92, %parallel_loop3A_157, %parallel_loop3A_158] : memref<2x64x256xf32, #tpu.memory_space<vmem>> -> memref<1x64x256xf32, #tpu.memory_space<vmem>>
        %parallel_loop3A_160 = tpu.memref_squeeze %parallel_loop3A_159 : memref<1x64x256xf32, #tpu.memory_space<vmem>> -> memref<64x256xf32, #tpu.memory_space<vmem>>
        %parallel_loop3A_161 = tpu.vector_load_idx %parallel_loop3A_160[%parallel_loop3A_156, %parallel_loop3A_141] : memref<64x256xf32, #tpu.memory_space<vmem>>[vector<16xi32>, vector<16xi32>], vector<16xf32>,
        %parallel_loop3A_162 = arith.index_cast %rem3A_92 : i32 to index
        %parallel_loop3A_163 = arith.index_cast %parallel_loop3A_140 : i32 to index
        %parallel_loop3A_164 = arith.constant 16 : index
        %parallel_loop3A_165 = tpu.vector_load %arg6[%parallel_loop3A_162, %parallel_loop3A_163, %parallel_loop3A_164] {strides = array<i32>} : memref<2x256x128xf32, #tpu.memory_space<vmem>>, vector<16xf32>,
        tpu.vector_store %arg6[%parallel_loop3A_162, %parallel_loop3A_163, %parallel_loop3A_164], %parallel_loop3A_161 {strides = array<i32>} : memref<2x256x128xf32, #tpu.memory_space<vmem>>, vector<16xf32>,
        %parallel_loop3A_166 = arith.constant 32 : i32
        %parallel_loop3A_167 = vector.broadcast %parallel_loop3A_166 : i32 to vector<16xi32>
        %parallel_loop3A_168 = arith.addi %iota3A, %parallel_loop3A_167 : vector<16xi32>
        %parallel_loop3A_169 = arith.constant 0 : i32
        %parallel_loop3A_170 = arith.constant 0 : i32
        %parallel_loop3A_171 = tpu.memref_slice %arg5[%rem3A_92, %parallel_loop3A_169, %parallel_loop3A_170] : memref<2x64x256xf32, #tpu.memory_space<vmem>> -> memref<1x64x256xf32, #tpu.memory_space<vmem>>
        %parallel_loop3A_172 = tpu.memref_squeeze %parallel_loop3A_171 : memref<1x64x256xf32, #tpu.memory_space<vmem>> -> memref<64x256xf32, #tpu.memory_space<vmem>>
        %parallel_loop3A_173 = tpu.vector_load_idx %parallel_loop3A_172[%parallel_loop3A_168, %parallel_loop3A_141] : memref<64x256xf32, #tpu.memory_space<vmem>>[vector<16xi32>, vector<16xi32>], vector<16xf32>,
        %parallel_loop3A_174 = arith.index_cast %rem3A_92 : i32 to index
        %parallel_loop3A_175 = arith.index_cast %parallel_loop3A_140 : i32 to index
        %parallel_loop3A_176 = arith.constant 32 : index
        %parallel_loop3A_177 = tpu.vector_load %arg6[%parallel_loop3A_174, %parallel_loop3A_175, %parallel_loop3A_176] {strides = array<i32>} : memref<2x256x128xf32, #tpu.memory_space<vmem>>, vector<16xf32>,
        tpu.vector_store %arg6[%parallel_loop3A_174, %parallel_loop3A_175, %parallel_loop3A_176], %parallel_loop3A_173 {strides = array<i32>} : memref<2x256x128xf32, #tpu.memory_space<vmem>>, vector<16xf32>,
        %parallel_loop3A_178 = arith.constant 48 : i32
        %parallel_loop3A_179 = vector.broadcast %parallel_loop3A_178 : i32 to vector<16xi32>
        %parallel_loop3A_180 = arith.addi %iota3A, %parallel_loop3A_179 : vector<16xi32>
        %parallel_loop3A_181 = arith.constant 0 : i32
        %parallel_loop3A_182 = arith.constant 0 : i32
        %parallel_loop3A_183 = tpu.memref_slice %arg5[%rem3A_92, %parallel_loop3A_181, %parallel_loop3A_182] : memref<2x64x256xf32, #tpu.memory_space<vmem>> -> memref<1x64x256xf32, #tpu.memory_space<vmem>>
        %parallel_loop3A_184 = tpu.memref_squeeze %parallel_loop3A_183 : memref<1x64x256xf32, #tpu.memory_space<vmem>> -> memref<64x256xf32, #tpu.memory_space<vmem>>
        %parallel_loop3A_185 = tpu.vector_load_idx %parallel_loop3A_184[%parallel_loop3A_180, %parallel_loop3A_141] : memref<64x256xf32, #tpu.memory_space<vmem>>[vector<16xi32>, vector<16xi32>], vector<16xf32>,
        %parallel_loop3A_186 = arith.index_cast %rem3A_92 : i32 to index
        %parallel_loop3A_187 = arith.index_cast %parallel_loop3A_140 : i32 to index
        %parallel_loop3A_188 = arith.constant 48 : index
        %parallel_loop3A_189 = tpu.vector_load %arg6[%parallel_loop3A_186, %parallel_loop3A_187, %parallel_loop3A_188] {strides = array<i32>} : memref<2x256x128xf32, #tpu.memory_space<vmem>>, vector<16xf32>,
        tpu.vector_store %arg6[%parallel_loop3A_186, %parallel_loop3A_187, %parallel_loop3A_188], %parallel_loop3A_185 {strides = array<i32>} : memref<2x256x128xf32, #tpu.memory_space<vmem>>, vector<16xf32>,
      } {sc.loop_unroll_factor = 4 : i64, sc.parallel_access}
      %mul3A_120 = arith.constant 32 : i32
      %mul3A_121 = arith.muli %while3A_90, %mul3A_120 : i32
      %add3A_122 = arith.addi %add3A, %mul3A_121 : i32
      %mul3A_123 = arith.constant 256 : i32
      %mul3A_124 = arith.muli %add3A_122, %mul3A_123 : i32
      %multiple_of3A_125 = tpu.assume_multiple %mul3A_124, 256 : i32
      %dma_start3A_126 = arith.constant 0 : i32
      %dma_start3A_127 = arith.constant 0 : i32
      %dma_start3A_128 = tpu.memref_slice %arg6[%rem3A_92, %dma_start3A_126, %dma_start3A_127] : memref<2x256x128xf32, #tpu.memory_space<vmem>> -> memref<1x256x128xf32, #tpu.memory_space<vmem>>
      %dma_start3A_129 = tpu.memref_squeeze %dma_start3A_128 : memref<1x256x128xf32, #tpu.memory_space<vmem>> -> memref<256x128xf32, #tpu.memory_space<vmem>>
      %dma_start3A_130 = arith.constant 0 : i32
      %dma_start3A_131 = tpu.memref_slice %arg4[%multiple_of3A_125, %dma_start3A_130] : memref<1000000x128xf32, #tpu.memory_space<hbm>> -> memref<256x128xf32, #tpu.memory_space<hbm>>
      %dma_start3A_132 = tpu.memref_slice %arg10[%rem3A_92] : memref<2x!tpu.dma_semaphore, #tpu.memory_space<semaphore_mem>> -> memref<1x!tpu.dma_semaphore, #tpu.memory_space<semaphore_mem>>
      %dma_start3A_133 = tpu.memref_squeeze %dma_start3A_132 : memref<1x!tpu.dma_semaphore, #tpu.memory_space<semaphore_mem>> -> memref<!tpu.dma_semaphore, #tpu.memory_space<semaphore_mem>>
      %dma_start3A_134 = arith.constant 0 : i32
      %dma_start3A_135 = tpu.memref_slice %arg4[%multiple_of3A_125, %dma_start3A_134] : memref<1000000x128xf32, #tpu.memory_space<hbm>> -> memref<256x128xf32, #tpu.memory_space<hbm>>
      %dma_start3A_136 = arith.constant 0 : i32
      %dma_start3A_137 = arith.constant 0 : i32
      %dma_start3A_138 = tpu.memref_slice %arg6[%rem3A_92, %dma_start3A_136, %dma_start3A_137] : memref<2x256x128xf32, #tpu.memory_space<vmem>> -> memref<1x256x128xf32, #tpu.memory_space<vmem>>
      %dma_start3A_139 = tpu.memref_squeeze %dma_start3A_138 : memref<1x256x128xf32, #tpu.memory_space<vmem>> -> memref<256x128xf32, #tpu.memory_space<vmem>>
      tpu.enqueue_dma source(%dma_start3A_139 : memref<256x128xf32, #tpu.memory_space<vmem>>) target(%dma_start3A_135 : memref<256x128xf32, #tpu.memory_space<hbm>>) target_semaphore(%dma_start3A_133 : memref<!tpu.dma_semaphore, #tpu.memory_space<semaphore_mem>>)
    }
    %sub3A_53 = arith.constant 1 : i32
    %sub3A_54 = arith.subi %select_n3A, %sub3A_53 : i32
    %rem3A_55 = arith.constant 2 : i32
    %rem3A_56 = arith.remsi %sub3A_54, %rem3A_55 : i32
    %dma_wait3A = arith.constant 0 : i32
    %dma_wait3A_57 = arith.constant 0 : i32
    %dma_wait3A_58 = tpu.memref_slice %arg6[%rem3A_56, %dma_wait3A, %dma_wait3A_57] : memref<2x256x128xf32, #tpu.memory_space<vmem>> -> memref<1x256x128xf32, #tpu.memory_space<vmem>>
    %dma_wait3A_59 = tpu.memref_squeeze %dma_wait3A_58 : memref<1x256x128xf32, #tpu.memory_space<vmem>> -> memref<256x128xf32, #tpu.memory_space<vmem>>
    %dma_wait3A_60 = arith.constant 0 : i32
    %dma_wait3A_61 = arith.constant 0 : i32
    %dma_wait3A_62 = tpu.memref_slice %arg4[%dma_wait3A_60, %dma_wait3A_61] : memref<1000000x128xf32, #tpu.memory_space<hbm>> -> memref<256x128xf32, #tpu.memory_space<hbm>>
    %dma_wait3A_63 = tpu.memref_slice %arg10[%rem3A_56] : memref<2x!tpu.dma_semaphore, #tpu.memory_space<semaphore_mem>> -> memref<1x!tpu.dma_semaphore, #tpu.memory_space<semaphore_mem>>
    %dma_wait3A_64 = tpu.memref_squeeze %dma_wait3A_63 : memref<1x!tpu.dma_semaphore, #tpu.memory_space<semaphore_mem>> -> memref<!tpu.dma_semaphore, #tpu.memory_space<semaphore_mem>>
    %dma_wait3A_65 = arith.constant 0 : i32
    %dma_wait3A_66 = arith.constant 0 : i32
    %dma_wait3A_67 = tpu.memref_slice %arg4[%dma_wait3A_65, %dma_wait3A_66] : memref<1000000x128xf32, #tpu.memory_space<hbm>> -> memref<256x128xf32, #tpu.memory_space<hbm>>
    %dma_wait3A_68 = arith.constant 0 : i32
    %dma_wait3A_69 = arith.constant 0 : i32
    %dma_wait3A_70 = tpu.memref_slice %arg6[%rem3A_56, %dma_wait3A_68, %dma_wait3A_69] : memref<2x256x128xf32, #tpu.memory_space<vmem>> -> memref<1x256x128xf32, #tpu.memory_space<vmem>>
    %dma_wait3A_71 = tpu.memref_squeeze %dma_wait3A_70 : memref<1x256x128xf32, #tpu.memory_space<vmem>> -> memref<256x128xf32, #tpu.memory_space<vmem>>
    tpu.wait_dma2 semaphore(%dma_wait3A_64 : memref<!tpu.dma_semaphore, #tpu.memory_space<semaphore_mem>>) src(%dma_wait3A_71 : memref<256x128xf32, #tpu.memory_space<vmem>>) dst(%dma_wait3A_67 : memref<256x128xf32, #tpu.memory_space<hbm>>)
    %rem3A_72 = arith.constant 2 : i32
    %rem3A_73 = arith.remsi %select_n3A, %rem3A_72 : i32
    %dma_wait3A_74 = arith.constant 0 : i32
    %dma_wait3A_75 = arith.constant 0 : i32
    %dma_wait3A_76 = tpu.memref_slice %arg6[%rem3A_73, %dma_wait3A_74, %dma_wait3A_75] : memref<2x256x128xf32, #tpu.memory_space<vmem>> -> memref<1x256x128xf32, #tpu.memory_space<vmem>>
    %dma_wait3A_77 = tpu.memref_squeeze %dma_wait3A_76 : memref<1x256x128xf32, #tpu.memory_space<vmem>> -> memref<256x128xf32, #tpu.memory_space<vmem>>
    %dma_wait3A_78 = arith.constant 0 : i32
    %dma_wait3A_79 = arith.constant 0 : i32
    %dma_wait3A_80 = tpu.memref_slice %arg4[%dma_wait3A_78, %dma_wait3A_79] : memref<1000000x128xf32, #tpu.memory_space<hbm>> -> memref<256x128xf32, #tpu.memory_space<hbm>>
    %dma_wait3A_81 = tpu.memref_slice %arg10[%rem3A_73] : memref<2x!tpu.dma_semaphore, #tpu.memory_space<semaphore_mem>> -> memref<1x!tpu.dma_semaphore, #tpu.memory_space<semaphore_mem>>
    %dma_wait3A_82 = tpu.memref_squeeze %dma_wait3A_81 : memref<1x!tpu.dma_semaphore, #tpu.memory_space<semaphore_mem>> -> memref<!tpu.dma_semaphore, #tpu.memory_space<semaphore_mem>>
    %dma_wait3A_83 = arith.constant 0 : i32
    %dma_wait3A_84 = arith.constant 0 : i32
    %dma_wait3A_85 = tpu.memref_slice %arg4[%dma_wait3A_83, %dma_wait3A_84] : memref<1000000x128xf32, #tpu.memory_space<hbm>> -> memref<256x128xf32, #tpu.memory_space<hbm>>
    %dma_wait3A_86 = arith.constant 0 : i32
    %dma_wait3A_87 = arith.constant 0 : i32
    %dma_wait3A_88 = tpu.memref_slice %arg6[%rem3A_73, %dma_wait3A_86, %dma_wait3A_87] : memref<2x256x128xf32, #tpu.memory_space<vmem>> -> memref<1x256x128xf32, #tpu.memory_space<vmem>>
    %dma_wait3A_89 = tpu.memref_squeeze %dma_wait3A_88 : memref<1x256x128xf32, #tpu.memory_space<vmem>> -> memref<256x128xf32, #tpu.memory_space<vmem>>
    tpu.wait_dma2 semaphore(%dma_wait3A_82 : memref<!tpu.dma_semaphore, #tpu.memory_space<semaphore_mem>>) src(%dma_wait3A_89 : memref<256x128xf32, #tpu.memory_space<vmem>>) dst(%dma_wait3A_85 : memref<256x128xf32, #tpu.memory_space<hbm>>)
    return
  }
}

#map = affine_map<(d0, d1) -> (0, 0)>
#map1 = affine_map<(d0, d1) -> (0, 0, 0)>
module attributes {stable_mosaic.version = 14 : i64} {
  func.func @k2(%arg0: i32, %arg1: i32, %arg2: memref<200x4096xi32, #tpu.memory_space<hbm>>, %arg3: memref<200x4096xf32, #tpu.memory_space<hbm>>, %arg4: memref<1000000x128xf32, #tpu.memory_space<hbm>>, %arg5: memref<64x200x4096xf32, #tpu.memory_space<hbm>>, %arg6: memref<2x8x128xi32, #tpu.memory_space<vmem>>, %arg7: memref<2x8x128xf32, #tpu.memory_space<vmem>>, %arg8: memref<128xi32, #tpu.memory_space<vmem>>, %arg9: memref<128xi32, #tpu.memory_space<vmem>>, %arg10: memref<3x128x128xf32, #tpu.memory_space<vmem>>, %arg11: memref<64x8x128xf32, #tpu.memory_space<vmem>>, %arg12: memref<2x!tpu.dma_semaphore, #tpu.memory_space<semaphore_mem>>, %arg13: memref<3x!tpu.dma_semaphore, #tpu.memory_space<semaphore_mem>>, %arg14: memref<!tpu.dma_semaphore, #tpu.memory_space<semaphore_mem>>) attributes {dimension_semantics = [#tpu.dimension_semantics<core_parallel>, #tpu.dimension_semantics<subcore_parallel>], iteration_bounds = array<i64: 2, 16>, scalar_prefetch = 0 : i64, scratch_operands = 9 : i64, tpu.core_type = #tpu.core_type<sc_vector_subcore>, window_params = [{transform_indices = #map}, {transform_indices = #map}, {transform_indices = #map}, {transform_indices = #map1}]} {
    %mul3A = arith.constant 2 : i32
    %mul3A_0 = arith.muli %arg1, %mul3A : i32
    %add3A = arith.addi %mul3A_0, %arg0 : i32
    %mul3A_1 = arith.constant 128 : i32
    %mul3A_2 = arith.muli %add3A, %mul3A_1 : i32
    %multiple_of3A = tpu.assume_multiple %mul3A_2, 128 : i32
    %iota3A = tpu.iota {dimensions = array<i32: 0>} : vector<16xi32>
    %multiple_of3A_3 = arith.constant 0 : i32
    %multiple_of3A_4 = tpu.assume_multiple %multiple_of3A_3, 8 : i32
    %dma_start3A = arith.constant 0 : i32
    %dma_start3A_5 = arith.constant 0 : i32
    %dma_start3A_6 = arith.constant 0 : i32
    %dma_start3A_7 = arith.constant 0 : i32
    %dma_start3A_8 = tpu.memref_slice %arg6[%dma_start3A, %dma_start3A_6, %dma_start3A_7] : memref<2x8x128xi32, #tpu.memory_space<vmem>> -> memref<1x8x128xi32, #tpu.memory_space<vmem>>
    %dma_start3A_9 = tpu.memref_squeeze %dma_start3A_8 : memref<1x8x128xi32, #tpu.memory_space<vmem>> -> memref<8x128xi32, #tpu.memory_space<vmem>>
    %dma_start3A_10 = tpu.memref_slice %arg2[%multiple_of3A_4, %multiple_of3A] : memref<200x4096xi32, #tpu.memory_space<hbm>> -> memref<8x128xi32, #tpu.memory_space<hbm>>
    %dma_start3A_11 = tpu.memref_slice %arg12[%dma_start3A_5] : memref<2x!tpu.dma_semaphore, #tpu.memory_space<semaphore_mem>> -> memref<1x!tpu.dma_semaphore, #tpu.memory_space<semaphore_mem>>
    %dma_start3A_12 = tpu.memref_squeeze %dma_start3A_11 : memref<1x!tpu.dma_semaphore, #tpu.memory_space<semaphore_mem>> -> memref<!tpu.dma_semaphore, #tpu.memory_space<semaphore_mem>>
    %dma_start3A_13 = arith.constant 0 : i32
    %dma_start3A_14 = arith.constant 0 : i32
    %dma_start3A_15 = tpu.memref_slice %arg6[%dma_start3A, %dma_start3A_13, %dma_start3A_14] : memref<2x8x128xi32, #tpu.memory_space<vmem>> -> memref<1x8x128xi32, #tpu.memory_space<vmem>>
    %dma_start3A_16 = tpu.memref_squeeze %dma_start3A_15 : memref<1x8x128xi32, #tpu.memory_space<vmem>> -> memref<8x128xi32, #tpu.memory_space<vmem>>
    %dma_start3A_17 = tpu.memref_slice %arg2[%multiple_of3A_4, %multiple_of3A] : memref<200x4096xi32, #tpu.memory_space<hbm>> -> memref<8x128xi32, #tpu.memory_space<hbm>>
    tpu.enqueue_dma source(%dma_start3A_17 : memref<8x128xi32, #tpu.memory_space<hbm>>) target(%dma_start3A_16 : memref<8x128xi32, #tpu.memory_space<vmem>>) target_semaphore(%dma_start3A_12 : memref<!tpu.dma_semaphore, #tpu.memory_space<semaphore_mem>>)
    %multiple_of3A_18 = arith.constant 0 : i32
    %multiple_of3A_19 = tpu.assume_multiple %multiple_of3A_18, 8 : i32
    %dma_start3A_20 = arith.constant 0 : i32
    %dma_start3A_21 = arith.constant 0 : i32
    %dma_start3A_22 = arith.constant 0 : i32
    %dma_start3A_23 = arith.constant 0 : i32
    %dma_start3A_24 = tpu.memref_slice %arg7[%dma_start3A_20, %dma_start3A_22, %dma_start3A_23] : memref<2x8x128xf32, #tpu.memory_space<vmem>> -> memref<1x8x128xf32, #tpu.memory_space<vmem>>
    %dma_start3A_25 = tpu.memref_squeeze %dma_start3A_24 : memref<1x8x128xf32, #tpu.memory_space<vmem>> -> memref<8x128xf32, #tpu.memory_space<vmem>>
    %dma_start3A_26 = tpu.memref_slice %arg3[%multiple_of3A_19, %multiple_of3A] : memref<200x4096xf32, #tpu.memory_space<hbm>> -> memref<8x128xf32, #tpu.memory_space<hbm>>
    %dma_start3A_27 = tpu.memref_slice %arg12[%dma_start3A_21] : memref<2x!tpu.dma_semaphore, #tpu.memory_space<semaphore_mem>> -> memref<1x!tpu.dma_semaphore, #tpu.memory_space<semaphore_mem>>
    %dma_start3A_28 = tpu.memref_squeeze %dma_start3A_27 : memref<1x!tpu.dma_semaphore, #tpu.memory_space<semaphore_mem>> -> memref<!tpu.dma_semaphore, #tpu.memory_space<semaphore_mem>>
    %dma_start3A_29 = arith.constant 0 : i32
    %dma_start3A_30 = arith.constant 0 : i32
    %dma_start3A_31 = tpu.memref_slice %arg7[%dma_start3A_20, %dma_start3A_29, %dma_start3A_30] : memref<2x8x128xf32, #tpu.memory_space<vmem>> -> memref<1x8x128xf32, #tpu.memory_space<vmem>>
    %dma_start3A_32 = tpu.memref_squeeze %dma_start3A_31 : memref<1x8x128xf32, #tpu.memory_space<vmem>> -> memref<8x128xf32, #tpu.memory_space<vmem>>
    %dma_start3A_33 = tpu.memref_slice %arg3[%multiple_of3A_19, %multiple_of3A] : memref<200x4096xf32, #tpu.memory_space<hbm>> -> memref<8x128xf32, #tpu.memory_space<hbm>>
    tpu.enqueue_dma source(%dma_start3A_33 : memref<8x128xf32, #tpu.memory_space<hbm>>) target(%dma_start3A_32 : memref<8x128xf32, #tpu.memory_space<vmem>>) target_semaphore(%dma_start3A_28 : memref<!tpu.dma_semaphore, #tpu.memory_space<semaphore_mem>>)
    %multiple_of3A_34 = arith.constant 8 : i32
    %multiple_of3A_35 = tpu.assume_multiple %multiple_of3A_34, 8 : i32
    %dma_start3A_36 = arith.constant 1 : i32
    %dma_start3A_37 = arith.constant 1 : i32
    %dma_start3A_38 = arith.constant 0 : i32
    %dma_start3A_39 = arith.constant 0 : i32
    %dma_start3A_40 = tpu.memref_slice %arg6[%dma_start3A_36, %dma_start3A_38, %dma_start3A_39] : memref<2x8x128xi32, #tpu.memory_space<vmem>> -> memref<1x8x128xi32, #tpu.memory_space<vmem>>
    %dma_start3A_41 = tpu.memref_squeeze %dma_start3A_40 : memref<1x8x128xi32, #tpu.memory_space<vmem>> -> memref<8x128xi32, #tpu.memory_space<vmem>>
    %dma_start3A_42 = tpu.memref_slice %arg2[%multiple_of3A_35, %multiple_of3A] : memref<200x4096xi32, #tpu.memory_space<hbm>> -> memref<8x128xi32, #tpu.memory_space<hbm>>
    %dma_start3A_43 = tpu.memref_slice %arg12[%dma_start3A_37] : memref<2x!tpu.dma_semaphore, #tpu.memory_space<semaphore_mem>> -> memref<1x!tpu.dma_semaphore, #tpu.memory_space<semaphore_mem>>
    %dma_start3A_44 = tpu.memref_squeeze %dma_start3A_43 : memref<1x!tpu.dma_semaphore, #tpu.memory_space<semaphore_mem>> -> memref<!tpu.dma_semaphore, #tpu.memory_space<semaphore_mem>>
    %dma_start3A_45 = arith.constant 0 : i32
    %dma_start3A_46 = arith.constant 0 : i32
    %dma_start3A_47 = tpu.memref_slice %arg6[%dma_start3A_36, %dma_start3A_45, %dma_start3A_46] : memref<2x8x128xi32, #tpu.memory_space<vmem>> -> memref<1x8x128xi32, #tpu.memory_space<vmem>>
    %dma_start3A_48 = tpu.memref_squeeze %dma_start3A_47 : memref<1x8x128xi32, #tpu.memory_space<vmem>> -> memref<8x128xi32, #tpu.memory_space<vmem>>
    %dma_start3A_49 = tpu.memref_slice %arg2[%multiple_of3A_35, %multiple_of3A] : memref<200x4096xi32, #tpu.memory_space<hbm>> -> memref<8x128xi32, #tpu.memory_space<hbm>>
    tpu.enqueue_dma source(%dma_start3A_49 : memref<8x128xi32, #tpu.memory_space<hbm>>) target(%dma_start3A_48 : memref<8x128xi32, #tpu.memory_space<vmem>>) target_semaphore(%dma_start3A_44 : memref<!tpu.dma_semaphore, #tpu.memory_space<semaphore_mem>>)
    %multiple_of3A_50 = arith.constant 8 : i32
    %multiple_of3A_51 = tpu.assume_multiple %multiple_of3A_50, 8 : i32
    %dma_start3A_52 = arith.constant 1 : i32
    %dma_start3A_53 = arith.constant 1 : i32
    %dma_start3A_54 = arith.constant 0 : i32
    %dma_start3A_55 = arith.constant 0 : i32
    %dma_start3A_56 = tpu.memref_slice %arg7[%dma_start3A_52, %dma_start3A_54, %dma_start3A_55] : memref<2x8x128xf32, #tpu.memory_space<vmem>> -> memref<1x8x128xf32, #tpu.memory_space<vmem>>
    %dma_start3A_57 = tpu.memref_squeeze %dma_start3A_56 : memref<1x8x128xf32, #tpu.memory_space<vmem>> -> memref<8x128xf32, #tpu.memory_space<vmem>>
    %dma_start3A_58 = tpu.memref_slice %arg3[%multiple_of3A_51, %multiple_of3A] : memref<200x4096xf32, #tpu.memory_space<hbm>> -> memref<8x128xf32, #tpu.memory_space<hbm>>
    %dma_start3A_59 = tpu.memref_slice %arg12[%dma_start3A_53] : memref<2x!tpu.dma_semaphore, #tpu.memory_space<semaphore_mem>> -> memref<1x!tpu.dma_semaphore, #tpu.memory_space<semaphore_mem>>
    %dma_start3A_60 = tpu.memref_squeeze %dma_start3A_59 : memref<1x!tpu.dma_semaphore, #tpu.memory_space<semaphore_mem>> -> memref<!tpu.dma_semaphore, #tpu.memory_space<semaphore_mem>>
    %dma_start3A_61 = arith.constant 0 : i32
    %dma_start3A_62 = arith.constant 0 : i32
    %dma_start3A_63 = tpu.memref_slice %arg7[%dma_start3A_52, %dma_start3A_61, %dma_start3A_62] : memref<2x8x128xf32, #tpu.memory_space<vmem>> -> memref<1x8x128xf32, #tpu.memory_space<vmem>>
    %dma_start3A_64 = tpu.memref_squeeze %dma_start3A_63 : memref<1x8x128xf32, #tpu.memory_space<vmem>> -> memref<8x128xf32, #tpu.memory_space<vmem>>
    %dma_start3A_65 = tpu.memref_slice %arg3[%multiple_of3A_51, %multiple_of3A] : memref<200x4096xf32, #tpu.memory_space<hbm>> -> memref<8x128xf32, #tpu.memory_space<hbm>>
    tpu.enqueue_dma source(%dma_start3A_65 : memref<8x128xf32, #tpu.memory_space<hbm>>) target(%dma_start3A_64 : memref<8x128xf32, #tpu.memory_space<vmem>>) target_semaphore(%dma_start3A_60 : memref<!tpu.dma_semaphore, #tpu.memory_space<semaphore_mem>>)
    %dma_wait3A = arith.constant 0 : i32
    %dma_wait3A_66 = arith.constant 0 : i32
    %dma_wait3A_67 = arith.constant 0 : i32
    %dma_wait3A_68 = arith.constant 0 : i32
    %dma_wait3A_69 = tpu.memref_slice %arg6[%dma_wait3A, %dma_wait3A_67, %dma_wait3A_68] : memref<2x8x128xi32, #tpu.memory_space<vmem>> -> memref<1x8x128xi32, #tpu.memory_space<vmem>>
    %dma_wait3A_70 = tpu.memref_squeeze %dma_wait3A_69 : memref<1x8x128xi32, #tpu.memory_space<vmem>> -> memref<8x128xi32, #tpu.memory_space<vmem>>
    %dma_wait3A_71 = arith.constant 0 : i32
    %dma_wait3A_72 = arith.constant 0 : i32
    %dma_wait3A_73 = tpu.memref_slice %arg2[%dma_wait3A_71, %dma_wait3A_72] : memref<200x4096xi32, #tpu.memory_space<hbm>> -> memref<8x128xi32, #tpu.memory_space<hbm>>
    %dma_wait3A_74 = tpu.memref_slice %arg12[%dma_wait3A_66] : memref<2x!tpu.dma_semaphore, #tpu.memory_space<semaphore_mem>> -> memref<1x!tpu.dma_semaphore, #tpu.memory_space<semaphore_mem>>
    %dma_wait3A_75 = tpu.memref_squeeze %dma_wait3A_74 : memref<1x!tpu.dma_semaphore, #tpu.memory_space<semaphore_mem>> -> memref<!tpu.dma_semaphore, #tpu.memory_space<semaphore_mem>>
    %dma_wait3A_76 = arith.constant 0 : i32
    %dma_wait3A_77 = arith.constant 0 : i32
    %dma_wait3A_78 = tpu.memref_slice %arg6[%dma_wait3A, %dma_wait3A_76, %dma_wait3A_77] : memref<2x8x128xi32, #tpu.memory_space<vmem>> -> memref<1x8x128xi32, #tpu.memory_space<vmem>>
    %dma_wait3A_79 = tpu.memref_squeeze %dma_wait3A_78 : memref<1x8x128xi32, #tpu.memory_space<vmem>> -> memref<8x128xi32, #tpu.memory_space<vmem>>
    %dma_wait3A_80 = arith.constant 0 : i32
    %dma_wait3A_81 = arith.constant 0 : i32
    %dma_wait3A_82 = tpu.memref_slice %arg2[%dma_wait3A_80, %dma_wait3A_81] : memref<200x4096xi32, #tpu.memory_space<hbm>> -> memref<8x128xi32, #tpu.memory_space<hbm>>
    tpu.wait_dma2 semaphore(%dma_wait3A_75 : memref<!tpu.dma_semaphore, #tpu.memory_space<semaphore_mem>>) src(%dma_wait3A_82 : memref<8x128xi32, #tpu.memory_space<hbm>>) dst(%dma_wait3A_79 : memref<8x128xi32, #tpu.memory_space<vmem>>)
    %dma_wait3A_83 = arith.constant 0 : i32
    %dma_wait3A_84 = arith.constant 0 : i32
    %dma_wait3A_85 = arith.constant 0 : i32
    %dma_wait3A_86 = arith.constant 0 : i32
    %dma_wait3A_87 = tpu.memref_slice %arg7[%dma_wait3A_83, %dma_wait3A_85, %dma_wait3A_86] : memref<2x8x128xf32, #tpu.memory_space<vmem>> -> memref<1x8x128xf32, #tpu.memory_space<vmem>>
    %dma_wait3A_88 = tpu.memref_squeeze %dma_wait3A_87 : memref<1x8x128xf32, #tpu.memory_space<vmem>> -> memref<8x128xf32, #tpu.memory_space<vmem>>
    %dma_wait3A_89 = arith.constant 0 : i32
    %dma_wait3A_90 = arith.constant 0 : i32
    %dma_wait3A_91 = tpu.memref_slice %arg3[%dma_wait3A_89, %dma_wait3A_90] : memref<200x4096xf32, #tpu.memory_space<hbm>> -> memref<8x128xf32, #tpu.memory_space<hbm>>
    %dma_wait3A_92 = tpu.memref_slice %arg12[%dma_wait3A_84] : memref<2x!tpu.dma_semaphore, #tpu.memory_space<semaphore_mem>> -> memref<1x!tpu.dma_semaphore, #tpu.memory_space<semaphore_mem>>
    %dma_wait3A_93 = tpu.memref_squeeze %dma_wait3A_92 : memref<1x!tpu.dma_semaphore, #tpu.memory_space<semaphore_mem>> -> memref<!tpu.dma_semaphore, #tpu.memory_space<semaphore_mem>>
    %dma_wait3A_94 = arith.constant 0 : i32
    %dma_wait3A_95 = arith.constant 0 : i32
    %dma_wait3A_96 = tpu.memref_slice %arg7[%dma_wait3A_83, %dma_wait3A_94, %dma_wait3A_95] : memref<2x8x128xf32, #tpu.memory_space<vmem>> -> memref<1x8x128xf32, #tpu.memory_space<vmem>>
    %dma_wait3A_97 = tpu.memref_squeeze %dma_wait3A_96 : memref<1x8x128xf32, #tpu.memory_space<vmem>> -> memref<8x128xf32, #tpu.memory_space<vmem>>
    %dma_wait3A_98 = arith.constant 0 : i32
    %dma_wait3A_99 = arith.constant 0 : i32
    %dma_wait3A_100 = tpu.memref_slice %arg3[%dma_wait3A_98, %dma_wait3A_99] : memref<200x4096xf32, #tpu.memory_space<hbm>> -> memref<8x128xf32, #tpu.memory_space<hbm>>
    tpu.wait_dma2 semaphore(%dma_wait3A_93 : memref<!tpu.dma_semaphore, #tpu.memory_space<semaphore_mem>>) src(%dma_wait3A_100 : memref<8x128xf32, #tpu.memory_space<hbm>>) dst(%dma_wait3A_97 : memref<8x128xf32, #tpu.memory_space<vmem>>)
    %rem3A = arith.constant 0 : i32
    %rem3A_101 = arith.constant 3 : i32
    %rem3A_102 = arith.remsi %rem3A, %rem3A_101 : i32
    %rem3A_103 = arith.constant 0 : i32
    %rem3A_104 = arith.constant 2 : i32
    %rem3A_105 = arith.remsi %rem3A_103, %rem3A_104 : i32
    %eq3A = arith.constant 0 : i32
    %eq3A_106 = arith.cmpi eq, %rem3A_105, %eq3A : i32
    %convert_element_type3A = arith.extui %eq3A_106 : i1 to i32
    %cond3A = arith.constant 0 : i32
    %cond3A_107 = arith.cmpi ne, %convert_element_type3A, %cond3A : i32
    scf.if %cond3A_107 {
      %get3A = arith.constant 0 : i32
      %get3A_129 = arith.constant 0 : i32
      %get3A_130 = arith.index_cast %get3A : i32 to index
      %get3A_131 = arith.index_cast %get3A_129 : i32 to index
      %get3A_132 = arith.constant 0 : index
      %get3A_133 = tpu.vector_load %arg6[%get3A_130, %get3A_131, %get3A_132] {strides = array<i32>} : memref<2x8x128xi32, #tpu.memory_space<vmem>>, vector<16xi32>,
      %swap3A = arith.constant 0 : index
      %swap3A_134 = tpu.vector_load %arg8[%swap3A] {strides = array<i32>} : memref<128xi32, #tpu.memory_space<vmem>>, vector<16xi32>,
      tpu.vector_store %arg8[%swap3A], %get3A_133 {strides = array<i32>} : memref<128xi32, #tpu.memory_space<vmem>>, vector<16xi32>,
      %get3A_135 = arith.constant 0 : i32
      %get3A_136 = arith.constant 0 : i32
      %get3A_137 = arith.index_cast %get3A_135 : i32 to index
      %get3A_138 = arith.index_cast %get3A_136 : i32 to index
      %get3A_139 = arith.constant 16 : index
      %get3A_140 = tpu.vector_load %arg6[%get3A_137, %get3A_138, %get3A_139] {strides = array<i32>} : memref<2x8x128xi32, #tpu.memory_space<vmem>>, vector<16xi32>,
      %swap3A_141 = arith.constant 16 : index
      %swap3A_142 = tpu.vector_load %arg8[%swap3A_141] {strides = array<i32>} : memref<128xi32, #tpu.memory_space<vmem>>, vector<16xi32>,
      tpu.vector_store %arg8[%swap3A_141], %get3A_140 {strides = array<i32>} : memref<128xi32, #tpu.memory_space<vmem>>, vector<16xi32>,
      %get3A_143 = arith.constant 0 : i32
      %get3A_144 = arith.constant 0 : i32
      %get3A_145 = arith.index_cast %get3A_143 : i32 to index
      %get3A_146 = arith.index_cast %get3A_144 : i32 to index
      %get3A_147 = arith.constant 32 : index
      %get3A_148 = tpu.vector_load %arg6[%get3A_145, %get3A_146, %get3A_147] {strides = array<i32>} : memref<2x8x128xi32, #tpu.memory_space<vmem>>, vector<16xi32>,
      %swap3A_149 = arith.constant 32 : index
      %swap3A_150 = tpu.vector_load %arg8[%swap3A_149] {strides = array<i32>} : memref<128xi32, #tpu.memory_space<vmem>>, vector<16xi32>,
      tpu.vector_store %arg8[%swap3A_149], %get3A_148 {strides = array<i32>} : memref<128xi32, #tpu.memory_space<vmem>>, vector<16xi32>,
      %get3A_151 = arith.constant 0 : i32
      %get3A_152 = arith.constant 0 : i32
      %get3A_153 = arith.index_cast %get3A_151 : i32 to index
      %get3A_154 = arith.index_cast %get3A_152 : i32 to index
      %get3A_155 = arith.constant 48 : index
      %get3A_156 = tpu.vector_load %arg6[%get3A_153, %get3A_154, %get3A_155] {strides = array<i32>} : memref<2x8x128xi32, #tpu.memory_space<vmem>>, vector<16xi32>,
      %swap3A_157 = arith.constant 48 : index
      %swap3A_158 = tpu.vector_load %arg8[%swap3A_157] {strides = array<i32>} : memref<128xi32, #tpu.memory_space<vmem>>, vector<16xi32>,
      tpu.vector_store %arg8[%swap3A_157], %get3A_156 {strides = array<i32>} : memref<128xi32, #tpu.memory_space<vmem>>, vector<16xi32>,
      %get3A_159 = arith.constant 0 : i32
      %get3A_160 = arith.constant 0 : i32
      %get3A_161 = arith.index_cast %get3A_159 : i32 to index
      %get3A_162 = arith.index_cast %get3A_160 : i32 to index
      %get3A_163 = arith.constant 64 : index
      %get3A_164 = tpu.vector_load %arg6[%get3A_161, %get3A_162, %get3A_163] {strides = array<i32>} : memref<2x8x128xi32, #tpu.memory_space<vmem>>, vector<16xi32>,
      %swap3A_165 = arith.constant 64 : index
      %swap3A_166 = tpu.vector_load %arg8[%swap3A_165] {strides = array<i32>} : memref<128xi32, #tpu.memory_space<vmem>>, vector<16xi32>,
      tpu.vector_store %arg8[%swap3A_165], %get3A_164 {strides = array<i32>} : memref<128xi32, #tpu.memory_space<vmem>>, vector<16xi32>,
      %get3A_167 = arith.constant 0 : i32
      %get3A_168 = arith.constant 0 : i32
      %get3A_169 = arith.index_cast %get3A_167 : i32 to index
      %get3A_170 = arith.index_cast %get3A_168 : i32 to index
      %get3A_171 = arith.constant 80 : index
      %get3A_172 = tpu.vector_load %arg6[%get3A_169, %get3A_170, %get3A_171] {strides = array<i32>} : memref<2x8x128xi32, #tpu.memory_space<vmem>>, vector<16xi32>,
      %swap3A_173 = arith.constant 80 : index
      %swap3A_174 = tpu.vector_load %arg8[%swap3A_173] {strides = array<i32>} : memref<128xi32, #tpu.memory_space<vmem>>, vector<16xi32>,
      tpu.vector_store %arg8[%swap3A_173], %get3A_172 {strides = array<i32>} : memref<128xi32, #tpu.memory_space<vmem>>, vector<16xi32>,
      %get3A_175 = arith.constant 0 : i32
      %get3A_176 = arith.constant 0 : i32
      %get3A_177 = arith.index_cast %get3A_175 : i32 to index
      %get3A_178 = arith.index_cast %get3A_176 : i32 to index
      %get3A_179 = arith.constant 96 : index
      %get3A_180 = tpu.vector_load %arg6[%get3A_177, %get3A_178, %get3A_179] {strides = array<i32>} : memref<2x8x128xi32, #tpu.memory_space<vmem>>, vector<16xi32>,
      %swap3A_181 = arith.constant 96 : index
      %swap3A_182 = tpu.vector_load %arg8[%swap3A_181] {strides = array<i32>} : memref<128xi32, #tpu.memory_space<vmem>>, vector<16xi32>,
      tpu.vector_store %arg8[%swap3A_181], %get3A_180 {strides = array<i32>} : memref<128xi32, #tpu.memory_space<vmem>>, vector<16xi32>,
      %get3A_183 = arith.constant 0 : i32
      %get3A_184 = arith.constant 0 : i32
      %get3A_185 = arith.index_cast %get3A_183 : i32 to index
      %get3A_186 = arith.index_cast %get3A_184 : i32 to index
      %get3A_187 = arith.constant 112 : index
      %get3A_188 = tpu.vector_load %arg6[%get3A_185, %get3A_186, %get3A_187] {strides = array<i32>} : memref<2x8x128xi32, #tpu.memory_space<vmem>>, vector<16xi32>,
      %swap3A_189 = arith.constant 112 : index
      %swap3A_190 = tpu.vector_load %arg8[%swap3A_189] {strides = array<i32>} : memref<128xi32, #tpu.memory_space<vmem>>, vector<16xi32>,
      tpu.vector_store %arg8[%swap3A_189], %get3A_188 {strides = array<i32>} : memref<128xi32, #tpu.memory_space<vmem>>, vector<16xi32>,
      %dma_start3A_191 = arith.constant 0 : i32
      %dma_start3A_192 = arith.constant 0 : i32
      %dma_start3A_193 = tpu.memref_slice %arg10[%rem3A_102, %dma_start3A_191, %dma_start3A_192] : memref<3x128x128xf32, #tpu.memory_space<vmem>> -> memref<1x128x128xf32, #tpu.memory_space<vmem>>
      %dma_start3A_194 = tpu.memref_squeeze %dma_start3A_193 : memref<1x128x128xf32, #tpu.memory_space<vmem>> -> memref<128x128xf32, #tpu.memory_space<vmem>>
      %dma_start3A_195 = arith.constant 0 : i32
      %dma_start3A_196 = arith.constant 0 : i32
      %dma_start3A_197 = tpu.memref_slice %arg4[%dma_start3A_195, %dma_start3A_196] : memref<1000000x128xf32, #tpu.memory_space<hbm>> -> memref<1000000x128xf32, #tpu.memory_space<hbm>>
      %dma_start3A_198 = tpu.memref_slice %arg13[%rem3A_102] : memref<3x!tpu.dma_semaphore, #tpu.memory_space<semaphore_mem>> -> memref<1x!tpu.dma_semaphore, #tpu.memory_space<semaphore_mem>>
      %dma_start3A_199 = tpu.memref_squeeze %dma_start3A_198 : memref<1x!tpu.dma_semaphore, #tpu.memory_space<semaphore_mem>> -> memref<!tpu.dma_semaphore, #tpu.memory_space<semaphore_mem>>
      tpu.enqueue_indirect_dma source(%dma_start3A_197 : memref<1000000x128xf32, #tpu.memory_space<hbm>>) target(%dma_start3A_194 : memref<128x128xf32, #tpu.memory_space<vmem>>) offsets(%arg8 : memref<128xi32, #tpu.memory_space<vmem>>) semaphore(%dma_start3A_199 : memref<!tpu.dma_semaphore, #tpu.memory_space<semaphore_mem>>)
    } else {
    }
    %rem3A_108 = arith.constant 0 : i32
    %rem3A_109 = arith.constant 2 : i32
    %rem3A_110 = arith.remsi %rem3A_108, %rem3A_109 : i32
    %eq3A_111 = arith.constant 1 : i32
    %eq3A_112 = arith.cmpi eq, %rem3A_110, %eq3A_111 : i32
    %convert_element_type3A_113 = arith.extui %eq3A_112 : i1 to i32
    %cond3A_114 = arith.constant 0 : i32
    %cond3A_115 = arith.cmpi ne, %convert_element_type3A_113, %cond3A_114 : i32
    scf.if %cond3A_115 {
      %get3A = arith.constant 0 : i32
      %get3A_129 = arith.constant 0 : i32
      %get3A_130 = arith.index_cast %get3A : i32 to index
      %get3A_131 = arith.index_cast %get3A_129 : i32 to index
      %get3A_132 = arith.constant 0 : index
      %get3A_133 = tpu.vector_load %arg6[%get3A_130, %get3A_131, %get3A_132] {strides = array<i32>} : memref<2x8x128xi32, #tpu.memory_space<vmem>>, vector<16xi32>,
      %swap3A = arith.constant 0 : index
      %swap3A_134 = tpu.vector_load %arg9[%swap3A] {strides = array<i32>} : memref<128xi32, #tpu.memory_space<vmem>>, vector<16xi32>,
      tpu.vector_store %arg9[%swap3A], %get3A_133 {strides = array<i32>} : memref<128xi32, #tpu.memory_space<vmem>>, vector<16xi32>,
      %get3A_135 = arith.constant 0 : i32
      %get3A_136 = arith.constant 0 : i32
      %get3A_137 = arith.index_cast %get3A_135 : i32 to index
      %get3A_138 = arith.index_cast %get3A_136 : i32 to index
      %get3A_139 = arith.constant 16 : index
      %get3A_140 = tpu.vector_load %arg6[%get3A_137, %get3A_138, %get3A_139] {strides = array<i32>} : memref<2x8x128xi32, #tpu.memory_space<vmem>>, vector<16xi32>,
      %swap3A_141 = arith.constant 16 : index
      %swap3A_142 = tpu.vector_load %arg9[%swap3A_141] {strides = array<i32>} : memref<128xi32, #tpu.memory_space<vmem>>, vector<16xi32>,
      tpu.vector_store %arg9[%swap3A_141], %get3A_140 {strides = array<i32>} : memref<128xi32, #tpu.memory_space<vmem>>, vector<16xi32>,
      %get3A_143 = arith.constant 0 : i32
      %get3A_144 = arith.constant 0 : i32
      %get3A_145 = arith.index_cast %get3A_143 : i32 to index
      %get3A_146 = arith.index_cast %get3A_144 : i32 to index
      %get3A_147 = arith.constant 32 : index
      %get3A_148 = tpu.vector_load %arg6[%get3A_145, %get3A_146, %get3A_147] {strides = array<i32>} : memref<2x8x128xi32, #tpu.memory_space<vmem>>, vector<16xi32>,
      %swap3A_149 = arith.constant 32 : index
      %swap3A_150 = tpu.vector_load %arg9[%swap3A_149] {strides = array<i32>} : memref<128xi32, #tpu.memory_space<vmem>>, vector<16xi32>,
      tpu.vector_store %arg9[%swap3A_149], %get3A_148 {strides = array<i32>} : memref<128xi32, #tpu.memory_space<vmem>>, vector<16xi32>,
      %get3A_151 = arith.constant 0 : i32
      %get3A_152 = arith.constant 0 : i32
      %get3A_153 = arith.index_cast %get3A_151 : i32 to index
      %get3A_154 = arith.index_cast %get3A_152 : i32 to index
      %get3A_155 = arith.constant 48 : index
      %get3A_156 = tpu.vector_load %arg6[%get3A_153, %get3A_154, %get3A_155] {strides = array<i32>} : memref<2x8x128xi32, #tpu.memory_space<vmem>>, vector<16xi32>,
      %swap3A_157 = arith.constant 48 : index
      %swap3A_158 = tpu.vector_load %arg9[%swap3A_157] {strides = array<i32>} : memref<128xi32, #tpu.memory_space<vmem>>, vector<16xi32>,
      tpu.vector_store %arg9[%swap3A_157], %get3A_156 {strides = array<i32>} : memref<128xi32, #tpu.memory_space<vmem>>, vector<16xi32>,
      %get3A_159 = arith.constant 0 : i32
      %get3A_160 = arith.constant 0 : i32
      %get3A_161 = arith.index_cast %get3A_159 : i32 to index
      %get3A_162 = arith.index_cast %get3A_160 : i32 to index
      %get3A_163 = arith.constant 64 : index
      %get3A_164 = tpu.vector_load %arg6[%get3A_161, %get3A_162, %get3A_163] {strides = array<i32>} : memref<2x8x128xi32, #tpu.memory_space<vmem>>, vector<16xi32>,
      %swap3A_165 = arith.constant 64 : index
      %swap3A_166 = tpu.vector_load %arg9[%swap3A_165] {strides = array<i32>} : memref<128xi32, #tpu.memory_space<vmem>>, vector<16xi32>,
      tpu.vector_store %arg9[%swap3A_165], %get3A_164 {strides = array<i32>} : memref<128xi32, #tpu.memory_space<vmem>>, vector<16xi32>,
      %get3A_167 = arith.constant 0 : i32
      %get3A_168 = arith.constant 0 : i32
      %get3A_169 = arith.index_cast %get3A_167 : i32 to index
      %get3A_170 = arith.index_cast %get3A_168 : i32 to index
      %get3A_171 = arith.constant 80 : index
      %get3A_172 = tpu.vector_load %arg6[%get3A_169, %get3A_170, %get3A_171] {strides = array<i32>} : memref<2x8x128xi32, #tpu.memory_space<vmem>>, vector<16xi32>,
      %swap3A_173 = arith.constant 80 : index
      %swap3A_174 = tpu.vector_load %arg9[%swap3A_173] {strides = array<i32>} : memref<128xi32, #tpu.memory_space<vmem>>, vector<16xi32>,
      tpu.vector_store %arg9[%swap3A_173], %get3A_172 {strides = array<i32>} : memref<128xi32, #tpu.memory_space<vmem>>, vector<16xi32>,
      %get3A_175 = arith.constant 0 : i32
      %get3A_176 = arith.constant 0 : i32
      %get3A_177 = arith.index_cast %get3A_175 : i32 to index
      %get3A_178 = arith.index_cast %get3A_176 : i32 to index
      %get3A_179 = arith.constant 96 : index
      %get3A_180 = tpu.vector_load %arg6[%get3A_177, %get3A_178, %get3A_179] {strides = array<i32>} : memref<2x8x128xi32, #tpu.memory_space<vmem>>, vector<16xi32>,
      %swap3A_181 = arith.constant 96 : index
      %swap3A_182 = tpu.vector_load %arg9[%swap3A_181] {strides = array<i32>} : memref<128xi32, #tpu.memory_space<vmem>>, vector<16xi32>,
      tpu.vector_store %arg9[%swap3A_181], %get3A_180 {strides = array<i32>} : memref<128xi32, #tpu.memory_space<vmem>>, vector<16xi32>,
      %get3A_183 = arith.constant 0 : i32
      %get3A_184 = arith.constant 0 : i32
      %get3A_185 = arith.index_cast %get3A_183 : i32 to index
      %get3A_186 = arith.index_cast %get3A_184 : i32 to index
      %get3A_187 = arith.constant 112 : index
      %get3A_188 = tpu.vector_load %arg6[%get3A_185, %get3A_186, %get3A_187] {strides = array<i32>} : memref<2x8x128xi32, #tpu.memory_space<vmem>>, vector<16xi32>,
      %swap3A_189 = arith.constant 112 : index
      %swap3A_190 = tpu.vector_load %arg9[%swap3A_189] {strides = array<i32>} : memref<128xi32, #tpu.memory_space<vmem>>, vector<16xi32>,
      tpu.vector_store %arg9[%swap3A_189], %get3A_188 {strides = array<i32>} : memref<128xi32, #tpu.memory_space<vmem>>, vector<16xi32>,
      %dma_start3A_191 = arith.constant 0 : i32
      %dma_start3A_192 = arith.constant 0 : i32
      %dma_start3A_193 = tpu.memref_slice %arg10[%rem3A_102, %dma_start3A_191, %dma_start3A_192] : memref<3x128x128xf32, #tpu.memory_space<vmem>> -> memref<1x128x128xf32, #tpu.memory_space<vmem>>
      %dma_start3A_194 = tpu.memref_squeeze %dma_start3A_193 : memref<1x128x128xf32, #tpu.memory_space<vmem>> -> memref<128x128xf32, #tpu.memory_space<vmem>>
      %dma_start3A_195 = arith.constant 0 : i32
      %dma_start3A_196 = arith.constant 0 : i32
      %dma_start3A_197 = tpu.memref_slice %arg4[%dma_start3A_195, %dma_start3A_196] : memref<1000000x128xf32, #tpu.memory_space<hbm>> -> memref<1000000x128xf32, #tpu.memory_space<hbm>>
      %dma_start3A_198 = tpu.memref_slice %arg13[%rem3A_102] : memref<3x!tpu.dma_semaphore, #tpu.memory_space<semaphore_mem>> -> memref<1x!tpu.dma_semaphore, #tpu.memory_space<semaphore_mem>>
      %dma_start3A_199 = tpu.memref_squeeze %dma_start3A_198 : memref<1x!tpu.dma_semaphore, #tpu.memory_space<semaphore_mem>> -> memref<!tpu.dma_semaphore, #tpu.memory_space<semaphore_mem>>
      tpu.enqueue_indirect_dma source(%dma_start3A_197 : memref<1000000x128xf32, #tpu.memory_space<hbm>>) target(%dma_start3A_194 : memref<128x128xf32, #tpu.memory_space<vmem>>) offsets(%arg9 : memref<128xi32, #tpu.memory_space<vmem>>) semaphore(%dma_start3A_199 : memref<!tpu.dma_semaphore, #tpu.memory_space<semaphore_mem>>)
    } else {
    }
    %scan3A = arith.constant 0 : i32
    %scan3A_116 = arith.constant 0 : i32
    %scan3A_117 = arith.constant 25 : i32
    %scan3A_118 = arith.addi %scan3A_116, %scan3A_117 : i32
    %scan3A_119 = arith.constant 1 : i32
    scf.for %scan3A_129 = %scan3A_116 to %scan3A_118 step %scan3A_119  : i32 {
      %rem3A_130 = arith.constant 2 : i32
      %rem3A_131 = arith.remsi %scan3A_129, %rem3A_130 : i32
      %scan3A_132 = arith.constant 0 : i32
      %scan3A_133 = arith.constant 0 : i32
      %scan3A_134 = arith.constant 8 : i32
      %scan3A_135 = arith.addi %scan3A_133, %scan3A_134 : i32
      %scan3A_136 = arith.constant 1 : i32
      scf.for %scan3A_149 = %scan3A_133 to %scan3A_135 step %scan3A_136  : i32 {
        %rem3A_150 = arith.constant 3 : i32
        %rem3A_151 = arith.remsi %scan3A_149, %rem3A_150 : i32
        %dma_wait3A_152 = arith.constant 0 : i32
        %dma_wait3A_153 = arith.constant 0 : i32
        %dma_wait3A_154 = tpu.memref_slice %arg10[%rem3A_151, %dma_wait3A_152, %dma_wait3A_153] : memref<3x128x128xf32, #tpu.memory_space<vmem>> -> memref<1x128x128xf32, #tpu.memory_space<vmem>>
        %dma_wait3A_155 = tpu.memref_squeeze %dma_wait3A_154 : memref<1x128x128xf32, #tpu.memory_space<vmem>> -> memref<128x128xf32, #tpu.memory_space<vmem>>
        %dma_wait3A_156 = arith.constant 0 : i32
        %dma_wait3A_157 = arith.constant 0 : i32
        %dma_wait3A_158 = tpu.memref_slice %arg4[%dma_wait3A_156, %dma_wait3A_157] : memref<1000000x128xf32, #tpu.memory_space<hbm>> -> memref<128x128xf32, #tpu.memory_space<hbm>>
        %dma_wait3A_159 = tpu.memref_slice %arg13[%rem3A_151] : memref<3x!tpu.dma_semaphore, #tpu.memory_space<semaphore_mem>> -> memref<1x!tpu.dma_semaphore, #tpu.memory_space<semaphore_mem>>
        %dma_wait3A_160 = tpu.memref_squeeze %dma_wait3A_159 : memref<1x!tpu.dma_semaphore, #tpu.memory_space<semaphore_mem>> -> memref<!tpu.dma_semaphore, #tpu.memory_space<semaphore_mem>>
        %dma_wait3A_161 = arith.constant 0 : i32
        %dma_wait3A_162 = arith.constant 0 : i32
        %dma_wait3A_163 = tpu.memref_slice %arg10[%rem3A_151, %dma_wait3A_161, %dma_wait3A_162] : memref<3x128x128xf32, #tpu.memory_space<vmem>> -> memref<1x128x128xf32, #tpu.memory_space<vmem>>
        %dma_wait3A_164 = tpu.memref_squeeze %dma_wait3A_163 : memref<1x128x128xf32, #tpu.memory_space<vmem>> -> memref<128x128xf32, #tpu.memory_space<vmem>>
        %dma_wait3A_165 = arith.constant 0 : i32
        %dma_wait3A_166 = arith.constant 0 : i32
        %dma_wait3A_167 = tpu.memref_slice %arg4[%dma_wait3A_165, %dma_wait3A_166] : memref<1000000x128xf32, #tpu.memory_space<hbm>> -> memref<128x128xf32, #tpu.memory_space<hbm>>
        tpu.wait_dma2 semaphore(%dma_wait3A_160 : memref<!tpu.dma_semaphore, #tpu.memory_space<semaphore_mem>>) src(%dma_wait3A_167 : memref<128x128xf32, #tpu.memory_space<hbm>>) dst(%dma_wait3A_164 : memref<128x128xf32, #tpu.memory_space<vmem>>)
        %eq3A_168 = arith.constant 0 : i32
        %eq3A_169 = arith.cmpi eq, %scan3A_149, %eq3A_168 : i32
        %convert_element_type3A_170 = arith.extui %eq3A_169 : i1 to i32
        %cond3A_171 = arith.constant 0 : i32
        %cond3A_172 = arith.cmpi ne, %convert_element_type3A_170, %cond3A_171 : i32
        scf.if %cond3A_172 {
          %rem3A_251 = arith.constant 1 : i32
          %rem3A_252 = arith.constant 3 : i32
          %rem3A_253 = arith.remsi %rem3A_251, %rem3A_252 : i32
          %rem3A_254 = arith.constant 1 : i32
          %rem3A_255 = arith.constant 2 : i32
          %rem3A_256 = arith.remsi %rem3A_254, %rem3A_255 : i32
          %eq3A_257 = arith.constant 0 : i32
          %eq3A_258 = arith.cmpi eq, %rem3A_256, %eq3A_257 : i32
          %convert_element_type3A_259 = arith.extui %eq3A_258 : i1 to i32
          %cond3A_260 = arith.constant 0 : i32
          %cond3A_261 = arith.cmpi ne, %convert_element_type3A_259, %cond3A_260 : i32
          scf.if %cond3A_261 {
            %get3A_270 = arith.constant 1 : i32
            %get3A_271 = arith.index_cast %rem3A_131 : i32 to index
            %get3A_272 = arith.index_cast %get3A_270 : i32 to index
            %get3A_273 = arith.constant 0 : index
            %get3A_274 = tpu.vector_load %arg6[%get3A_271, %get3A_272, %get3A_273] {strides = array<i32>} : memref<2x8x128xi32, #tpu.memory_space<vmem>>, vector<16xi32>,
            %swap3A = arith.constant 0 : index
            %swap3A_275 = tpu.vector_load %arg8[%swap3A] {strides = array<i32>} : memref<128xi32, #tpu.memory_space<vmem>>, vector<16xi32>,
            tpu.vector_store %arg8[%swap3A], %get3A_274 {strides = array<i32>} : memref<128xi32, #tpu.memory_space<vmem>>, vector<16xi32>,
            %get3A_276 = arith.constant 1 : i32
            %get3A_277 = arith.index_cast %rem3A_131 : i32 to index
            %get3A_278 = arith.index_cast %get3A_276 : i32 to index
            %get3A_279 = arith.constant 16 : index
            %get3A_280 = tpu.vector_load %arg6[%get3A_277, %get3A_278, %get3A_279] {strides = array<i32>} : memref<2x8x128xi32, #tpu.memory_space<vmem>>, vector<16xi32>,
            %swap3A_281 = arith.constant 16 : index
            %swap3A_282 = tpu.vector_load %arg8[%swap3A_281] {strides = array<i32>} : memref<128xi32, #tpu.memory_space<vmem>>, vector<16xi32>,
            tpu.vector_store %arg8[%swap3A_281], %get3A_280 {strides = array<i32>} : memref<128xi32, #tpu.memory_space<vmem>>, vector<16xi32>,
            %get3A_283 = arith.constant 1 : i32
            %get3A_284 = arith.index_cast %rem3A_131 : i32 to index
            %get3A_285 = arith.index_cast %get3A_283 : i32 to index
            %get3A_286 = arith.constant 32 : index
            %get3A_287 = tpu.vector_load %arg6[%get3A_284, %get3A_285, %get3A_286] {strides = array<i32>} : memref<2x8x128xi32, #tpu.memory_space<vmem>>, vector<16xi32>,
            %swap3A_288 = arith.constant 32 : index
            %swap3A_289 = tpu.vector_load %arg8[%swap3A_288] {strides = array<i32>} : memref<128xi32, #tpu.memory_space<vmem>>, vector<16xi32>,
            tpu.vector_store %arg8[%swap3A_288], %get3A_287 {strides = array<i32>} : memref<128xi32, #tpu.memory_space<vmem>>, vector<16xi32>,
            %get3A_290 = arith.constant 1 : i32
            %get3A_291 = arith.index_cast %rem3A_131 : i32 to index
            %get3A_292 = arith.index_cast %get3A_290 : i32 to index
            %get3A_293 = arith.constant 48 : index
            %get3A_294 = tpu.vector_load %arg6[%get3A_291, %get3A_292, %get3A_293] {strides = array<i32>} : memref<2x8x128xi32, #tpu.memory_space<vmem>>, vector<16xi32>,
            %swap3A_295 = arith.constant 48 : index
            %swap3A_296 = tpu.vector_load %arg8[%swap3A_295] {strides = array<i32>} : memref<128xi32, #tpu.memory_space<vmem>>, vector<16xi32>,
            tpu.vector_store %arg8[%swap3A_295], %get3A_294 {strides = array<i32>} : memref<128xi32, #tpu.memory_space<vmem>>, vector<16xi32>,
            %get3A_297 = arith.constant 1 : i32
            %get3A_298 = arith.index_cast %rem3A_131 : i32 to index
            %get3A_299 = arith.index_cast %get3A_297 : i32 to index
            %get3A_300 = arith.constant 64 : index
            %get3A_301 = tpu.vector_load %arg6[%get3A_298, %get3A_299, %get3A_300] {strides = array<i32>} : memref<2x8x128xi32, #tpu.memory_space<vmem>>, vector<16xi32>,
            %swap3A_302 = arith.constant 64 : index
            %swap3A_303 = tpu.vector_load %arg8[%swap3A_302] {strides = array<i32>} : memref<128xi32, #tpu.memory_space<vmem>>, vector<16xi32>,
            tpu.vector_store %arg8[%swap3A_302], %get3A_301 {strides = array<i32>} : memref<128xi32, #tpu.memory_space<vmem>>, vector<16xi32>,
            %get3A_304 = arith.constant 1 : i32
            %get3A_305 = arith.index_cast %rem3A_131 : i32 to index
            %get3A_306 = arith.index_cast %get3A_304 : i32 to index
            %get3A_307 = arith.constant 80 : index
            %get3A_308 = tpu.vector_load %arg6[%get3A_305, %get3A_306, %get3A_307] {strides = array<i32>} : memref<2x8x128xi32, #tpu.memory_space<vmem>>, vector<16xi32>,
            %swap3A_309 = arith.constant 80 : index
            %swap3A_310 = tpu.vector_load %arg8[%swap3A_309] {strides = array<i32>} : memref<128xi32, #tpu.memory_space<vmem>>, vector<16xi32>,
            tpu.vector_store %arg8[%swap3A_309], %get3A_308 {strides = array<i32>} : memref<128xi32, #tpu.memory_space<vmem>>, vector<16xi32>,
            %get3A_311 = arith.constant 1 : i32
            %get3A_312 = arith.index_cast %rem3A_131 : i32 to index
            %get3A_313 = arith.index_cast %get3A_311 : i32 to index
            %get3A_314 = arith.constant 96 : index
            %get3A_315 = tpu.vector_load %arg6[%get3A_312, %get3A_313, %get3A_314] {strides = array<i32>} : memref<2x8x128xi32, #tpu.memory_space<vmem>>, vector<16xi32>,
            %swap3A_316 = arith.constant 96 : index
            %swap3A_317 = tpu.vector_load %arg8[%swap3A_316] {strides = array<i32>} : memref<128xi32, #tpu.memory_space<vmem>>, vector<16xi32>,
            tpu.vector_store %arg8[%swap3A_316], %get3A_315 {strides = array<i32>} : memref<128xi32, #tpu.memory_space<vmem>>, vector<16xi32>,
            %get3A_318 = arith.constant 1 : i32
            %get3A_319 = arith.index_cast %rem3A_131 : i32 to index
            %get3A_320 = arith.index_cast %get3A_318 : i32 to index
            %get3A_321 = arith.constant 112 : index
            %get3A_322 = tpu.vector_load %arg6[%get3A_319, %get3A_320, %get3A_321] {strides = array<i32>} : memref<2x8x128xi32, #tpu.memory_space<vmem>>, vector<16xi32>,
            %swap3A_323 = arith.constant 112 : index
            %swap3A_324 = tpu.vector_load %arg8[%swap3A_323] {strides = array<i32>} : memref<128xi32, #tpu.memory_space<vmem>>, vector<16xi32>,
            tpu.vector_store %arg8[%swap3A_323], %get3A_322 {strides = array<i32>} : memref<128xi32, #tpu.memory_space<vmem>>, vector<16xi32>,
            %dma_start3A_325 = arith.constant 0 : i32
            %dma_start3A_326 = arith.constant 0 : i32
            %dma_start3A_327 = tpu.memref_slice %arg10[%rem3A_253, %dma_start3A_325, %dma_start3A_326] : memref<3x128x128xf32, #tpu.memory_space<vmem>> -> memref<1x128x128xf32, #tpu.memory_space<vmem>>
            %dma_start3A_328 = tpu.memref_squeeze %dma_start3A_327 : memref<1x128x128xf32, #tpu.memory_space<vmem>> -> memref<128x128xf32, #tpu.memory_space<vmem>>
            %dma_start3A_329 = arith.constant 0 : i32
            %dma_start3A_330 = arith.constant 0 : i32
            %dma_start3A_331 = tpu.memref_slice %arg4[%dma_start3A_329, %dma_start3A_330] : memref<1000000x128xf32, #tpu.memory_space<hbm>> -> memref<1000000x128xf32, #tpu.memory_space<hbm>>
            %dma_start3A_332 = tpu.memref_slice %arg13[%rem3A_253] : memref<3x!tpu.dma_semaphore, #tpu.memory_space<semaphore_mem>> -> memref<1x!tpu.dma_semaphore, #tpu.memory_space<semaphore_mem>>
            %dma_start3A_333 = tpu.memref_squeeze %dma_start3A_332 : memref<1x!tpu.dma_semaphore, #tpu.memory_space<semaphore_mem>> -> memref<!tpu.dma_semaphore, #tpu.memory_space<semaphore_mem>>
            tpu.enqueue_indirect_dma source(%dma_start3A_331 : memref<1000000x128xf32, #tpu.memory_space<hbm>>) target(%dma_start3A_328 : memref<128x128xf32, #tpu.memory_space<vmem>>) offsets(%arg8 : memref<128xi32, #tpu.memory_space<vmem>>) semaphore(%dma_start3A_333 : memref<!tpu.dma_semaphore, #tpu.memory_space<semaphore_mem>>)
          } else {
          }
          %rem3A_262 = arith.constant 1 : i32
          %rem3A_263 = arith.constant 2 : i32
          %rem3A_264 = arith.remsi %rem3A_262, %rem3A_263 : i32
          %eq3A_265 = arith.constant 1 : i32
          %eq3A_266 = arith.cmpi eq, %rem3A_264, %eq3A_265 : i32
          %convert_element_type3A_267 = arith.extui %eq3A_266 : i1 to i32
          %cond3A_268 = arith.constant 0 : i32
          %cond3A_269 = arith.cmpi ne, %convert_element_type3A_267, %cond3A_268 : i32
          scf.if %cond3A_269 {
            %get3A_270 = arith.constant 1 : i32
            %get3A_271 = arith.index_cast %rem3A_131 : i32 to index
            %get3A_272 = arith.index_cast %get3A_270 : i32 to index
            %get3A_273 = arith.constant 0 : index
            %get3A_274 = tpu.vector_load %arg6[%get3A_271, %get3A_272, %get3A_273] {strides = array<i32>} : memref<2x8x128xi32, #tpu.memory_space<vmem>>, vector<16xi32>,
            %swap3A = arith.constant 0 : index
            %swap3A_275 = tpu.vector_load %arg9[%swap3A] {strides = array<i32>} : memref<128xi32, #tpu.memory_space<vmem>>, vector<16xi32>,
            tpu.vector_store %arg9[%swap3A], %get3A_274 {strides = array<i32>} : memref<128xi32, #tpu.memory_space<vmem>>, vector<16xi32>,
            %get3A_276 = arith.constant 1 : i32
            %get3A_277 = arith.index_cast %rem3A_131 : i32 to index
            %get3A_278 = arith.index_cast %get3A_276 : i32 to index
            %get3A_279 = arith.constant 16 : index
            %get3A_280 = tpu.vector_load %arg6[%get3A_277, %get3A_278, %get3A_279] {strides = array<i32>} : memref<2x8x128xi32, #tpu.memory_space<vmem>>, vector<16xi32>,
            %swap3A_281 = arith.constant 16 : index
            %swap3A_282 = tpu.vector_load %arg9[%swap3A_281] {strides = array<i32>} : memref<128xi32, #tpu.memory_space<vmem>>, vector<16xi32>,
            tpu.vector_store %arg9[%swap3A_281], %get3A_280 {strides = array<i32>} : memref<128xi32, #tpu.memory_space<vmem>>, vector<16xi32>,
            %get3A_283 = arith.constant 1 : i32
            %get3A_284 = arith.index_cast %rem3A_131 : i32 to index
            %get3A_285 = arith.index_cast %get3A_283 : i32 to index
            %get3A_286 = arith.constant 32 : index
            %get3A_287 = tpu.vector_load %arg6[%get3A_284, %get3A_285, %get3A_286] {strides = array<i32>} : memref<2x8x128xi32, #tpu.memory_space<vmem>>, vector<16xi32>,
            %swap3A_288 = arith.constant 32 : index
            %swap3A_289 = tpu.vector_load %arg9[%swap3A_288] {strides = array<i32>} : memref<128xi32, #tpu.memory_space<vmem>>, vector<16xi32>,
            tpu.vector_store %arg9[%swap3A_288], %get3A_287 {strides = array<i32>} : memref<128xi32, #tpu.memory_space<vmem>>, vector<16xi32>,
            %get3A_290 = arith.constant 1 : i32
            %get3A_291 = arith.index_cast %rem3A_131 : i32 to index
            %get3A_292 = arith.index_cast %get3A_290 : i32 to index
            %get3A_293 = arith.constant 48 : index
            %get3A_294 = tpu.vector_load %arg6[%get3A_291, %get3A_292, %get3A_293] {strides = array<i32>} : memref<2x8x128xi32, #tpu.memory_space<vmem>>, vector<16xi32>,
            %swap3A_295 = arith.constant 48 : index
            %swap3A_296 = tpu.vector_load %arg9[%swap3A_295] {strides = array<i32>} : memref<128xi32, #tpu.memory_space<vmem>>, vector<16xi32>,
            tpu.vector_store %arg9[%swap3A_295], %get3A_294 {strides = array<i32>} : memref<128xi32, #tpu.memory_space<vmem>>, vector<16xi32>,
            %get3A_297 = arith.constant 1 : i32
            %get3A_298 = arith.index_cast %rem3A_131 : i32 to index
            %get3A_299 = arith.index_cast %get3A_297 : i32 to index
            %get3A_300 = arith.constant 64 : index
            %get3A_301 = tpu.vector_load %arg6[%get3A_298, %get3A_299, %get3A_300] {strides = array<i32>} : memref<2x8x128xi32, #tpu.memory_space<vmem>>, vector<16xi32>,
            %swap3A_302 = arith.constant 64 : index
            %swap3A_303 = tpu.vector_load %arg9[%swap3A_302] {strides = array<i32>} : memref<128xi32, #tpu.memory_space<vmem>>, vector<16xi32>,
            tpu.vector_store %arg9[%swap3A_302], %get3A_301 {strides = array<i32>} : memref<128xi32, #tpu.memory_space<vmem>>, vector<16xi32>,
            %get3A_304 = arith.constant 1 : i32
            %get3A_305 = arith.index_cast %rem3A_131 : i32 to index
            %get3A_306 = arith.index_cast %get3A_304 : i32 to index
            %get3A_307 = arith.constant 80 : index
            %get3A_308 = tpu.vector_load %arg6[%get3A_305, %get3A_306, %get3A_307] {strides = array<i32>} : memref<2x8x128xi32, #tpu.memory_space<vmem>>, vector<16xi32>,
            %swap3A_309 = arith.constant 80 : index
            %swap3A_310 = tpu.vector_load %arg9[%swap3A_309] {strides = array<i32>} : memref<128xi32, #tpu.memory_space<vmem>>, vector<16xi32>,
            tpu.vector_store %arg9[%swap3A_309], %get3A_308 {strides = array<i32>} : memref<128xi32, #tpu.memory_space<vmem>>, vector<16xi32>,
            %get3A_311 = arith.constant 1 : i32
            %get3A_312 = arith.index_cast %rem3A_131 : i32 to index
            %get3A_313 = arith.index_cast %get3A_311 : i32 to index
            %get3A_314 = arith.constant 96 : index
            %get3A_315 = tpu.vector_load %arg6[%get3A_312, %get3A_313, %get3A_314] {strides = array<i32>} : memref<2x8x128xi32, #tpu.memory_space<vmem>>, vector<16xi32>,
            %swap3A_316 = arith.constant 96 : index
            %swap3A_317 = tpu.vector_load %arg9[%swap3A_316] {strides = array<i32>} : memref<128xi32, #tpu.memory_space<vmem>>, vector<16xi32>,
            tpu.vector_store %arg9[%swap3A_316], %get3A_315 {strides = array<i32>} : memref<128xi32, #tpu.memory_space<vmem>>, vector<16xi32>,
            %get3A_318 = arith.constant 1 : i32
            %get3A_319 = arith.index_cast %rem3A_131 : i32 to index
            %get3A_320 = arith.index_cast %get3A_318 : i32 to index
            %get3A_321 = arith.constant 112 : index
            %get3A_322 = tpu.vector_load %arg6[%get3A_319, %get3A_320, %get3A_321] {strides = array<i32>} : memref<2x8x128xi32, #tpu.memory_space<vmem>>, vector<16xi32>,
            %swap3A_323 = arith.constant 112 : index
            %swap3A_324 = tpu.vector_load %arg9[%swap3A_323] {strides = array<i32>} : memref<128xi32, #tpu.memory_space<vmem>>, vector<16xi32>,
            tpu.vector_store %arg9[%swap3A_323], %get3A_322 {strides = array<i32>} : memref<128xi32, #tpu.memory_space<vmem>>, vector<16xi32>,
            %dma_start3A_325 = arith.constant 0 : i32
            %dma_start3A_326 = arith.constant 0 : i32
            %dma_start3A_327 = tpu.memref_slice %arg10[%rem3A_253, %dma_start3A_325, %dma_start3A_326] : memref<3x128x128xf32, #tpu.memory_space<vmem>> -> memref<1x128x128xf32, #tpu.memory_space<vmem>>
            %dma_start3A_328 = tpu.memref_squeeze %dma_start3A_327 : memref<1x128x128xf32, #tpu.memory_space<vmem>> -> memref<128x128xf32, #tpu.memory_space<vmem>>
            %dma_start3A_329 = arith.constant 0 : i32
            %dma_start3A_330 = arith.constant 0 : i32
            %dma_start3A_331 = tpu.memref_slice %arg4[%dma_start3A_329, %dma_start3A_330] : memref<1000000x128xf32, #tpu.memory_space<hbm>> -> memref<1000000x128xf32, #tpu.memory_space<hbm>>
            %dma_start3A_332 = tpu.memref_slice %arg13[%rem3A_253] : memref<3x!tpu.dma_semaphore, #tpu.memory_space<semaphore_mem>> -> memref<1x!tpu.dma_semaphore, #tpu.memory_space<semaphore_mem>>
            %dma_start3A_333 = tpu.memref_squeeze %dma_start3A_332 : memref<1x!tpu.dma_semaphore, #tpu.memory_space<semaphore_mem>> -> memref<!tpu.dma_semaphore, #tpu.memory_space<semaphore_mem>>
            tpu.enqueue_indirect_dma source(%dma_start3A_331 : memref<1000000x128xf32, #tpu.memory_space<hbm>>) target(%dma_start3A_328 : memref<128x128xf32, #tpu.memory_space<vmem>>) offsets(%arg9 : memref<128xi32, #tpu.memory_space<vmem>>) semaphore(%dma_start3A_333 : memref<!tpu.dma_semaphore, #tpu.memory_space<semaphore_mem>>)
          } else {
          }
        } else {
        }
        %lt3A_173 = arith.constant 6 : i32
        %lt3A_174 = arith.cmpi slt, %scan3A_149, %lt3A_173 : i32
        %convert_element_type3A_175 = arith.extui %lt3A_174 : i1 to i32
        %cond3A_176 = arith.constant 0 : i32
        %cond3A_177 = arith.cmpi ne, %convert_element_type3A_175, %cond3A_176 : i32
        scf.if %cond3A_177 {
          %add3A_251 = arith.constant 2 : i32
          %add3A_252 = arith.addi %scan3A_149, %add3A_251 : i32
          %rem3A_253 = arith.constant 3 : i32
          %rem3A_254 = arith.remsi %add3A_252, %rem3A_253 : i32
          %rem3A_255 = arith.constant 2 : i32
          %rem3A_256 = arith.remsi %add3A_252, %rem3A_255 : i32
          %eq3A_257 = arith.constant 0 : i32
          %eq3A_258 = arith.cmpi eq, %rem3A_256, %eq3A_257 : i32
          %convert_element_type3A_259 = arith.extui %eq3A_258 : i1 to i32
          %cond3A_260 = arith.constant 0 : i32
          %cond3A_261 = arith.cmpi ne, %convert_element_type3A_259, %cond3A_260 : i32
          scf.if %cond3A_261 {
            %get3A_269 = arith.index_cast %rem3A_131 : i32 to index
            %get3A_270 = arith.index_cast %add3A_252 : i32 to index
            %get3A_271 = arith.constant 0 : index
            %get3A_272 = tpu.vector_load %arg6[%get3A_269, %get3A_270, %get3A_271] {strides = array<i32>} : memref<2x8x128xi32, #tpu.memory_space<vmem>>, vector<16xi32>,
            %swap3A = arith.constant 0 : index
            %swap3A_273 = tpu.vector_load %arg8[%swap3A] {strides = array<i32>} : memref<128xi32, #tpu.memory_space<vmem>>, vector<16xi32>,
            tpu.vector_store %arg8[%swap3A], %get3A_272 {strides = array<i32>} : memref<128xi32, #tpu.memory_space<vmem>>, vector<16xi32>,
            %get3A_274 = arith.index_cast %rem3A_131 : i32 to index
            %get3A_275 = arith.index_cast %add3A_252 : i32 to index
            %get3A_276 = arith.constant 16 : index
            %get3A_277 = tpu.vector_load %arg6[%get3A_274, %get3A_275, %get3A_276] {strides = array<i32>} : memref<2x8x128xi32, #tpu.memory_space<vmem>>, vector<16xi32>,
            %swap3A_278 = arith.constant 16 : index
            %swap3A_279 = tpu.vector_load %arg8[%swap3A_278] {strides = array<i32>} : memref<128xi32, #tpu.memory_space<vmem>>, vector<16xi32>,
            tpu.vector_store %arg8[%swap3A_278], %get3A_277 {strides = array<i32>} : memref<128xi32, #tpu.memory_space<vmem>>, vector<16xi32>,
            %get3A_280 = arith.index_cast %rem3A_131 : i32 to index
            %get3A_281 = arith.index_cast %add3A_252 : i32 to index
            %get3A_282 = arith.constant 32 : index
            %get3A_283 = tpu.vector_load %arg6[%get3A_280, %get3A_281, %get3A_282] {strides = array<i32>} : memref<2x8x128xi32, #tpu.memory_space<vmem>>, vector<16xi32>,
            %swap3A_284 = arith.constant 32 : index
            %swap3A_285 = tpu.vector_load %arg8[%swap3A_284] {strides = array<i32>} : memref<128xi32, #tpu.memory_space<vmem>>, vector<16xi32>,
            tpu.vector_store %arg8[%swap3A_284], %get3A_283 {strides = array<i32>} : memref<128xi32, #tpu.memory_space<vmem>>, vector<16xi32>,
            %get3A_286 = arith.index_cast %rem3A_131 : i32 to index
            %get3A_287 = arith.index_cast %add3A_252 : i32 to index
            %get3A_288 = arith.constant 48 : index
            %get3A_289 = tpu.vector_load %arg6[%get3A_286, %get3A_287, %get3A_288] {strides = array<i32>} : memref<2x8x128xi32, #tpu.memory_space<vmem>>, vector<16xi32>,
            %swap3A_290 = arith.constant 48 : index
            %swap3A_291 = tpu.vector_load %arg8[%swap3A_290] {strides = array<i32>} : memref<128xi32, #tpu.memory_space<vmem>>, vector<16xi32>,
            tpu.vector_store %arg8[%swap3A_290], %get3A_289 {strides = array<i32>} : memref<128xi32, #tpu.memory_space<vmem>>, vector<16xi32>,
            %get3A_292 = arith.index_cast %rem3A_131 : i32 to index
            %get3A_293 = arith.index_cast %add3A_252 : i32 to index
            %get3A_294 = arith.constant 64 : index
            %get3A_295 = tpu.vector_load %arg6[%get3A_292, %get3A_293, %get3A_294] {strides = array<i32>} : memref<2x8x128xi32, #tpu.memory_space<vmem>>, vector<16xi32>,
            %swap3A_296 = arith.constant 64 : index
            %swap3A_297 = tpu.vector_load %arg8[%swap3A_296] {strides = array<i32>} : memref<128xi32, #tpu.memory_space<vmem>>, vector<16xi32>,
            tpu.vector_store %arg8[%swap3A_296], %get3A_295 {strides = array<i32>} : memref<128xi32, #tpu.memory_space<vmem>>, vector<16xi32>,
            %get3A_298 = arith.index_cast %rem3A_131 : i32 to index
            %get3A_299 = arith.index_cast %add3A_252 : i32 to index
            %get3A_300 = arith.constant 80 : index
            %get3A_301 = tpu.vector_load %arg6[%get3A_298, %get3A_299, %get3A_300] {strides = array<i32>} : memref<2x8x128xi32, #tpu.memory_space<vmem>>, vector<16xi32>,
            %swap3A_302 = arith.constant 80 : index
            %swap3A_303 = tpu.vector_load %arg8[%swap3A_302] {strides = array<i32>} : memref<128xi32, #tpu.memory_space<vmem>>, vector<16xi32>,
            tpu.vector_store %arg8[%swap3A_302], %get3A_301 {strides = array<i32>} : memref<128xi32, #tpu.memory_space<vmem>>, vector<16xi32>,
            %get3A_304 = arith.index_cast %rem3A_131 : i32 to index
            %get3A_305 = arith.index_cast %add3A_252 : i32 to index
            %get3A_306 = arith.constant 96 : index
            %get3A_307 = tpu.vector_load %arg6[%get3A_304, %get3A_305, %get3A_306] {strides = array<i32>} : memref<2x8x128xi32, #tpu.memory_space<vmem>>, vector<16xi32>,
            %swap3A_308 = arith.constant 96 : index
            %swap3A_309 = tpu.vector_load %arg8[%swap3A_308] {strides = array<i32>} : memref<128xi32, #tpu.memory_space<vmem>>, vector<16xi32>,
            tpu.vector_store %arg8[%swap3A_308], %get3A_307 {strides = array<i32>} : memref<128xi32, #tpu.memory_space<vmem>>, vector<16xi32>,
            %get3A_310 = arith.index_cast %rem3A_131 : i32 to index
            %get3A_311 = arith.index_cast %add3A_252 : i32 to index
            %get3A_312 = arith.constant 112 : index
            %get3A_313 = tpu.vector_load %arg6[%get3A_310, %get3A_311, %get3A_312] {strides = array<i32>} : memref<2x8x128xi32, #tpu.memory_space<vmem>>, vector<16xi32>,
            %swap3A_314 = arith.constant 112 : index
            %swap3A_315 = tpu.vector_load %arg8[%swap3A_314] {strides = array<i32>} : memref<128xi32, #tpu.memory_space<vmem>>, vector<16xi32>,
            tpu.vector_store %arg8[%swap3A_314], %get3A_313 {strides = array<i32>} : memref<128xi32, #tpu.memory_space<vmem>>, vector<16xi32>,
            %dma_start3A_316 = arith.constant 0 : i32
            %dma_start3A_317 = arith.constant 0 : i32
            %dma_start3A_318 = tpu.memref_slice %arg10[%rem3A_254, %dma_start3A_316, %dma_start3A_317] : memref<3x128x128xf32, #tpu.memory_space<vmem>> -> memref<1x128x128xf32, #tpu.memory_space<vmem>>
            %dma_start3A_319 = tpu.memref_squeeze %dma_start3A_318 : memref<1x128x128xf32, #tpu.memory_space<vmem>> -> memref<128x128xf32, #tpu.memory_space<vmem>>
            %dma_start3A_320 = arith.constant 0 : i32
            %dma_start3A_321 = arith.constant 0 : i32
            %dma_start3A_322 = tpu.memref_slice %arg4[%dma_start3A_320, %dma_start3A_321] : memref<1000000x128xf32, #tpu.memory_space<hbm>> -> memref<1000000x128xf32, #tpu.memory_space<hbm>>
            %dma_start3A_323 = tpu.memref_slice %arg13[%rem3A_254] : memref<3x!tpu.dma_semaphore, #tpu.memory_space<semaphore_mem>> -> memref<1x!tpu.dma_semaphore, #tpu.memory_space<semaphore_mem>>
            %dma_start3A_324 = tpu.memref_squeeze %dma_start3A_323 : memref<1x!tpu.dma_semaphore, #tpu.memory_space<semaphore_mem>> -> memref<!tpu.dma_semaphore, #tpu.memory_space<semaphore_mem>>
            tpu.enqueue_indirect_dma source(%dma_start3A_322 : memref<1000000x128xf32, #tpu.memory_space<hbm>>) target(%dma_start3A_319 : memref<128x128xf32, #tpu.memory_space<vmem>>) offsets(%arg8 : memref<128xi32, #tpu.memory_space<vmem>>) semaphore(%dma_start3A_324 : memref<!tpu.dma_semaphore, #tpu.memory_space<semaphore_mem>>)
          } else {
          }
          %rem3A_262 = arith.constant 2 : i32
          %rem3A_263 = arith.remsi %add3A_252, %rem3A_262 : i32
          %eq3A_264 = arith.constant 1 : i32
          %eq3A_265 = arith.cmpi eq, %rem3A_263, %eq3A_264 : i32
          %convert_element_type3A_266 = arith.extui %eq3A_265 : i1 to i32
          %cond3A_267 = arith.constant 0 : i32
          %cond3A_268 = arith.cmpi ne, %convert_element_type3A_266, %cond3A_267 : i32
          scf.if %cond3A_268 {
            %get3A_269 = arith.index_cast %rem3A_131 : i32 to index
            %get3A_270 = arith.index_cast %add3A_252 : i32 to index
            %get3A_271 = arith.constant 0 : index
            %get3A_272 = tpu.vector_load %arg6[%get3A_269, %get3A_270, %get3A_271] {strides = array<i32>} : memref<2x8x128xi32, #tpu.memory_space<vmem>>, vector<16xi32>,
            %swap3A = arith.constant 0 : index
            %swap3A_273 = tpu.vector_load %arg9[%swap3A] {strides = array<i32>} : memref<128xi32, #tpu.memory_space<vmem>>, vector<16xi32>,
            tpu.vector_store %arg9[%swap3A], %get3A_272 {strides = array<i32>} : memref<128xi32, #tpu.memory_space<vmem>>, vector<16xi32>,
            %get3A_274 = arith.index_cast %rem3A_131 : i32 to index
            %get3A_275 = arith.index_cast %add3A_252 : i32 to index
            %get3A_276 = arith.constant 16 : index
            %get3A_277 = tpu.vector_load %arg6[%get3A_274, %get3A_275, %get3A_276] {strides = array<i32>} : memref<2x8x128xi32, #tpu.memory_space<vmem>>, vector<16xi32>,
            %swap3A_278 = arith.constant 16 : index
            %swap3A_279 = tpu.vector_load %arg9[%swap3A_278] {strides = array<i32>} : memref<128xi32, #tpu.memory_space<vmem>>, vector<16xi32>,
            tpu.vector_store %arg9[%swap3A_278], %get3A_277 {strides = array<i32>} : memref<128xi32, #tpu.memory_space<vmem>>, vector<16xi32>,
            %get3A_280 = arith.index_cast %rem3A_131 : i32 to index
            %get3A_281 = arith.index_cast %add3A_252 : i32 to index
            %get3A_282 = arith.constant 32 : index
            %get3A_283 = tpu.vector_load %arg6[%get3A_280, %get3A_281, %get3A_282] {strides = array<i32>} : memref<2x8x128xi32, #tpu.memory_space<vmem>>, vector<16xi32>,
            %swap3A_284 = arith.constant 32 : index
            %swap3A_285 = tpu.vector_load %arg9[%swap3A_284] {strides = array<i32>} : memref<128xi32, #tpu.memory_space<vmem>>, vector<16xi32>,
            tpu.vector_store %arg9[%swap3A_284], %get3A_283 {strides = array<i32>} : memref<128xi32, #tpu.memory_space<vmem>>, vector<16xi32>,
            %get3A_286 = arith.index_cast %rem3A_131 : i32 to index
            %get3A_287 = arith.index_cast %add3A_252 : i32 to index
            %get3A_288 = arith.constant 48 : index
            %get3A_289 = tpu.vector_load %arg6[%get3A_286, %get3A_287, %get3A_288] {strides = array<i32>} : memref<2x8x128xi32, #tpu.memory_space<vmem>>, vector<16xi32>,
            %swap3A_290 = arith.constant 48 : index
            %swap3A_291 = tpu.vector_load %arg9[%swap3A_290] {strides = array<i32>} : memref<128xi32, #tpu.memory_space<vmem>>, vector<16xi32>,
            tpu.vector_store %arg9[%swap3A_290], %get3A_289 {strides = array<i32>} : memref<128xi32, #tpu.memory_space<vmem>>, vector<16xi32>,
            %get3A_292 = arith.index_cast %rem3A_131 : i32 to index
            %get3A_293 = arith.index_cast %add3A_252 : i32 to index
            %get3A_294 = arith.constant 64 : index
            %get3A_295 = tpu.vector_load %arg6[%get3A_292, %get3A_293, %get3A_294] {strides = array<i32>} : memref<2x8x128xi32, #tpu.memory_space<vmem>>, vector<16xi32>,
            %swap3A_296 = arith.constant 64 : index
            %swap3A_297 = tpu.vector_load %arg9[%swap3A_296] {strides = array<i32>} : memref<128xi32, #tpu.memory_space<vmem>>, vector<16xi32>,
            tpu.vector_store %arg9[%swap3A_296], %get3A_295 {strides = array<i32>} : memref<128xi32, #tpu.memory_space<vmem>>, vector<16xi32>,
            %get3A_298 = arith.index_cast %rem3A_131 : i32 to index
            %get3A_299 = arith.index_cast %add3A_252 : i32 to index
            %get3A_300 = arith.constant 80 : index
            %get3A_301 = tpu.vector_load %arg6[%get3A_298, %get3A_299, %get3A_300] {strides = array<i32>} : memref<2x8x128xi32, #tpu.memory_space<vmem>>, vector<16xi32>,
            %swap3A_302 = arith.constant 80 : index
            %swap3A_303 = tpu.vector_load %arg9[%swap3A_302] {strides = array<i32>} : memref<128xi32, #tpu.memory_space<vmem>>, vector<16xi32>,
            tpu.vector_store %arg9[%swap3A_302], %get3A_301 {strides = array<i32>} : memref<128xi32, #tpu.memory_space<vmem>>, vector<16xi32>,
            %get3A_304 = arith.index_cast %rem3A_131 : i32 to index
            %get3A_305 = arith.index_cast %add3A_252 : i32 to index
            %get3A_306 = arith.constant 96 : index
            %get3A_307 = tpu.vector_load %arg6[%get3A_304, %get3A_305, %get3A_306] {strides = array<i32>} : memref<2x8x128xi32, #tpu.memory_space<vmem>>, vector<16xi32>,
            %swap3A_308 = arith.constant 96 : index
            %swap3A_309 = tpu.vector_load %arg9[%swap3A_308] {strides = array<i32>} : memref<128xi32, #tpu.memory_space<vmem>>, vector<16xi32>,
            tpu.vector_store %arg9[%swap3A_308], %get3A_307 {strides = array<i32>} : memref<128xi32, #tpu.memory_space<vmem>>, vector<16xi32>,
            %get3A_310 = arith.index_cast %rem3A_131 : i32 to index
            %get3A_311 = arith.index_cast %add3A_252 : i32 to index
            %get3A_312 = arith.constant 112 : index
            %get3A_313 = tpu.vector_load %arg6[%get3A_310, %get3A_311, %get3A_312] {strides = array<i32>} : memref<2x8x128xi32, #tpu.memory_space<vmem>>, vector<16xi32>,
            %swap3A_314 = arith.constant 112 : index
            %swap3A_315 = tpu.vector_load %arg9[%swap3A_314] {strides = array<i32>} : memref<128xi32, #tpu.memory_space<vmem>>, vector<16xi32>,
            tpu.vector_store %arg9[%swap3A_314], %get3A_313 {strides = array<i32>} : memref<128xi32, #tpu.memory_space<vmem>>, vector<16xi32>,
            %dma_start3A_316 = arith.constant 0 : i32
            %dma_start3A_317 = arith.constant 0 : i32
            %dma_start3A_318 = tpu.memref_slice %arg10[%rem3A_254, %dma_start3A_316, %dma_start3A_317] : memref<3x128x128xf32, #tpu.memory_space<vmem>> -> memref<1x128x128xf32, #tpu.memory_space<vmem>>
            %dma_start3A_319 = tpu.memref_squeeze %dma_start3A_318 : memref<1x128x128xf32, #tpu.memory_space<vmem>> -> memref<128x128xf32, #tpu.memory_space<vmem>>
            %dma_start3A_320 = arith.constant 0 : i32
            %dma_start3A_321 = arith.constant 0 : i32
            %dma_start3A_322 = tpu.memref_slice %arg4[%dma_start3A_320, %dma_start3A_321] : memref<1000000x128xf32, #tpu.memory_space<hbm>> -> memref<1000000x128xf32, #tpu.memory_space<hbm>>
            %dma_start3A_323 = tpu.memref_slice %arg13[%rem3A_254] : memref<3x!tpu.dma_semaphore, #tpu.memory_space<semaphore_mem>> -> memref<1x!tpu.dma_semaphore, #tpu.memory_space<semaphore_mem>>
            %dma_start3A_324 = tpu.memref_squeeze %dma_start3A_323 : memref<1x!tpu.dma_semaphore, #tpu.memory_space<semaphore_mem>> -> memref<!tpu.dma_semaphore, #tpu.memory_space<semaphore_mem>>
            tpu.enqueue_indirect_dma source(%dma_start3A_322 : memref<1000000x128xf32, #tpu.memory_space<hbm>>) target(%dma_start3A_319 : memref<128x128xf32, #tpu.memory_space<vmem>>) offsets(%arg9 : memref<128xi32, #tpu.memory_space<vmem>>) semaphore(%dma_start3A_324 : memref<!tpu.dma_semaphore, #tpu.memory_space<semaphore_mem>>)
          } else {
          }
        } else {
        }
        %eq3A_178 = arith.constant 7 : i32
        %eq3A_179 = arith.cmpi eq, %scan3A_149, %eq3A_178 : i32
        %lt3A_180 = arith.constant 24 : i32
        %lt3A_181 = arith.cmpi slt, %scan3A_129, %lt3A_180 : i32
        %and3A = arith.andi %eq3A_179, %lt3A_181 : i1
        %convert_element_type3A_182 = arith.extui %and3A : i1 to i32
        %cond3A_183 = arith.constant 0 : i32
        %cond3A_184 = arith.cmpi ne, %convert_element_type3A_182, %cond3A_183 : i32
        scf.if %cond3A_184 {
          %sub3A = arith.constant 1 : i32
          %sub3A_251 = arith.subi %sub3A, %rem3A_131 : i32
          %dma_wait3A_252 = arith.constant 0 : i32
          %dma_wait3A_253 = arith.constant 0 : i32
          %dma_wait3A_254 = tpu.memref_slice %arg6[%sub3A_251, %dma_wait3A_252, %dma_wait3A_253] : memref<2x8x128xi32, #tpu.memory_space<vmem>> -> memref<1x8x128xi32, #tpu.memory_space<vmem>>
          %dma_wait3A_255 = tpu.memref_squeeze %dma_wait3A_254 : memref<1x8x128xi32, #tpu.memory_space<vmem>> -> memref<8x128xi32, #tpu.memory_space<vmem>>
          %dma_wait3A_256 = arith.constant 0 : i32
          %dma_wait3A_257 = arith.constant 0 : i32
          %dma_wait3A_258 = tpu.memref_slice %arg2[%dma_wait3A_256, %dma_wait3A_257] : memref<200x4096xi32, #tpu.memory_space<hbm>> -> memref<8x128xi32, #tpu.memory_space<hbm>>
          %dma_wait3A_259 = tpu.memref_slice %arg12[%sub3A_251] : memref<2x!tpu.dma_semaphore, #tpu.memory_space<semaphore_mem>> -> memref<1x!tpu.dma_semaphore, #tpu.memory_space<semaphore_mem>>
          %dma_wait3A_260 = tpu.memref_squeeze %dma_wait3A_259 : memref<1x!tpu.dma_semaphore, #tpu.memory_space<semaphore_mem>> -> memref<!tpu.dma_semaphore, #tpu.memory_space<semaphore_mem>>
          %dma_wait3A_261 = arith.constant 0 : i32
          %dma_wait3A_262 = arith.constant 0 : i32
          %dma_wait3A_263 = tpu.memref_slice %arg6[%sub3A_251, %dma_wait3A_261, %dma_wait3A_262] : memref<2x8x128xi32, #tpu.memory_space<vmem>> -> memref<1x8x128xi32, #tpu.memory_space<vmem>>
          %dma_wait3A_264 = tpu.memref_squeeze %dma_wait3A_263 : memref<1x8x128xi32, #tpu.memory_space<vmem>> -> memref<8x128xi32, #tpu.memory_space<vmem>>
          %dma_wait3A_265 = arith.constant 0 : i32
          %dma_wait3A_266 = arith.constant 0 : i32
          %dma_wait3A_267 = tpu.memref_slice %arg2[%dma_wait3A_265, %dma_wait3A_266] : memref<200x4096xi32, #tpu.memory_space<hbm>> -> memref<8x128xi32, #tpu.memory_space<hbm>>
          tpu.wait_dma2 semaphore(%dma_wait3A_260 : memref<!tpu.dma_semaphore, #tpu.memory_space<semaphore_mem>>) src(%dma_wait3A_267 : memref<8x128xi32, #tpu.memory_space<hbm>>) dst(%dma_wait3A_264 : memref<8x128xi32, #tpu.memory_space<vmem>>)
          %dma_wait3A_268 = arith.constant 0 : i32
          %dma_wait3A_269 = arith.constant 0 : i32
          %dma_wait3A_270 = tpu.memref_slice %arg7[%sub3A_251, %dma_wait3A_268, %dma_wait3A_269] : memref<2x8x128xf32, #tpu.memory_space<vmem>> -> memref<1x8x128xf32, #tpu.memory_space<vmem>>
          %dma_wait3A_271 = tpu.memref_squeeze %dma_wait3A_270 : memref<1x8x128xf32, #tpu.memory_space<vmem>> -> memref<8x128xf32, #tpu.memory_space<vmem>>
          %dma_wait3A_272 = arith.constant 0 : i32
          %dma_wait3A_273 = arith.constant 0 : i32
          %dma_wait3A_274 = tpu.memref_slice %arg3[%dma_wait3A_272, %dma_wait3A_273] : memref<200x4096xf32, #tpu.memory_space<hbm>> -> memref<8x128xf32, #tpu.memory_space<hbm>>
          %dma_wait3A_275 = tpu.memref_slice %arg12[%sub3A_251] : memref<2x!tpu.dma_semaphore, #tpu.memory_space<semaphore_mem>> -> memref<1x!tpu.dma_semaphore, #tpu.memory_space<semaphore_mem>>
          %dma_wait3A_276 = tpu.memref_squeeze %dma_wait3A_275 : memref<1x!tpu.dma_semaphore, #tpu.memory_space<semaphore_mem>> -> memref<!tpu.dma_semaphore, #tpu.memory_space<semaphore_mem>>
          %dma_wait3A_277 = arith.constant 0 : i32
          %dma_wait3A_278 = arith.constant 0 : i32
          %dma_wait3A_279 = tpu.memref_slice %arg7[%sub3A_251, %dma_wait3A_277, %dma_wait3A_278] : memref<2x8x128xf32, #tpu.memory_space<vmem>> -> memref<1x8x128xf32, #tpu.memory_space<vmem>>
          %dma_wait3A_280 = tpu.memref_squeeze %dma_wait3A_279 : memref<1x8x128xf32, #tpu.memory_space<vmem>> -> memref<8x128xf32, #tpu.memory_space<vmem>>
          %dma_wait3A_281 = arith.constant 0 : i32
          %dma_wait3A_282 = arith.constant 0 : i32
          %dma_wait3A_283 = tpu.memref_slice %arg3[%dma_wait3A_281, %dma_wait3A_282] : memref<200x4096xf32, #tpu.memory_space<hbm>> -> memref<8x128xf32, #tpu.memory_space<hbm>>
          tpu.wait_dma2 semaphore(%dma_wait3A_276 : memref<!tpu.dma_semaphore, #tpu.memory_space<semaphore_mem>>) src(%dma_wait3A_283 : memref<8x128xf32, #tpu.memory_space<hbm>>) dst(%dma_wait3A_280 : memref<8x128xf32, #tpu.memory_space<vmem>>)
          %sub3A_284 = arith.constant 1 : i32
          %sub3A_285 = arith.subi %sub3A_284, %rem3A_131 : i32
          %rem3A_286 = arith.constant 0 : i32
          %rem3A_287 = arith.constant 3 : i32
          %rem3A_288 = arith.remsi %rem3A_286, %rem3A_287 : i32
          %rem3A_289 = arith.constant 0 : i32
          %rem3A_290 = arith.constant 2 : i32
          %rem3A_291 = arith.remsi %rem3A_289, %rem3A_290 : i32
          %eq3A_292 = arith.constant 0 : i32
          %eq3A_293 = arith.cmpi eq, %rem3A_291, %eq3A_292 : i32
          %convert_element_type3A_294 = arith.extui %eq3A_293 : i1 to i32
          %cond3A_295 = arith.constant 0 : i32
          %cond3A_296 = arith.cmpi ne, %convert_element_type3A_294, %cond3A_295 : i32
          scf.if %cond3A_296 {
            %get3A_305 = arith.constant 0 : i32
            %get3A_306 = arith.index_cast %sub3A_285 : i32 to index
            %get3A_307 = arith.index_cast %get3A_305 : i32 to index
            %get3A_308 = arith.constant 0 : index
            %get3A_309 = tpu.vector_load %arg6[%get3A_306, %get3A_307, %get3A_308] {strides = array<i32>} : memref<2x8x128xi32, #tpu.memory_space<vmem>>, vector<16xi32>,
            %swap3A = arith.constant 0 : index
            %swap3A_310 = tpu.vector_load %arg8[%swap3A] {strides = array<i32>} : memref<128xi32, #tpu.memory_space<vmem>>, vector<16xi32>,
            tpu.vector_store %arg8[%swap3A], %get3A_309 {strides = array<i32>} : memref<128xi32, #tpu.memory_space<vmem>>, vector<16xi32>,
            %get3A_311 = arith.constant 0 : i32
            %get3A_312 = arith.index_cast %sub3A_285 : i32 to index
            %get3A_313 = arith.index_cast %get3A_311 : i32 to index
            %get3A_314 = arith.constant 16 : index
            %get3A_315 = tpu.vector_load %arg6[%get3A_312, %get3A_313, %get3A_314] {strides = array<i32>} : memref<2x8x128xi32, #tpu.memory_space<vmem>>, vector<16xi32>,
            %swap3A_316 = arith.constant 16 : index
            %swap3A_317 = tpu.vector_load %arg8[%swap3A_316] {strides = array<i32>} : memref<128xi32, #tpu.memory_space<vmem>>, vector<16xi32>,
            tpu.vector_store %arg8[%swap3A_316], %get3A_315 {strides = array<i32>} : memref<128xi32, #tpu.memory_space<vmem>>, vector<16xi32>,
            %get3A_318 = arith.constant 0 : i32
            %get3A_319 = arith.index_cast %sub3A_285 : i32 to index
            %get3A_320 = arith.index_cast %get3A_318 : i32 to index
            %get3A_321 = arith.constant 32 : index
            %get3A_322 = tpu.vector_load %arg6[%get3A_319, %get3A_320, %get3A_321] {strides = array<i32>} : memref<2x8x128xi32, #tpu.memory_space<vmem>>, vector<16xi32>,
            %swap3A_323 = arith.constant 32 : index
            %swap3A_324 = tpu.vector_load %arg8[%swap3A_323] {strides = array<i32>} : memref<128xi32, #tpu.memory_space<vmem>>, vector<16xi32>,
            tpu.vector_store %arg8[%swap3A_323], %get3A_322 {strides = array<i32>} : memref<128xi32, #tpu.memory_space<vmem>>, vector<16xi32>,
            %get3A_325 = arith.constant 0 : i32
            %get3A_326 = arith.index_cast %sub3A_285 : i32 to index
            %get3A_327 = arith.index_cast %get3A_325 : i32 to index
            %get3A_328 = arith.constant 48 : index
            %get3A_329 = tpu.vector_load %arg6[%get3A_326, %get3A_327, %get3A_328] {strides = array<i32>} : memref<2x8x128xi32, #tpu.memory_space<vmem>>, vector<16xi32>,
            %swap3A_330 = arith.constant 48 : index
            %swap3A_331 = tpu.vector_load %arg8[%swap3A_330] {strides = array<i32>} : memref<128xi32, #tpu.memory_space<vmem>>, vector<16xi32>,
            tpu.vector_store %arg8[%swap3A_330], %get3A_329 {strides = array<i32>} : memref<128xi32, #tpu.memory_space<vmem>>, vector<16xi32>,
            %get3A_332 = arith.constant 0 : i32
            %get3A_333 = arith.index_cast %sub3A_285 : i32 to index
            %get3A_334 = arith.index_cast %get3A_332 : i32 to index
            %get3A_335 = arith.constant 64 : index
            %get3A_336 = tpu.vector_load %arg6[%get3A_333, %get3A_334, %get3A_335] {strides = array<i32>} : memref<2x8x128xi32, #tpu.memory_space<vmem>>, vector<16xi32>,
            %swap3A_337 = arith.constant 64 : index
            %swap3A_338 = tpu.vector_load %arg8[%swap3A_337] {strides = array<i32>} : memref<128xi32, #tpu.memory_space<vmem>>, vector<16xi32>,
            tpu.vector_store %arg8[%swap3A_337], %get3A_336 {strides = array<i32>} : memref<128xi32, #tpu.memory_space<vmem>>, vector<16xi32>,
            %get3A_339 = arith.constant 0 : i32
            %get3A_340 = arith.index_cast %sub3A_285 : i32 to index
            %get3A_341 = arith.index_cast %get3A_339 : i32 to index
            %get3A_342 = arith.constant 80 : index
            %get3A_343 = tpu.vector_load %arg6[%get3A_340, %get3A_341, %get3A_342] {strides = array<i32>} : memref<2x8x128xi32, #tpu.memory_space<vmem>>, vector<16xi32>,
            %swap3A_344 = arith.constant 80 : index
            %swap3A_345 = tpu.vector_load %arg8[%swap3A_344] {strides = array<i32>} : memref<128xi32, #tpu.memory_space<vmem>>, vector<16xi32>,
            tpu.vector_store %arg8[%swap3A_344], %get3A_343 {strides = array<i32>} : memref<128xi32, #tpu.memory_space<vmem>>, vector<16xi32>,
            %get3A_346 = arith.constant 0 : i32
            %get3A_347 = arith.index_cast %sub3A_285 : i32 to index
            %get3A_348 = arith.index_cast %get3A_346 : i32 to index
            %get3A_349 = arith.constant 96 : index
            %get3A_350 = tpu.vector_load %arg6[%get3A_347, %get3A_348, %get3A_349] {strides = array<i32>} : memref<2x8x128xi32, #tpu.memory_space<vmem>>, vector<16xi32>,
            %swap3A_351 = arith.constant 96 : index
            %swap3A_352 = tpu.vector_load %arg8[%swap3A_351] {strides = array<i32>} : memref<128xi32, #tpu.memory_space<vmem>>, vector<16xi32>,
            tpu.vector_store %arg8[%swap3A_351], %get3A_350 {strides = array<i32>} : memref<128xi32, #tpu.memory_space<vmem>>, vector<16xi32>,
            %get3A_353 = arith.constant 0 : i32
            %get3A_354 = arith.index_cast %sub3A_285 : i32 to index
            %get3A_355 = arith.index_cast %get3A_353 : i32 to index
            %get3A_356 = arith.constant 112 : index
            %get3A_357 = tpu.vector_load %arg6[%get3A_354, %get3A_355, %get3A_356] {strides = array<i32>} : memref<2x8x128xi32, #tpu.memory_space<vmem>>, vector<16xi32>,
            %swap3A_358 = arith.constant 112 : index
            %swap3A_359 = tpu.vector_load %arg8[%swap3A_358] {strides = array<i32>} : memref<128xi32, #tpu.memory_space<vmem>>, vector<16xi32>,
            tpu.vector_store %arg8[%swap3A_358], %get3A_357 {strides = array<i32>} : memref<128xi32, #tpu.memory_space<vmem>>, vector<16xi32>,
            %dma_start3A_360 = arith.constant 0 : i32
            %dma_start3A_361 = arith.constant 0 : i32
            %dma_start3A_362 = tpu.memref_slice %arg10[%rem3A_288, %dma_start3A_360, %dma_start3A_361] : memref<3x128x128xf32, #tpu.memory_space<vmem>> -> memref<1x128x128xf32, #tpu.memory_space<vmem>>
            %dma_start3A_363 = tpu.memref_squeeze %dma_start3A_362 : memref<1x128x128xf32, #tpu.memory_space<vmem>> -> memref<128x128xf32, #tpu.memory_space<vmem>>
            %dma_start3A_364 = arith.constant 0 : i32
            %dma_start3A_365 = arith.constant 0 : i32
            %dma_start3A_366 = tpu.memref_slice %arg4[%dma_start3A_364, %dma_start3A_365] : memref<1000000x128xf32, #tpu.memory_space<hbm>> -> memref<1000000x128xf32, #tpu.memory_space<hbm>>
            %dma_start3A_367 = tpu.memref_slice %arg13[%rem3A_288] : memref<3x!tpu.dma_semaphore, #tpu.memory_space<semaphore_mem>> -> memref<1x!tpu.dma_semaphore, #tpu.memory_space<semaphore_mem>>
            %dma_start3A_368 = tpu.memref_squeeze %dma_start3A_367 : memref<1x!tpu.dma_semaphore, #tpu.memory_space<semaphore_mem>> -> memref<!tpu.dma_semaphore, #tpu.memory_space<semaphore_mem>>
            tpu.enqueue_indirect_dma source(%dma_start3A_366 : memref<1000000x128xf32, #tpu.memory_space<hbm>>) target(%dma_start3A_363 : memref<128x128xf32, #tpu.memory_space<vmem>>) offsets(%arg8 : memref<128xi32, #tpu.memory_space<vmem>>) semaphore(%dma_start3A_368 : memref<!tpu.dma_semaphore, #tpu.memory_space<semaphore_mem>>)
          } else {
          }
          %rem3A_297 = arith.constant 0 : i32
          %rem3A_298 = arith.constant 2 : i32
          %rem3A_299 = arith.remsi %rem3A_297, %rem3A_298 : i32
          %eq3A_300 = arith.constant 1 : i32
          %eq3A_301 = arith.cmpi eq, %rem3A_299, %eq3A_300 : i32
          %convert_element_type3A_302 = arith.extui %eq3A_301 : i1 to i32
          %cond3A_303 = arith.constant 0 : i32
          %cond3A_304 = arith.cmpi ne, %convert_element_type3A_302, %cond3A_303 : i32
          scf.if %cond3A_304 {
            %get3A_305 = arith.constant 0 : i32
            %get3A_306 = arith.index_cast %sub3A_285 : i32 to index
            %get3A_307 = arith.index_cast %get3A_305 : i32 to index
            %get3A_308 = arith.constant 0 : index
            %get3A_309 = tpu.vector_load %arg6[%get3A_306, %get3A_307, %get3A_308] {strides = array<i32>} : memref<2x8x128xi32, #tpu.memory_space<vmem>>, vector<16xi32>,
            %swap3A = arith.constant 0 : index
            %swap3A_310 = tpu.vector_load %arg9[%swap3A] {strides = array<i32>} : memref<128xi32, #tpu.memory_space<vmem>>, vector<16xi32>,
            tpu.vector_store %arg9[%swap3A], %get3A_309 {strides = array<i32>} : memref<128xi32, #tpu.memory_space<vmem>>, vector<16xi32>,
            %get3A_311 = arith.constant 0 : i32
            %get3A_312 = arith.index_cast %sub3A_285 : i32 to index
            %get3A_313 = arith.index_cast %get3A_311 : i32 to index
            %get3A_314 = arith.constant 16 : index
            %get3A_315 = tpu.vector_load %arg6[%get3A_312, %get3A_313, %get3A_314] {strides = array<i32>} : memref<2x8x128xi32, #tpu.memory_space<vmem>>, vector<16xi32>,
            %swap3A_316 = arith.constant 16 : index
            %swap3A_317 = tpu.vector_load %arg9[%swap3A_316] {strides = array<i32>} : memref<128xi32, #tpu.memory_space<vmem>>, vector<16xi32>,
            tpu.vector_store %arg9[%swap3A_316], %get3A_315 {strides = array<i32>} : memref<128xi32, #tpu.memory_space<vmem>>, vector<16xi32>,
            %get3A_318 = arith.constant 0 : i32
            %get3A_319 = arith.index_cast %sub3A_285 : i32 to index
            %get3A_320 = arith.index_cast %get3A_318 : i32 to index
            %get3A_321 = arith.constant 32 : index
            %get3A_322 = tpu.vector_load %arg6[%get3A_319, %get3A_320, %get3A_321] {strides = array<i32>} : memref<2x8x128xi32, #tpu.memory_space<vmem>>, vector<16xi32>,
            %swap3A_323 = arith.constant 32 : index
            %swap3A_324 = tpu.vector_load %arg9[%swap3A_323] {strides = array<i32>} : memref<128xi32, #tpu.memory_space<vmem>>, vector<16xi32>,
            tpu.vector_store %arg9[%swap3A_323], %get3A_322 {strides = array<i32>} : memref<128xi32, #tpu.memory_space<vmem>>, vector<16xi32>,
            %get3A_325 = arith.constant 0 : i32
            %get3A_326 = arith.index_cast %sub3A_285 : i32 to index
            %get3A_327 = arith.index_cast %get3A_325 : i32 to index
            %get3A_328 = arith.constant 48 : index
            %get3A_329 = tpu.vector_load %arg6[%get3A_326, %get3A_327, %get3A_328] {strides = array<i32>} : memref<2x8x128xi32, #tpu.memory_space<vmem>>, vector<16xi32>,
            %swap3A_330 = arith.constant 48 : index
            %swap3A_331 = tpu.vector_load %arg9[%swap3A_330] {strides = array<i32>} : memref<128xi32, #tpu.memory_space<vmem>>, vector<16xi32>,
            tpu.vector_store %arg9[%swap3A_330], %get3A_329 {strides = array<i32>} : memref<128xi32, #tpu.memory_space<vmem>>, vector<16xi32>,
            %get3A_332 = arith.constant 0 : i32
            %get3A_333 = arith.index_cast %sub3A_285 : i32 to index
            %get3A_334 = arith.index_cast %get3A_332 : i32 to index
            %get3A_335 = arith.constant 64 : index
            %get3A_336 = tpu.vector_load %arg6[%get3A_333, %get3A_334, %get3A_335] {strides = array<i32>} : memref<2x8x128xi32, #tpu.memory_space<vmem>>, vector<16xi32>,
            %swap3A_337 = arith.constant 64 : index
            %swap3A_338 = tpu.vector_load %arg9[%swap3A_337] {strides = array<i32>} : memref<128xi32, #tpu.memory_space<vmem>>, vector<16xi32>,
            tpu.vector_store %arg9[%swap3A_337], %get3A_336 {strides = array<i32>} : memref<128xi32, #tpu.memory_space<vmem>>, vector<16xi32>,
            %get3A_339 = arith.constant 0 : i32
            %get3A_340 = arith.index_cast %sub3A_285 : i32 to index
            %get3A_341 = arith.index_cast %get3A_339 : i32 to index
            %get3A_342 = arith.constant 80 : index
            %get3A_343 = tpu.vector_load %arg6[%get3A_340, %get3A_341, %get3A_342] {strides = array<i32>} : memref<2x8x128xi32, #tpu.memory_space<vmem>>, vector<16xi32>,
            %swap3A_344 = arith.constant 80 : index
            %swap3A_345 = tpu.vector_load %arg9[%swap3A_344] {strides = array<i32>} : memref<128xi32, #tpu.memory_space<vmem>>, vector<16xi32>,
            tpu.vector_store %arg9[%swap3A_344], %get3A_343 {strides = array<i32>} : memref<128xi32, #tpu.memory_space<vmem>>, vector<16xi32>,
            %get3A_346 = arith.constant 0 : i32
            %get3A_347 = arith.index_cast %sub3A_285 : i32 to index
            %get3A_348 = arith.index_cast %get3A_346 : i32 to index
            %get3A_349 = arith.constant 96 : index
            %get3A_350 = tpu.vector_load %arg6[%get3A_347, %get3A_348, %get3A_349] {strides = array<i32>} : memref<2x8x128xi32, #tpu.memory_space<vmem>>, vector<16xi32>,
            %swap3A_351 = arith.constant 96 : index
            %swap3A_352 = tpu.vector_load %arg9[%swap3A_351] {strides = array<i32>} : memref<128xi32, #tpu.memory_space<vmem>>, vector<16xi32>,
            tpu.vector_store %arg9[%swap3A_351], %get3A_350 {strides = array<i32>} : memref<128xi32, #tpu.memory_space<vmem>>, vector<16xi32>,
            %get3A_353 = arith.constant 0 : i32
            %get3A_354 = arith.index_cast %sub3A_285 : i32 to index
            %get3A_355 = arith.index_cast %get3A_353 : i32 to index
            %get3A_356 = arith.constant 112 : index
            %get3A_357 = tpu.vector_load %arg6[%get3A_354, %get3A_355, %get3A_356] {strides = array<i32>} : memref<2x8x128xi32, #tpu.memory_space<vmem>>, vector<16xi32>,
            %swap3A_358 = arith.constant 112 : index
            %swap3A_359 = tpu.vector_load %arg9[%swap3A_358] {strides = array<i32>} : memref<128xi32, #tpu.memory_space<vmem>>, vector<16xi32>,
            tpu.vector_store %arg9[%swap3A_358], %get3A_357 {strides = array<i32>} : memref<128xi32, #tpu.memory_space<vmem>>, vector<16xi32>,
            %dma_start3A_360 = arith.constant 0 : i32
            %dma_start3A_361 = arith.constant 0 : i32
            %dma_start3A_362 = tpu.memref_slice %arg10[%rem3A_288, %dma_start3A_360, %dma_start3A_361] : memref<3x128x128xf32, #tpu.memory_space<vmem>> -> memref<1x128x128xf32, #tpu.memory_space<vmem>>
            %dma_start3A_363 = tpu.memref_squeeze %dma_start3A_362 : memref<1x128x128xf32, #tpu.memory_space<vmem>> -> memref<128x128xf32, #tpu.memory_space<vmem>>
            %dma_start3A_364 = arith.constant 0 : i32
            %dma_start3A_365 = arith.constant 0 : i32
            %dma_start3A_366 = tpu.memref_slice %arg4[%dma_start3A_364, %dma_start3A_365] : memref<1000000x128xf32, #tpu.memory_space<hbm>> -> memref<1000000x128xf32, #tpu.memory_space<hbm>>
            %dma_start3A_367 = tpu.memref_slice %arg13[%rem3A_288] : memref<3x!tpu.dma_semaphore, #tpu.memory_space<semaphore_mem>> -> memref<1x!tpu.dma_semaphore, #tpu.memory_space<semaphore_mem>>
            %dma_start3A_368 = tpu.memref_squeeze %dma_start3A_367 : memref<1x!tpu.dma_semaphore, #tpu.memory_space<semaphore_mem>> -> memref<!tpu.dma_semaphore, #tpu.memory_space<semaphore_mem>>
            tpu.enqueue_indirect_dma source(%dma_start3A_366 : memref<1000000x128xf32, #tpu.memory_space<hbm>>) target(%dma_start3A_363 : memref<128x128xf32, #tpu.memory_space<vmem>>) offsets(%arg9 : memref<128xi32, #tpu.memory_space<vmem>>) semaphore(%dma_start3A_368 : memref<!tpu.dma_semaphore, #tpu.memory_space<semaphore_mem>>)
          } else {
          }
        } else {
        }
        %rem3A_185 = arith.constant 3 : i32
        %rem3A_186 = arith.remsi %scan3A_149, %rem3A_185 : i32
        %get3A = arith.index_cast %rem3A_131 : i32 to index
        %get3A_187 = arith.index_cast %scan3A_149 : i32 to index
        %get3A_188 = arith.constant 0 : index
        %get3A_189 = tpu.vector_load %arg7[%get3A, %get3A_187, %get3A_188] {strides = array<i32>} : memref<2x8x128xf32, #tpu.memory_space<vmem>>, vector<16xf32>,
        %get3A_190 = arith.index_cast %rem3A_131 : i32 to index
        %get3A_191 = arith.index_cast %scan3A_149 : i32 to index
        %get3A_192 = arith.constant 16 : index
        %get3A_193 = tpu.vector_load %arg7[%get3A_190, %get3A_191, %get3A_192] {strides = array<i32>} : memref<2x8x128xf32, #tpu.memory_space<vmem>>, vector<16xf32>,
        %get3A_194 = arith.index_cast %rem3A_131 : i32 to index
        %get3A_195 = arith.index_cast %scan3A_149 : i32 to index
        %get3A_196 = arith.constant 32 : index
        %get3A_197 = tpu.vector_load %arg7[%get3A_194, %get3A_195, %get3A_196] {strides = array<i32>} : memref<2x8x128xf32, #tpu.memory_space<vmem>>, vector<16xf32>,
        %get3A_198 = arith.index_cast %rem3A_131 : i32 to index
        %get3A_199 = arith.index_cast %scan3A_149 : i32 to index
        %get3A_200 = arith.constant 48 : index
        %get3A_201 = tpu.vector_load %arg7[%get3A_198, %get3A_199, %get3A_200] {strides = array<i32>} : memref<2x8x128xf32, #tpu.memory_space<vmem>>, vector<16xf32>,
        %get3A_202 = arith.index_cast %rem3A_131 : i32 to index
        %get3A_203 = arith.index_cast %scan3A_149 : i32 to index
        %get3A_204 = arith.constant 64 : index
        %get3A_205 = tpu.vector_load %arg7[%get3A_202, %get3A_203, %get3A_204] {strides = array<i32>} : memref<2x8x128xf32, #tpu.memory_space<vmem>>, vector<16xf32>,
        %get3A_206 = arith.index_cast %rem3A_131 : i32 to index
        %get3A_207 = arith.index_cast %scan3A_149 : i32 to index
        %get3A_208 = arith.constant 80 : index
        %get3A_209 = tpu.vector_load %arg7[%get3A_206, %get3A_207, %get3A_208] {strides = array<i32>} : memref<2x8x128xf32, #tpu.memory_space<vmem>>, vector<16xf32>,
        %get3A_210 = arith.index_cast %rem3A_131 : i32 to index
        %get3A_211 = arith.index_cast %scan3A_149 : i32 to index
        %get3A_212 = arith.constant 96 : index
        %get3A_213 = tpu.vector_load %arg7[%get3A_210, %get3A_211, %get3A_212] {strides = array<i32>} : memref<2x8x128xf32, #tpu.memory_space<vmem>>, vector<16xf32>,
        %get3A_214 = arith.index_cast %rem3A_131 : i32 to index
        %get3A_215 = arith.index_cast %scan3A_149 : i32 to index
        %get3A_216 = arith.constant 112 : index
        %get3A_217 = tpu.vector_load %arg7[%get3A_214, %get3A_215, %get3A_216] {strides = array<i32>} : memref<2x8x128xf32, #tpu.memory_space<vmem>>, vector<16xf32>,
        %add3A_218 = arith.constant 0 : i32
        %add3A_219 = vector.broadcast %add3A_218 : i32 to vector<16xi32>
        %add3A_220 = arith.addi %iota3A, %add3A_219 : vector<16xi32>
        %add3A_221 = arith.constant 16 : i32
        %add3A_222 = vector.broadcast %add3A_221 : i32 to vector<16xi32>
        %add3A_223 = arith.addi %iota3A, %add3A_222 : vector<16xi32>
        %add3A_224 = arith.constant 32 : i32
        %add3A_225 = vector.broadcast %add3A_224 : i32 to vector<16xi32>
        %add3A_226 = arith.addi %iota3A, %add3A_225 : vector<16xi32>
        %add3A_227 = arith.constant 48 : i32
        %add3A_228 = vector.broadcast %add3A_227 : i32 to vector<16xi32>
        %add3A_229 = arith.addi %iota3A, %add3A_228 : vector<16xi32>
        %add3A_230 = arith.constant 64 : i32
        %add3A_231 = vector.broadcast %add3A_230 : i32 to vector<16xi32>
        %add3A_232 = arith.addi %iota3A, %add3A_231 : vector<16xi32>
        %add3A_233 = arith.constant 80 : i32
        %add3A_234 = vector.broadcast %add3A_233 : i32 to vector<16xi32>
        %add3A_235 = arith.addi %iota3A, %add3A_234 : vector<16xi32>
        %add3A_236 = arith.constant 96 : i32
        %add3A_237 = vector.broadcast %add3A_236 : i32 to vector<16xi32>
        %add3A_238 = arith.addi %iota3A, %add3A_237 : vector<16xi32>
        %add3A_239 = arith.constant 112 : i32
        %add3A_240 = vector.broadcast %add3A_239 : i32 to vector<16xi32>
        %add3A_241 = arith.addi %iota3A, %add3A_240 : vector<16xi32>
        %gt3A = arith.constant 0 : i32
        %gt3A_242 = arith.cmpi sgt, %scan3A_129, %gt3A : i32
        %eq3A_243 = arith.constant 0 : i32
        %eq3A_244 = arith.cmpi eq, %scan3A_149, %eq3A_243 : i32
        %and3A_245 = arith.andi %gt3A_242, %eq3A_244 : i1
        %convert_element_type3A_246 = arith.extui %and3A_245 : i1 to i32
        %cond3A_247 = arith.constant 0 : i32
        %cond3A_248 = arith.cmpi ne, %convert_element_type3A_246, %cond3A_247 : i32
        scf.if %cond3A_248 {
          %dma_wait3A_251 = arith.constant 0 : i32
          %dma_wait3A_252 = arith.constant 0 : i32
          %dma_wait3A_253 = arith.constant 0 : i32
          %dma_wait3A_254 = tpu.memref_slice %arg5[%dma_wait3A_251, %dma_wait3A_252, %dma_wait3A_253] : memref<64x200x4096xf32, #tpu.memory_space<hbm>> -> memref<64x8x128xf32, #tpu.memory_space<hbm>>
          %dma_wait3A_255 = arith.constant 0 : i32
          %dma_wait3A_256 = arith.constant 0 : i32
          %dma_wait3A_257 = arith.constant 0 : i32
          %dma_wait3A_258 = tpu.memref_slice %arg5[%dma_wait3A_255, %dma_wait3A_256, %dma_wait3A_257] : memref<64x200x4096xf32, #tpu.memory_space<hbm>> -> memref<64x8x128xf32, #tpu.memory_space<hbm>>
          tpu.wait_dma2 semaphore(%arg14 : memref<!tpu.dma_semaphore, #tpu.memory_space<semaphore_mem>>) src(%arg11 : memref<64x8x128xf32, #tpu.memory_space<vmem>>) dst(%dma_wait3A_258 : memref<64x8x128xf32, #tpu.memory_space<hbm>>)
        } else {
        }
        %parallel_loop3A = arith.constant 0 : i32
        %parallel_loop3A_249 = arith.constant 64 : i32
        %parallel_loop3A_250 = arith.constant 1 : i32
        scf.for %parallel_loop3A_251 = %parallel_loop3A to %parallel_loop3A_249 step %parallel_loop3A_250  : i32 {
          %parallel_loop3A_252 = vector.broadcast %parallel_loop3A_251 : i32 to vector<16xi32>
          %parallel_loop3A_253 = arith.constant 0 : i32
          %parallel_loop3A_254 = arith.constant 0 : i32
          %parallel_loop3A_255 = tpu.memref_slice %arg10[%rem3A_186, %parallel_loop3A_253, %parallel_loop3A_254] : memref<3x128x128xf32, #tpu.memory_space<vmem>> -> memref<1x128x128xf32, #tpu.memory_space<vmem>>
          %parallel_loop3A_256 = tpu.memref_squeeze %parallel_loop3A_255 : memref<1x128x128xf32, #tpu.memory_space<vmem>> -> memref<128x128xf32, #tpu.memory_space<vmem>>
          %parallel_loop3A_257 = tpu.vector_load_idx %parallel_loop3A_256[%add3A_220, %parallel_loop3A_252] : memref<128x128xf32, #tpu.memory_space<vmem>>[vector<16xi32>, vector<16xi32>], vector<16xf32>,
          %parallel_loop3A_258 = arith.mulf %parallel_loop3A_257, %get3A_189 : vector<16xf32>
          %parallel_loop3A_259 = arith.index_cast %parallel_loop3A_251 : i32 to index
          %parallel_loop3A_260 = arith.index_cast %scan3A_149 : i32 to index
          %parallel_loop3A_261 = arith.constant 0 : index
          %parallel_loop3A_262 = tpu.vector_load %arg11[%parallel_loop3A_259, %parallel_loop3A_260, %parallel_loop3A_261] {strides = array<i32>} : memref<64x8x128xf32, #tpu.memory_space<vmem>>, vector<16xf32>,
          tpu.vector_store %arg11[%parallel_loop3A_259, %parallel_loop3A_260, %parallel_loop3A_261], %parallel_loop3A_258 {strides = array<i32>} : memref<64x8x128xf32, #tpu.memory_space<vmem>>, vector<16xf32>,
          %parallel_loop3A_263 = arith.constant 0 : i32
          %parallel_loop3A_264 = arith.constant 0 : i32
          %parallel_loop3A_265 = tpu.memref_slice %arg10[%rem3A_186, %parallel_loop3A_263, %parallel_loop3A_264] : memref<3x128x128xf32, #tpu.memory_space<vmem>> -> memref<1x128x128xf32, #tpu.memory_space<vmem>>
          %parallel_loop3A_266 = tpu.memref_squeeze %parallel_loop3A_265 : memref<1x128x128xf32, #tpu.memory_space<vmem>> -> memref<128x128xf32, #tpu.memory_space<vmem>>
          %parallel_loop3A_267 = tpu.vector_load_idx %parallel_loop3A_266[%add3A_223, %parallel_loop3A_252] : memref<128x128xf32, #tpu.memory_space<vmem>>[vector<16xi32>, vector<16xi32>], vector<16xf32>,
          %parallel_loop3A_268 = arith.mulf %parallel_loop3A_267, %get3A_193 : vector<16xf32>
          %parallel_loop3A_269 = arith.index_cast %parallel_loop3A_251 : i32 to index
          %parallel_loop3A_270 = arith.index_cast %scan3A_149 : i32 to index
          %parallel_loop3A_271 = arith.constant 16 : index
          %parallel_loop3A_272 = tpu.vector_load %arg11[%parallel_loop3A_269, %parallel_loop3A_270, %parallel_loop3A_271] {strides = array<i32>} : memref<64x8x128xf32, #tpu.memory_space<vmem>>, vector<16xf32>,
          tpu.vector_store %arg11[%parallel_loop3A_269, %parallel_loop3A_270, %parallel_loop3A_271], %parallel_loop3A_268 {strides = array<i32>} : memref<64x8x128xf32, #tpu.memory_space<vmem>>, vector<16xf32>,
          %parallel_loop3A_273 = arith.constant 0 : i32
          %parallel_loop3A_274 = arith.constant 0 : i32
          %parallel_loop3A_275 = tpu.memref_slice %arg10[%rem3A_186, %parallel_loop3A_273, %parallel_loop3A_274] : memref<3x128x128xf32, #tpu.memory_space<vmem>> -> memref<1x128x128xf32, #tpu.memory_space<vmem>>
          %parallel_loop3A_276 = tpu.memref_squeeze %parallel_loop3A_275 : memref<1x128x128xf32, #tpu.memory_space<vmem>> -> memref<128x128xf32, #tpu.memory_space<vmem>>
          %parallel_loop3A_277 = tpu.vector_load_idx %parallel_loop3A_276[%add3A_226, %parallel_loop3A_252] : memref<128x128xf32, #tpu.memory_space<vmem>>[vector<16xi32>, vector<16xi32>], vector<16xf32>,
          %parallel_loop3A_278 = arith.mulf %parallel_loop3A_277, %get3A_197 : vector<16xf32>
          %parallel_loop3A_279 = arith.index_cast %parallel_loop3A_251 : i32 to index
          %parallel_loop3A_280 = arith.index_cast %scan3A_149 : i32 to index
          %parallel_loop3A_281 = arith.constant 32 : index
          %parallel_loop3A_282 = tpu.vector_load %arg11[%parallel_loop3A_279, %parallel_loop3A_280, %parallel_loop3A_281] {strides = array<i32>} : memref<64x8x128xf32, #tpu.memory_space<vmem>>, vector<16xf32>,
          tpu.vector_store %arg11[%parallel_loop3A_279, %parallel_loop3A_280, %parallel_loop3A_281], %parallel_loop3A_278 {strides = array<i32>} : memref<64x8x128xf32, #tpu.memory_space<vmem>>, vector<16xf32>,
          %parallel_loop3A_283 = arith.constant 0 : i32
          %parallel_loop3A_284 = arith.constant 0 : i32
          %parallel_loop3A_285 = tpu.memref_slice %arg10[%rem3A_186, %parallel_loop3A_283, %parallel_loop3A_284] : memref<3x128x128xf32, #tpu.memory_space<vmem>> -> memref<1x128x128xf32, #tpu.memory_space<vmem>>
          %parallel_loop3A_286 = tpu.memref_squeeze %parallel_loop3A_285 : memref<1x128x128xf32, #tpu.memory_space<vmem>> -> memref<128x128xf32, #tpu.memory_space<vmem>>
          %parallel_loop3A_287 = tpu.vector_load_idx %parallel_loop3A_286[%add3A_229, %parallel_loop3A_252] : memref<128x128xf32, #tpu.memory_space<vmem>>[vector<16xi32>, vector<16xi32>], vector<16xf32>,
          %parallel_loop3A_288 = arith.mulf %parallel_loop3A_287, %get3A_201 : vector<16xf32>
          %parallel_loop3A_289 = arith.index_cast %parallel_loop3A_251 : i32 to index
          %parallel_loop3A_290 = arith.index_cast %scan3A_149 : i32 to index
          %parallel_loop3A_291 = arith.constant 48 : index
          %parallel_loop3A_292 = tpu.vector_load %arg11[%parallel_loop3A_289, %parallel_loop3A_290, %parallel_loop3A_291] {strides = array<i32>} : memref<64x8x128xf32, #tpu.memory_space<vmem>>, vector<16xf32>,
          tpu.vector_store %arg11[%parallel_loop3A_289, %parallel_loop3A_290, %parallel_loop3A_291], %parallel_loop3A_288 {strides = array<i32>} : memref<64x8x128xf32, #tpu.memory_space<vmem>>, vector<16xf32>,
          %parallel_loop3A_293 = arith.constant 0 : i32
          %parallel_loop3A_294 = arith.constant 0 : i32
          %parallel_loop3A_295 = tpu.memref_slice %arg10[%rem3A_186, %parallel_loop3A_293, %parallel_loop3A_294] : memref<3x128x128xf32, #tpu.memory_space<vmem>> -> memref<1x128x128xf32, #tpu.memory_space<vmem>>
          %parallel_loop3A_296 = tpu.memref_squeeze %parallel_loop3A_295 : memref<1x128x128xf32, #tpu.memory_space<vmem>> -> memref<128x128xf32, #tpu.memory_space<vmem>>
          %parallel_loop3A_297 = tpu.vector_load_idx %parallel_loop3A_296[%add3A_232, %parallel_loop3A_252] : memref<128x128xf32, #tpu.memory_space<vmem>>[vector<16xi32>, vector<16xi32>], vector<16xf32>,
          %parallel_loop3A_298 = arith.mulf %parallel_loop3A_297, %get3A_205 : vector<16xf32>
          %parallel_loop3A_299 = arith.index_cast %parallel_loop3A_251 : i32 to index
          %parallel_loop3A_300 = arith.index_cast %scan3A_149 : i32 to index
          %parallel_loop3A_301 = arith.constant 64 : index
          %parallel_loop3A_302 = tpu.vector_load %arg11[%parallel_loop3A_299, %parallel_loop3A_300, %parallel_loop3A_301] {strides = array<i32>} : memref<64x8x128xf32, #tpu.memory_space<vmem>>, vector<16xf32>,
          tpu.vector_store %arg11[%parallel_loop3A_299, %parallel_loop3A_300, %parallel_loop3A_301], %parallel_loop3A_298 {strides = array<i32>} : memref<64x8x128xf32, #tpu.memory_space<vmem>>, vector<16xf32>,
          %parallel_loop3A_303 = arith.constant 0 : i32
          %parallel_loop3A_304 = arith.constant 0 : i32
          %parallel_loop3A_305 = tpu.memref_slice %arg10[%rem3A_186, %parallel_loop3A_303, %parallel_loop3A_304] : memref<3x128x128xf32, #tpu.memory_space<vmem>> -> memref<1x128x128xf32, #tpu.memory_space<vmem>>
          %parallel_loop3A_306 = tpu.memref_squeeze %parallel_loop3A_305 : memref<1x128x128xf32, #tpu.memory_space<vmem>> -> memref<128x128xf32, #tpu.memory_space<vmem>>
          %parallel_loop3A_307 = tpu.vector_load_idx %parallel_loop3A_306[%add3A_235, %parallel_loop3A_252] : memref<128x128xf32, #tpu.memory_space<vmem>>[vector<16xi32>, vector<16xi32>], vector<16xf32>,
          %parallel_loop3A_308 = arith.mulf %parallel_loop3A_307, %get3A_209 : vector<16xf32>
          %parallel_loop3A_309 = arith.index_cast %parallel_loop3A_251 : i32 to index
          %parallel_loop3A_310 = arith.index_cast %scan3A_149 : i32 to index
          %parallel_loop3A_311 = arith.constant 80 : index
          %parallel_loop3A_312 = tpu.vector_load %arg11[%parallel_loop3A_309, %parallel_loop3A_310, %parallel_loop3A_311] {strides = array<i32>} : memref<64x8x128xf32, #tpu.memory_space<vmem>>, vector<16xf32>,
          tpu.vector_store %arg11[%parallel_loop3A_309, %parallel_loop3A_310, %parallel_loop3A_311], %parallel_loop3A_308 {strides = array<i32>} : memref<64x8x128xf32, #tpu.memory_space<vmem>>, vector<16xf32>,
          %parallel_loop3A_313 = arith.constant 0 : i32
          %parallel_loop3A_314 = arith.constant 0 : i32
          %parallel_loop3A_315 = tpu.memref_slice %arg10[%rem3A_186, %parallel_loop3A_313, %parallel_loop3A_314] : memref<3x128x128xf32, #tpu.memory_space<vmem>> -> memref<1x128x128xf32, #tpu.memory_space<vmem>>
          %parallel_loop3A_316 = tpu.memref_squeeze %parallel_loop3A_315 : memref<1x128x128xf32, #tpu.memory_space<vmem>> -> memref<128x128xf32, #tpu.memory_space<vmem>>
          %parallel_loop3A_317 = tpu.vector_load_idx %parallel_loop3A_316[%add3A_238, %parallel_loop3A_252] : memref<128x128xf32, #tpu.memory_space<vmem>>[vector<16xi32>, vector<16xi32>], vector<16xf32>,
          %parallel_loop3A_318 = arith.mulf %parallel_loop3A_317, %get3A_213 : vector<16xf32>
          %parallel_loop3A_319 = arith.index_cast %parallel_loop3A_251 : i32 to index
          %parallel_loop3A_320 = arith.index_cast %scan3A_149 : i32 to index
          %parallel_loop3A_321 = arith.constant 96 : index
          %parallel_loop3A_322 = tpu.vector_load %arg11[%parallel_loop3A_319, %parallel_loop3A_320, %parallel_loop3A_321] {strides = array<i32>} : memref<64x8x128xf32, #tpu.memory_space<vmem>>, vector<16xf32>,
          tpu.vector_store %arg11[%parallel_loop3A_319, %parallel_loop3A_320, %parallel_loop3A_321], %parallel_loop3A_318 {strides = array<i32>} : memref<64x8x128xf32, #tpu.memory_space<vmem>>, vector<16xf32>,
          %parallel_loop3A_323 = arith.constant 0 : i32
          %parallel_loop3A_324 = arith.constant 0 : i32
          %parallel_loop3A_325 = tpu.memref_slice %arg10[%rem3A_186, %parallel_loop3A_323, %parallel_loop3A_324] : memref<3x128x128xf32, #tpu.memory_space<vmem>> -> memref<1x128x128xf32, #tpu.memory_space<vmem>>
          %parallel_loop3A_326 = tpu.memref_squeeze %parallel_loop3A_325 : memref<1x128x128xf32, #tpu.memory_space<vmem>> -> memref<128x128xf32, #tpu.memory_space<vmem>>
          %parallel_loop3A_327 = tpu.vector_load_idx %parallel_loop3A_326[%add3A_241, %parallel_loop3A_252] : memref<128x128xf32, #tpu.memory_space<vmem>>[vector<16xi32>, vector<16xi32>], vector<16xf32>,
          %parallel_loop3A_328 = arith.mulf %parallel_loop3A_327, %get3A_217 : vector<16xf32>
          %parallel_loop3A_329 = arith.index_cast %parallel_loop3A_251 : i32 to index
          %parallel_loop3A_330 = arith.index_cast %scan3A_149 : i32 to index
          %parallel_loop3A_331 = arith.constant 112 : index
          %parallel_loop3A_332 = tpu.vector_load %arg11[%parallel_loop3A_329, %parallel_loop3A_330, %parallel_loop3A_331] {strides = array<i32>} : memref<64x8x128xf32, #tpu.memory_space<vmem>>, vector<16xf32>,
          tpu.vector_store %arg11[%parallel_loop3A_329, %parallel_loop3A_330, %parallel_loop3A_331], %parallel_loop3A_328 {strides = array<i32>} : memref<64x8x128xf32, #tpu.memory_space<vmem>>, vector<16xf32>,
        } {sc.loop_unroll_factor = 2 : i64, sc.parallel_access}
      }
      %scan3A_137 = arith.constant 8 : i32
      %lt3A = arith.constant 23 : i32
      %lt3A_138 = arith.cmpi slt, %scan3A_129, %lt3A : i32
      %convert_element_type3A_139 = arith.extui %lt3A_138 : i1 to i32
      %cond3A_140 = arith.constant 0 : i32
      %cond3A_141 = arith.cmpi ne, %convert_element_type3A_139, %cond3A_140 : i32
      scf.if %cond3A_141 {
        %add3A_149 = arith.constant 2 : i32
        %add3A_150 = arith.addi %scan3A_129, %add3A_149 : i32
        %mul3A_151 = arith.constant 8 : i32
        %mul3A_152 = arith.muli %add3A_150, %mul3A_151 : i32
        %multiple_of3A_153 = tpu.assume_multiple %mul3A_152, 8 : i32
        %dma_start3A_154 = arith.constant 0 : i32
        %dma_start3A_155 = arith.constant 0 : i32
        %dma_start3A_156 = tpu.memref_slice %arg6[%rem3A_131, %dma_start3A_154, %dma_start3A_155] : memref<2x8x128xi32, #tpu.memory_space<vmem>> -> memref<1x8x128xi32, #tpu.memory_space<vmem>>
        %dma_start3A_157 = tpu.memref_squeeze %dma_start3A_156 : memref<1x8x128xi32, #tpu.memory_space<vmem>> -> memref<8x128xi32, #tpu.memory_space<vmem>>
        %dma_start3A_158 = tpu.memref_slice %arg2[%multiple_of3A_153, %multiple_of3A] : memref<200x4096xi32, #tpu.memory_space<hbm>> -> memref<8x128xi32, #tpu.memory_space<hbm>>
        %dma_start3A_159 = tpu.memref_slice %arg12[%rem3A_131] : memref<2x!tpu.dma_semaphore, #tpu.memory_space<semaphore_mem>> -> memref<1x!tpu.dma_semaphore, #tpu.memory_space<semaphore_mem>>
        %dma_start3A_160 = tpu.memref_squeeze %dma_start3A_159 : memref<1x!tpu.dma_semaphore, #tpu.memory_space<semaphore_mem>> -> memref<!tpu.dma_semaphore, #tpu.memory_space<semaphore_mem>>
        %dma_start3A_161 = arith.constant 0 : i32
        %dma_start3A_162 = arith.constant 0 : i32
        %dma_start3A_163 = tpu.memref_slice %arg6[%rem3A_131, %dma_start3A_161, %dma_start3A_162] : memref<2x8x128xi32, #tpu.memory_space<vmem>> -> memref<1x8x128xi32, #tpu.memory_space<vmem>>
        %dma_start3A_164 = tpu.memref_squeeze %dma_start3A_163 : memref<1x8x128xi32, #tpu.memory_space<vmem>> -> memref<8x128xi32, #tpu.memory_space<vmem>>
        %dma_start3A_165 = tpu.memref_slice %arg2[%multiple_of3A_153, %multiple_of3A] : memref<200x4096xi32, #tpu.memory_space<hbm>> -> memref<8x128xi32, #tpu.memory_space<hbm>>
        tpu.enqueue_dma source(%dma_start3A_165 : memref<8x128xi32, #tpu.memory_space<hbm>>) target(%dma_start3A_164 : memref<8x128xi32, #tpu.memory_space<vmem>>) target_semaphore(%dma_start3A_160 : memref<!tpu.dma_semaphore, #tpu.memory_space<semaphore_mem>>)
        %mul3A_166 = arith.constant 8 : i32
        %mul3A_167 = arith.muli %add3A_150, %mul3A_166 : i32
        %multiple_of3A_168 = tpu.assume_multiple %mul3A_167, 8 : i32
        %dma_start3A_169 = arith.constant 0 : i32
        %dma_start3A_170 = arith.constant 0 : i32
        %dma_start3A_171 = tpu.memref_slice %arg7[%rem3A_131, %dma_start3A_169, %dma_start3A_170] : memref<2x8x128xf32, #tpu.memory_space<vmem>> -> memref<1x8x128xf32, #tpu.memory_space<vmem>>
        %dma_start3A_172 = tpu.memref_squeeze %dma_start3A_171 : memref<1x8x128xf32, #tpu.memory_space<vmem>> -> memref<8x128xf32, #tpu.memory_space<vmem>>
        %dma_start3A_173 = tpu.memref_slice %arg3[%multiple_of3A_168, %multiple_of3A] : memref<200x4096xf32, #tpu.memory_space<hbm>> -> memref<8x128xf32, #tpu.memory_space<hbm>>
        %dma_start3A_174 = tpu.memref_slice %arg12[%rem3A_131] : memref<2x!tpu.dma_semaphore, #tpu.memory_space<semaphore_mem>> -> memref<1x!tpu.dma_semaphore, #tpu.memory_space<semaphore_mem>>
        %dma_start3A_175 = tpu.memref_squeeze %dma_start3A_174 : memref<1x!tpu.dma_semaphore, #tpu.memory_space<semaphore_mem>> -> memref<!tpu.dma_semaphore, #tpu.memory_space<semaphore_mem>>
        %dma_start3A_176 = arith.constant 0 : i32
        %dma_start3A_177 = arith.constant 0 : i32
        %dma_start3A_178 = tpu.memref_slice %arg7[%rem3A_131, %dma_start3A_176, %dma_start3A_177] : memref<2x8x128xf32, #tpu.memory_space<vmem>> -> memref<1x8x128xf32, #tpu.memory_space<vmem>>
        %dma_start3A_179 = tpu.memref_squeeze %dma_start3A_178 : memref<1x8x128xf32, #tpu.memory_space<vmem>> -> memref<8x128xf32, #tpu.memory_space<vmem>>
        %dma_start3A_180 = tpu.memref_slice %arg3[%multiple_of3A_168, %multiple_of3A] : memref<200x4096xf32, #tpu.memory_space<hbm>> -> memref<8x128xf32, #tpu.memory_space<hbm>>
        tpu.enqueue_dma source(%dma_start3A_180 : memref<8x128xf32, #tpu.memory_space<hbm>>) target(%dma_start3A_179 : memref<8x128xf32, #tpu.memory_space<vmem>>) target_semaphore(%dma_start3A_175 : memref<!tpu.dma_semaphore, #tpu.memory_space<semaphore_mem>>)
      } else {
      }
      %mul3A_142 = arith.constant 8 : i32
      %mul3A_143 = arith.muli %scan3A_129, %mul3A_142 : i32
      %multiple_of3A_144 = tpu.assume_multiple %mul3A_143, 8 : i32
      %dma_start3A_145 = arith.constant 0 : i32
      %dma_start3A_146 = tpu.memref_slice %arg5[%dma_start3A_145, %multiple_of3A_144, %multiple_of3A] : memref<64x200x4096xf32, #tpu.memory_space<hbm>> -> memref<64x8x128xf32, #tpu.memory_space<hbm>>
      %dma_start3A_147 = arith.constant 0 : i32
      %dma_start3A_148 = tpu.memref_slice %arg5[%dma_start3A_147, %multiple_of3A_144, %multiple_of3A] : memref<64x200x4096xf32, #tpu.memory_space<hbm>> -> memref<64x8x128xf32, #tpu.memory_space<hbm>>
      tpu.enqueue_dma source(%arg11 : memref<64x8x128xf32, #tpu.memory_space<vmem>>) target(%dma_start3A_148 : memref<64x8x128xf32, #tpu.memory_space<hbm>>) target_semaphore(%arg14 : memref<!tpu.dma_semaphore, #tpu.memory_space<semaphore_mem>>)
    }
    %scan3A_120 = arith.constant 25 : i32
    %dma_wait3A_121 = arith.constant 0 : i32
    %dma_wait3A_122 = arith.constant 0 : i32
    %dma_wait3A_123 = arith.constant 0 : i32
    %dma_wait3A_124 = tpu.memref_slice %arg5[%dma_wait3A_121, %dma_wait3A_122, %dma_wait3A_123] : memref<64x200x4096xf32, #tpu.memory_space<hbm>> -> memref<64x8x128xf32, #tpu.memory_space<hbm>>
    %dma_wait3A_125 = arith.constant 0 : i32
    %dma_wait3A_126 = arith.constant 0 : i32
    %dma_wait3A_127 = arith.constant 0 : i32
    %dma_wait3A_128 = tpu.memref_slice %arg5[%dma_wait3A_125, %dma_wait3A_126, %dma_wait3A_127] : memref<64x200x4096xf32, #tpu.memory_space<hbm>> -> memref<64x8x128xf32, #tpu.memory_space<hbm>>
    tpu.wait_dma2 semaphore(%arg14 : memref<!tpu.dma_semaphore, #tpu.memory_space<semaphore_mem>>) src(%arg11 : memref<64x8x128xf32, #tpu.memory_space<vmem>>) dst(%dma_wait3A_128 : memref<64x8x128xf32, #tpu.memory_space<hbm>>)
    return
  }
}

</mosaic_0001>

<sc_bundles>
// kernel: kernel.4.cloned.1.call-start
scs
__scs_entry_jumppad:
0x0: {  	(pc) =	sbr.rel $0x88, $3  }
0x1: {  	(tag) =	ssettag $0x0;
	lr =	simm.s32 $0x1  }
0x2: {  	[smem:$0x3F9E] =	sst lr;
	_ =	strace $0xD0000000  }
0x3: {  	_ = 	snop  }
0x4: {  	_ = 	snop  }
0x5: {  	_ = 	snop  }
0x6: {  	_ = 	snop  }
0x7: {  	_ = 	snop  }
__scs_overlays_trampoline_lowered:
0x8: {  	[smem:$0x3FAD] =	sst s0  }
0x9: {  	[smem:$0x3FAE] =	sst s1  }
0xa: {  	[smem:$0x3FAF] =	sst s2  }
0xb: {  	[smem:$0x3FB0] =	sst s3  }
0xc: {  	[smem:$0x3FB1] =	sst s4  }
0xd: {  	[smem:$0x3FB2] =	sst s5  }
0xe: {  	[smem:$0x3FB3] =	sst s6  }
0xf: {  	[smem:$0x3FB4] =	sst s7  }
0x10: {  	[smem:$0x3FB5] =	sst s8  }
0x11: {  	[smem:$0x3FB6] =	sst s9;
	s0 =	simm.s32 @!p0 $0x0  }
0x12: {  	s1 =	sld [smem:$0x3F9C];
	s0 =	simm.s32 @p0 $0x1  }
0x13: {  	[smem:$0x3FB7] =	sst s0;
	s0 =	simm.s32 @!p1 $0x0  }
0x14: {  	s2 =	sld [smem:$0x3F9B];
	s0 =	simm.s32 @p1 $0x1  }
0x15: {  	[smem:$0x3FB8] =	sst s0;
	s0 =	simm.s32 @!p2 $0x0  }
0x16: {  	s3 =	sld [smem:$0x3FDB];
	s0 =	simm.s32 @p2 $0x1  }
0x17: {  	s4 =	simm.s32 $0x1BF5;
	[smem:$0x3FBA] =	sst s0  }
0x18: {  	s0 =	sld [smem:$0x3F9D];
	_ =	swait.ge [sflag:s4], $0x0  }
0x19: {  	s7 =	sld [smem:$0x3F9E]  }
0x1a: {  	s8 =	sadd.s32 $0xFFFFE003, lr  }
0x1b: {  	s9 =	sadd.s32 $0xFFFFFEF7, lr;
	s5 =	simm.s32 $0xFFFFFFFF;
	p2 =	slt.u32 s8, $0xFFFFF086  }
0x1c: {  	p1 =	slt.u32 s9, $0xF7A;
	s5 =	simm.s32 @!p2 $0x0  }
0x1d: {  	s5 =	simm.s32 @p1 $0x1;
	p0 =	seq.s32 s7, s2  }
0x1e: {  	s7 =	smul.u32 @!p0 $0xF7A, s2;
	p2 =	seq.s32 @!p0 s5, $0x0  }
0x1f: {  	s9 =	smul.u32 $0xF7A, s1;
	s8 =	simm.s32 @!p0 $0x1BF5;
	p2 =	por !p2, p0  }
0x20: {  	[sflag:s8] =	ssyncset.s32 @!p0 $0xFFFFF086;
	s6 =	sadd.s32 @!p0 s3, s7;
	s7 =	simm.s32 @!p0 $0x108  }
0x21: {  	s3 =	sadd.s32 s3, s9;
	s6 =	sadd.s32 @!p0 $0x88, s6;
	s7 =	simm.s32 @p2 $0x1082  }
0x22: {  	[simem:s7], [sflag:s8] =	dma.local @!p0 [hbm:s6], $0xF7A  }
0x23: {  	s9 =	sor.u32 $0xD0000000, s2;
	s6 =	simm.s32 $0x108;
	_ =	swait.ge @!p0 [sflag:s8], $0x0  }
0x24: {  	s3 =	sadd.s32 $0x88, s3;
	s6 =	simm.s32 @!p1 $0x1082;
	[sflag:s4] =	ssyncset.s32 $0xFFFFF086  }
0x25: {  	[simem:s6], [sflag:s4] =	dma.local [hbm:s3], $0xF7A  }
0x26: {  	[smem:$0x3F9E] =	sst s1;
	(tag) =	ssettag s2;
	_ =	strace s9  }
0x27: {  	s1 =	sld [smem:$0x3FAE]  }
0x28: {  	s2 =	sld [smem:$0x3FAF]  }
0x29: {  	s4 =	sld [smem:$0x3FB1]  }
0x2a: {  	p0 =	seq.s32 s5, $0x0;
	s5 =	sld [smem:$0x3FB2]  }
0x2b: {  	s6 =	sld [smem:$0x3FB3]  }
0x2c: {  	s7 =	sld [smem:$0x3FB4]  }
0x2d: {  	s3 =	simm.s32 $0x108;
	s8 =	sld [smem:$0x3FB5]  }
0x2e: {  	s3 =	simm.s32 @!p0 $0x1082;
	s9 =	sld [smem:$0x3FB6]  }
0x2f: {  	lr =	sadd.s32 s0, s3;
	s0 =	sld [smem:$0x3FAD]  }
0x30: {  	s3 =	sld [smem:$0x3FB0]  }
0x31: {  	[smem:$0x3FB9] =	sst s10  }
0x32: {  	s10 =	sld [smem:$0x3FB7];
	_ =	sdelay $0x3  }
0x33: {  	p0 =	seq.s32 s10, $0x1;
	s10 =	sld [smem:$0x3FB9];
	_ =	sdelay $0x3  }
0x34: {  	[smem:$0x3FB9] =	sst s10  }
0x35: {  	s10 =	sld [smem:$0x3FB8];
	_ =	sdelay $0x3  }
0x36: {  	p1 =	seq.s32 s10, $0x1;
	s10 =	sld [smem:$0x3FB9];
	_ =	sdelay $0x3  }
0x37: {  	[smem:$0x3FB9] =	sst s10  }
0x38: {  	s10 =	sld [smem:$0x3FBA]  }
0x39: {  	_ = 	snop;
	(pc) =	sbr.ind lr, $3  }
0x3a: {  	_ = 	snop  }
0x3b: {  	_ = 	snop  }
0x3c: {  	p2 =	seq.s32 s10, $0x1;
	s10 =	sld [smem:$0x3FB9]  }
0x3d: {  	_ =	shalt  }
0x3e: {  	_ =	shalt  }
0x3f: {  	_ =	shalt  }
0x40: {  	_ =	shalt  }
0x41: {  	_ =	shalt  }
0x42: {  	_ =	shalt  }
0x43: {  	_ =	shalt  }
0x44: {  	_ =	shalt  }
0x45: {  	_ =	shalt  }
0x46: {  	_ =	shalt  }
0x47: {  	_ =	shalt  }
0x48: {  	_ =	shalt  }
0x49: {  	_ =	shalt  }
0x4a: {  	_ =	shalt  }
0x4b: {  	_ =	shalt  }
0x4c: {  	_ =	shalt  }
0x4d: {  	_ =	shalt  }
0x4e: {  	_ =	shalt  }
0x4f: {  	_ =	shalt  }
0x50: {  	_ =	shalt  }
0x51: {  	_ =	shalt  }
0x52: {  	_ =	shalt  }
0x53: {  	_ =	shalt  }
0x54: {  	_ =	shalt  }
0x55: {  	_ =	shalt  }
0x56: {  	_ =	shalt  }
0x57: {  	_ =	shalt  }
0x58: {  	_ =	shalt  }
0x59: {  	_ =	shalt  }
0x5a: {  	_ =	shalt  }
0x5b: {  	_ =	shalt  }
0x5c: {  	_ =	shalt  }
0x5d: {  	_ =	shalt  }
0x5e: {  	_ =	shalt  }
0x5f: {  	_ =	shalt  }
0x60: {  	_ =	shalt  }
0x61: {  	_ =	shalt  }
0x62: {  	_ =	shalt  }
0x63: {  	_ =	shalt  }
0x64: {  	_ =	shalt  }
0x65: {  	_ =	shalt  }
0x66: {  	_ =	shalt  }
0x67: {  	_ =	shalt  }
0x68: {  	_ =	shalt  }
0x69: {  	_ =	shalt  }
0x6a: {  	_ =	shalt  }
0x6b: {  	_ =	shalt  }
0x6c: {  	_ =	shalt  }
0x6d: {  	_ =	shalt  }
0x6e: {  	_ =	shalt  }
0x6f: {  	_ =	shalt  }
0x70: {  	_ =	shalt  }
0x71: {  	_ =	shalt  }
0x72: {  	_ =	shalt  }
0x73: {  	_ =	shalt  }
0x74: {  	_ =	shalt  }
0x75: {  	_ =	shalt  }
0x76: {  	_ =	shalt  }
0x77: {  	_ =	shalt  }
0x78: {  	_ =	shalt  }
0x79: {  	_ =	shalt  }
0x7a: {  	_ =	shalt  }
0x7b: {  	_ =	shalt  }
0x7c: {  	_ =	shalt  }
0x7d: {  	_ =	shalt  }
0x7e: {  	_ =	shalt  }
0x7f: {  	_ =	shalt  }
0x80: {  	_ =	shalt  }
0x81: {  	_ =	shalt  }
0x82: {  	_ =	shalt  }
0x83: {  	_ =	shalt  }
0x84: {  	_ =	shalt  }
0x85: {  	_ =	shalt  }
0x86: {  	_ =	shalt  }
0x87: {  	_ =	shalt  }
.Lfunc_end0:
.L_simem_size_0:
called_computation_lowered:
.L_overlay_start_0:
0x88: {  	s2 =	sld [smem:$0x3FD9]  }
0x89: {  	s3 =	sld [smem:$0x3FFE];
	_ =	sdelay $0x1  }
0x8a: {  	s1 =	srdreg.scid  }
0x8b: {  	s0 =	sand.u32 $0x1, s1  }
0x8c: {  	s17 =	sshll.u32 s0, $0xA;
	s2 =	sadd.s32 s3, s2  }
0x8d: {  	s2 =	sadd.s32 s2, s17  }
0x8e: {  	[smem:$0x3FC5] =	sst s2  }
0x8f: {  	_ = 	snop  }
0x90: {  	s2 =	sld [smem:$0x3FC7]  }
0x91: {  	s18 =	sld [smem:$0x3FD0];
	(tm) =	ssettm $0x1  }
0x92: {  	s4 =	sld [smem:$0x3FFB];
	_ =	sdelay $0x3  }
0x93: {  	_ =	strace s4  }
0x94: {  	s4 =	sld [smem:$0x3FFC];
	_ =	sdelay $0x3  }
0x95: {  	_ =	strace s4  }
0x96: {  	s4 =	sld [smem:$0x3FFD];
	_ =	sdelay $0x3  }
0x97: {  	_ =	strace s4  }
0x98: {  	_ =	strace $0x8FFFFFFF  }
0x99: {  	s19 =	sld [smem:$0x3FDB];
	_ =	sdelay $0x1  }
0x9a: {  	s5 =	simm.s32 $_scs_section_size  }
0x9b: {  	s6 =	simm.s32 $_size__tile_overlayer_lowered;
	s7 =	simm.s32 $_tile_overlayer_lowered  }
0x9c: {  	s22 =	simm.s32 $0x1BFF;
	s21 =	sshll.u32 s7, $0x1;
	s4 =	sadd.s32 s5, s19  }
0x9d: {  	s8 =	simm.s32 $0x0;
	s20 =	sshll.u32 s6, $0x1;
	s6 =	sadd.s32 s21, s4  }
0x9e: {  	[timem:s8], [sflag:s22] =	dma.local [hbm:s6], s20  }
0x9f: {  	_ =	swait.ge [sflag:s22], s20  }
0xa0: {  	s5 =	ssub.s32 $0x0, s20;
	[sflag:s22] =	ssyncset.done $0x0  }
0xa1: {  	[sflag:s22] =	ssyncadd.s32 s5;
	_ =	sdelay $0x1  }
0xa2: {  	s23 =	simm.s32 $0x1B8B  }
0xa3: {  	_ =	swait.ge [sflag:s23], $0x1  }
0xa4: {  	[sflag:s23] =	ssyncset.done $0x0  }
0xa5: {  	s25 =	simm.s32 $0x1B8E;
	s24 =	sld [smem:$0x3FFE];
	[sflag:s23] =	ssyncadd.s32 $0xFFFFFFFF  }
0xa6: {  	s26 =	simm.s32 $execute0_lowered;
	[smem:$0x3FD2] =	sst s25  }
0xa7: {  	s6 =	sshll.u32 s26, $0x1;
	_ =	strace $0x80000046;
	[dreg:$0x1] =	wrdreg $0xFFFFFFFF  }
0xa8: {  	s28 =	simm.s32 $_size_execute0_lowered;
	s4 =	sadd.s32 s4, s6;
	[dreg:$0x0] =	wrdreg $0x0  }
0xa9: {  	s6 =	sshll.u32 s28, $0x1;
	[dreg:$0x2] =	wrdreg s4  }
0xaa: {  	[dreg:$0x3] =	wrdreg s6  }
0xab: {  	[dreg:$0x4] =	wrdreg $0xC0  }
0xac: {  	_ =	task [dreg:s8], $0x5FFFF  }
0xad: {  	[dreg:$0x1] =	wrdreg $0xFFFFFFFF  }
0xae: {  	[dreg:$0x0] =	wrdreg $0x60  }
0xaf: {  	[dreg:$0x2] =	wrdreg s2  }
0xb0: {  	[dreg:$0x3] =	wrdreg s18  }
0xb1: {  	[dreg:$0x4] =	wrdreg s24  }
0xb2: {  	[dreg:$0x5] =	wrdreg $0x9  }
0xb3: {  	_ =	task.clear_ibuf [dreg:s8], $0x6FFFF;
	_ =	strace $0x90000046  }
0xb4: {  	s29 =	simm.s32 $0x9;
	_ =	strace $0x80000048  }
0xb5: {  	_ =	swait.ge [sflag:s29], $0x1  }
0xb6: {  	[sflag:s29] =	ssyncadd.s32 $0xFFFFFFFF  }
0xb7: {  	_ =	strace $0x90000048  }
0xb8: {  	_ =	sfence  }
0xb9: {  	s30 =	sld [smem:$0x0];
	_ =	sdelay $0x2  }
0xba: {  	s31 =	sshll.u32 s1, $0xD;
	s1 =	sshrl.u32 s1, $0x2  }
0xbb: {  	s3 =	sand.u32 $0x4000, s31;
	s1 =	sadd.s32 s1, s30  }
0xbc: {  	s0 =	sor.u32 s3, s0;
	s1 =	sshll.u32 s1, $0x11  }
0xbd: {  	s0 =	sor.u32 s1, s0  }
0xbe: {  	s0 =	sadd.s32 $0x8F2B, s0  }
0xbf: {  	[sflag:s0] =	ssyncadd.remote.s32 $0x1  }
0xc0: {  	_ =	sfence.sel $0xFFFF  }
0xc1: {  	[dreg:$0x0] =	wrdreg $0xFFFFFFFF;
	(pc) =	sbr.abs _section_cstart, $3  }
0xc2: {  	[dreg:$0x1] =	wrdreg $0xFFFFFFFF  }
0xc3: {  	_ =	task.clear_ibuf [dreg:s8], $0x2FFFF;
	_ =	strace $0x9FFFFFFF  }
0xc4: {  	(tm) =	ssettm $0x7FFFFFFF  }
0xc5: {  	_ =	shalt  }
tec
execute0_lowered:
.L_overlay_start_1:
0x0: {  	(tag) =	ssettag $0x1  }
0x1: {  	v0 =	vimm.s32 $0xB80;
	vm14 =	vcmask $0x300;
	vm13 =	vcmask $0x704  }
0x2: {  	vm12 =	vcmask $0xB08;
	vm11 =	vcmask $0xF0C;
	vm10 =	vcmask $0x1310  }
0x3: {  	vm9 =	vcmask $0x1714;
	vm8 =	vcmask $0x1B18;
	vm7 =	vcmask $0x1F1C  }
0x4: {  	vm6 =	vcmask $0x2320;
	vm5 =	vcmask $0x2724;
	vm4 =	vcmask $0x2B28  }
0x5: {  	v1 =	vlaneseq.u32;
	vm3 =	vcmask $0x2F2C;
	vm2 =	vcmask $0x3330  }
0x6: {  	vm1 =	vcmask $0x3734;
	vm0 =	vcmask $0x3B38;
	v5 =	vimm.s32 $0x1B80  }
0x7: {  	v6 =	vimm.s32 $0x2B80;
	v7 =	vimm.s32 $0x3B80;
	v0 =	vsel vm14, $0x0, v0  }
0x8: {  	v5 =	vsel vm14, $0x1000, v5;
	v6 =	vsel vm14, $0x2000, v6;
	v7 =	vsel vm14, $0x3000, v7  }
0x9: {  	v0 =	vsel vm13, $0x80, v0;
	v5 =	vsel vm13, $0x1080, v5;
	v6 =	vsel vm13, $0x2080, v6  }
0xa: {  	v7 =	vsel vm13, $0x3080, v7;
	v0 =	vsel vm12, $0x100, v0;
	v5 =	vsel vm12, $0x1100, v5  }
0xb: {  	v6 =	vsel vm12, $0x2100, v6;
	v7 =	vsel vm12, $0x3100, v7;
	v0 =	vsel vm11, $0x180, v0  }
0xc: {  	v5 =	vsel vm11, $0x1180, v5;
	v6 =	vsel vm11, $0x2180, v6;
	v7 =	vsel vm11, $0x3180, v7  }
0xd: {  	v0 =	vsel vm10, $0x200, v0;
	v5 =	vsel vm10, $0x1200, v5;
	v6 =	vsel vm10, $0x2200, v6  }
0xe: {  	v7 =	vsel vm10, $0x3200, v7;
	v0 =	vsel vm9, $0x280, v0;
	v5 =	vsel vm9, $0x1280, v5  }
0xf: {  	s0 =	rddreg [dreg:$0x0];
	v6 =	vsel vm9, $0x2280, v6;
	v7 =	vsel vm9, $0x3280, v7;
	v0 =	vsel vm8, $0x300, v0  }
0x10: {  	s1 =	rddreg [dreg:$0x1];
	v5 =	vsel vm8, $0x1300, v5;
	v6 =	vsel vm8, $0x2300, v6;
	v7 =	vsel vm8, $0x3300, v7  }
0x11: {  	s7 =	rddreg [dreg:$0x2];
	v0 =	vsel vm7, $0x380, v0;
	v5 =	vsel vm7, $0x1380, v5;
	v6 =	vsel vm7, $0x2380, v6  }
0x12: {  	s2 =	rddreg [dreg:$0x3];
	s5 =	srdreg.scid;
	v7 =	vsel vm7, $0x3380, v7;
	v0 =	vsel vm6, $0x800, v0;
	v5 =	vsel vm6, $0x1800, v5  }
0x13: {  	s3 =	stileid.u32;
	s4 =	simm.s32 $0x0;
	s16 =	simm.s32 $0x1A000;
	v6 =	vsel vm6, $0x2800, v6;
	v7 =	vsel vm6, $0x3800, v7;
	v0 =	vsel vm5, $0x880, v0  }
0x14: {  	s15 =	simm.s32 $0x5;
	s17 =	simm.s32 $0x800;
	s18 =	simm.s32 $0x7A1400;
	v5 =	vsel vm5, $0x1880, v5;
	v6 =	vsel vm5, $0x2880, v6;
	v7 =	vsel vm5, $0x3880, v7  }
0x15: {  	s5 =	sand.u32 $0x1, s5;
	s6 =	sshll.u32 s3, $0x1;
	[smem:$0x7FF] =	sst s4;
	v2 =	vsel vm4, $0x900, v0;
	v0 =	vmul.u32 $0x80, v1;
	v5 =	vsel vm4, $0x1900, v5  }
0x16: {  	s19 =	simm.s32 $0x0;
	s14 =	sor.u32 s5, s6;
	_ =	strace $0x80000047;
	v6 =	vsel vm4, $0x2900, v6;
	v7 =	vsel vm4, $0x3900, v7;
	v1 =	vsel vm3, $0x980, v2  }
0x17: {  	s8 =	ssub.s32 $0x2, s5;
	s5 =	sadd.s32 $0x800, s7;
	s7 =	sadd.s32 $0xF42800, s7;
	v5 =	vsel vm3, $0x1980, v5;
	v6 =	vsel vm3, $0x2980, v6;
	v7 =	vsel vm3, $0x3980, v7  }
0x18: {  	s6 =	ssub.s32 $0xF61, s14;
	s9 =	sshrl.u32 s8, $0x1;
	s31 =	sshll.u32 s14, $0x8;
	v2 =	vsel vm2, $0xA00, v1;
	v1 =	vor.u32 $0x800, v0;
	v3 =	vor.u32 $0x1800, v0  }
0x19: {  	s10 =	sshll.u32 s14, $0xF;
	p0 =	sne.s32 s14, $0x0;
	s6 =	sshrl.u32 s6, $0x5;
	v5 =	vsel vm2, $0x1A00, v5;
	v6 =	vsel vm2, $0x2A00, v6;
	v7 =	vsel vm2, $0x3A00, v7  }
0x1a: {  	s13 =	ssub.s32 s8, s9;
	s8 =	sadd.s32 s0, s31;
	s12 =	sand.u32 $0x1, s6;
	v4 =	vsel vm1, $0xA80, v2;
	v2 =	vor.u32 $0x1000, v0;
	v5 =	vsel vm1, $0x1A80, v5  }
0x1b: {  	s9 =	sshll.u32 s14, $0xB;
	s14 =	simm.s32 $0x18000;
	s11 =	sxor.u32 $0x1, s12;
	v6 =	vsel vm1, $0x2A80, v6;
	v7 =	vsel vm1, $0x3A80, v7;
	v4 =	vsel vm0, $0xB00, v4  }
0x1c: {  	s13 =	smax.u32 s13, $0x1;
	s12 =	sadd.s32 $0x3, s12;
	s11 =	sadd.s32 $0x3, s11;
	v5 =	vsel vm0, $0x1B00, v5;
	v6 =	vsel vm0, $0x2B00, v6;
	v7 =	vsel vm0, $0x3B00, v7  }
.LBB2_1:
.Ltmp0:
0x1d: {  	(pc) =	sbr.rel @p0 .LBB2_5-.Ltmp0, $1  }
0x1e: {  	_ =	sdelay $0x3  }
0x1f: {  	s20 =	simm.s32 $0x3  }
0x20: {  	s21 =	simm.s32 $0x1;
	v8 =	vmov s20  }
0x21: {  	v9 =	vmov s21;
	v8 =	vand.u32 $0x7F, v8  }
0x22: {  	s24 =	simm.s32 $0x2;
	v9 =	vand.u32 $0x7D, v9;
	v15 =	vbroadcast v8, $0x0  }
0x23: {  	s25 =	simm.s32 $0x0;
	v17 =	vbroadcast v9, $0x0;
	v8 =	vmov s24  }
0x24: {  	v9 =	vmov s25;
	v8 =	vand.u32 $0x7E, v8;
	v10 =	vor.u32 v0, v15  }
0x25: {  	[tilespmem:s14], [sflag:$0x5] =	stream.linear.gather [hbm4b:s1+s25], $0x2000, $0x38;
	v12 =	vor.u32 v0, v17;
	v25 =	vbroadcast v8, $0x0;
	v8 =	vand.u32 $0x7C, v9;
	[tilespmem:$0x1C000] =	vst v63  }
0x26: {  	_ =	swait.ge [sflag:s15], $0x2000;
	v11 =	vbroadcast v8, $0x0  }
0x27: {  	s26 =	simm.s32 $0x5;
	[sflag:s15] =	ssyncset.done $0x0;
	v8 =	vor.u32 v0, v25  }
0x28: {  	[sflag:s15] =	ssyncadd.s32 $0xFFFFE000;
	v9 =	vmov s26;
	v13 =	vor.u32 v0, v11  }
0x29: {  	v9 =	vand.u32 $0x7D, v9;
	v10 =	vld.idx.msk [tilespmem:v10+s14+$0x0], $0xffff  }
0x2a: {  	s28 =	simm.s32 $0x6;
	v14 =	vor.u32 v1, v15;
	v9 =	vbroadcast v9, $0x0;
	v12 =	vld.idx.msk [tilespmem:v12+s14+$0x0], $0xffff  }
0x2b: {  	v16 =	vmov s28;
	v18 =	vor.u32 v1, v17  }
0x2c: {  	v20 =	vor.u32 v0, v9;
	v19 =	vld.idx.msk [tilespmem:v8+s14+$0x0], $0xffff;
	v8 =	vand.u32 $0x7E, v16  }
0x2d: {  	s20 =	simm.s32 $0x1A100;
	v16 =	vor.u32 v1, v25;
	v13 =	vld.idx.msk [tilespmem:v13+s14+$0x0], $0xffff;
	v8 =	vbroadcast v8, $0x0  }
0x2e: {  	s29 =	simm.s32 $0x7;
	v21 =	vor.u32 v1, v11;
	[tilespmem:s20+$0x80] =	vst v10  }
0x2f: {  	v10 =	vmov s29;
	v22 =	vor.u32 v0, v8;
	[tilespmem:s20+$0xFFFFFF80] =	vst v12;
	v23 =	vld.idx.msk [tilespmem:v14+s14+$0x0], $0xffff  }
0x30: {  	s30 =	simm.s32 $0x4;
	v10 =	vand.u32 $0x7F, v10;
	v18 =	vld.idx.msk [tilespmem:v18+s14+$0x0], $0xffff  }
0x31: {  	s22 =	simm.s32 $0x9;
	v24 =	vor.u32 v2, v15;
	v14 =	vld.idx.msk [tilespmem:v20+s14+$0x0], $0xffff;
	v12 =	vbroadcast v10, $0x0;
	[tilespmem:s20+$0x0] =	vst v19;
	v10 =	vmov s30  }
0x32: {  	v19 =	vor.u32 v2, v17;
	[tilespmem:s20+$0xFFFFFF00] =	vst v13;
	v20 =	vld.idx.msk [tilespmem:v16+s14+$0x0], $0xffff;
	v13 =	vmov s22;
	v10 =	vand.u32 $0x7C, v10  }
0x33: {  	v26 =	vor.u32 v0, v12;
	v21 =	vld.idx.msk [tilespmem:v21+s14+$0x0], $0xffff;
	v27 =	vand.u32 $0x7D, v13;
	v13 =	vbroadcast v10, $0x0  }
0x34: {  	v16 =	vld.idx.msk [tilespmem:v22+s14+$0x0], $0xffff;
	v10 =	vbroadcast v27, $0x0;
	v22 =	vor.u32 v2, v11  }
0x35: {  	[tilespmem:s20+$0x90] =	vst v23;
	v23 =	vor.u32 v0, v13  }
0x36: {  	[tilespmem:s20+$0xFFFFFF90] =	vst v18;
	v24 =	vld.idx.msk [tilespmem:v24+s14+$0x0], $0xffff;
	v27 =	vor.u32 v0, v10  }
0x37: {  	v28 =	vor.u32 v2, v25;
	v19 =	vld.idx.msk [tilespmem:v19+s14+$0x0], $0xffff  }
0x38: {  	v29 =	vld.idx.msk [tilespmem:v26+s14+$0x0], $0xffff;
	v26 =	vor.u32 v3, v15;
	[tilespmem:s20+$0xFFFFFF10] =	vst v21  }
0x39: {  	v30 =	vor.u32 v3, v17;
	v18 =	vld.idx.msk [tilespmem:v22+s14+$0x0], $0xffff  }
0x3a: {  	s31 =	simm.s32 $0xA;
	v22 =	vld.idx.msk [tilespmem:v23+s14+$0x0], $0xffff;
	v23 =	vor.u32 v1, v12  }
0x3b: {  	v17 =	vmov s31;
	[tilespmem:s20+$0x10] =	vst v20;
	v15 =	vld.idx.msk [tilespmem:v27+s14+$0x0], $0xffff;
	v27 =	vor.u32 v1, v9  }
0x3c: {  	v17 =	vand.u32 $0x7E, v17;
	v20 =	vld.idx.msk [tilespmem:v28+s14+$0x0], $0xffff;
	[tilespmem:s20+$0xA0] =	vst v24;
	v24 =	vor.u32 v1, v8  }
0x3d: {  	s21 =	simm.s32 $0x1A300;
	v17 =	vbroadcast v17, $0x0;
	[tilespmem:s20+$0xFFFFFFA0] =	vst v19;
	v21 =	vld.idx.msk [tilespmem:v26+s14+$0x0], $0xffff;
	v26 =	vor.u32 v1, v13  }
0x3e: {  	s23 =	simm.s32 $0xC;
	s24 =	simm.s32 $0xB;
	v25 =	vor.u32 v3, v25;
	s22 =	simm.s32 $0x8;
	v19 =	vld.idx.msk [tilespmem:v30+s14+$0x0], $0xffff;
	[tilespmem:s21+$0x80] =	vst v29  }
.LBB2_3:
0x3f: {  	p1 =	slt.u32 s23, $0x3C;
	v28 =	vor.u32 v0, v17;
	v29 =	vmov s24;
	[tilespmem:s21+$0xFFFFFF80] =	vst v14;
	v23 =	vld.idx.msk [tilespmem:v23+s14+$0x0], $0xffff;
	v30 =	vmov v17  }
0x40: {  	v32 =	vand.u32 $0x7F, v29;
	v17 =	vld.idx.msk [tilespmem:v27+s14+$0x0], $0xffff;
	[tilespmem:s21+$0x0] =	vst v16;
	v27 =	vor.u32 v3, v11;
	v11 =	vmov v13  }
0x41: {  	v29 =	vbroadcast v32, $0x0;
	[tilespmem:s21+$0xFFFFFF00] =	vst v22;
	v22 =	vld.idx.msk [tilespmem:v24+s14+$0x0], $0xffff;
	v24 =	vor.u32 v2, v12  }
0x42: {  	s24 =	sadd.s32 $0x1, s23;
	v31 =	vor.u32 v2, v9;
	v13 =	vmov s22;
	s22 =	smov.u32 s23;
	v14 =	vmov v15;
	v26 =	vld.idx.msk [tilespmem:v26+s14+$0x0], $0xffff;
	[tilespmem:s20+$0x20] =	vst v20  }
0x43: {  	v15 =	vmov s24;
	v13 =	vand.u32 $0x7C, v13;
	v20 =	vor.u32 v0, v29;
	v25 =	vld.idx.msk [tilespmem:v25+s14+$0x0], $0xffff;
	[tilespmem:s20+$0xB0] =	vst v21  }
0x44: {  	v15 =	vand.u32 $0x7D, v15;
	v13 =	vbroadcast v13, $0x0;
	v21 =	vor.u32 v2, v8;
	v16 =	vld.idx.msk [tilespmem:v28+s14+$0x0], $0xffff;
	[tilespmem:s20+$0xFFFFFF20] =	vst v18  }
0x45: {  	v15 =	vbroadcast v15, $0x0;
	v18 =	vor.u32 v2, v11;
	[tilespmem:s21+$0x90] =	vst v23;
	v28 =	vld.idx.msk [tilespmem:v27+s14+$0x0], $0xffff  }
0x46: {  	v27 =	vor.u32 v0, v13;
	[tilespmem:s21+$0xFFFFFF90] =	vst v17;
	v17 =	vld.idx.msk [tilespmem:v24+s14+$0x0], $0xffff  }
0x47: {  	v24 =	vor.u32 v0, v15;
	v31 =	vld.idx.msk [tilespmem:v31+s14+$0x0], $0xffff;
	[tilespmem:s21+$0x10] =	vst v22  }
0x48: {  	v33 =	vor.u32 v3, v12;
	v12 =	vmov v29;
	v32 =	vld.idx.msk [tilespmem:v20+s14+$0x0], $0xffff;
	[tilespmem:s21+$0xFFFFFF10] =	vst v26  }
0x49: {  	v29 =	vor.u32 v3, v9;
	v9 =	vmov v10;
	v10 =	vmov v15;
	v20 =	vld.idx.msk [tilespmem:v21+s14+$0x0], $0xffff;
	[tilespmem:s20+$0xFFFFFFB0] =	vst v19  }
.Ltmp1:
0x4a: {  	s24 =	sadd.s32 $0x2, s23;
	v23 =	vor.u32 v1, v12;
	v18 =	vld.idx.msk [tilespmem:v18+s14+$0x0], $0xffff;
	[tilespmem:s20+$0x30] =	vst v25;
	(pc) =	sbr.rel @p1 .LBB2_3-.Ltmp1, $4  }
0x4b: {  	v19 =	vmov s24;
	v22 =	vld.idx.msk [tilespmem:v27+s14+$0x0], $0xffff;
	v27 =	vor.u32 v1, v9;
	[tilespmem:s20+$0xFFFFFF30] =	vst v28;
	s20 =	smov.u32 s21  }
0x4c: {  	v19 =	vand.u32 $0x7E, v19;
	v15 =	vld.idx.msk [tilespmem:v24+s14+$0x0], $0xffff;
	v24 =	vor.u32 v1, v30;
	[tilespmem:s21+$0xA0] =	vst v17  }
0x4d: {  	v26 =	vor.u32 v1, v13;
	v17 =	vbroadcast v19, $0x0;
	s21 =	sadd.s32 $0x200, s21;
	[tilespmem:s20+$0xFFFFFFA0] =	vst v31;
	v21 =	vld.idx.msk [tilespmem:v33+s14+$0x0], $0xffff  }
0x4e: {  	s23 =	sadd.s32 $0x4, s23;
	s24 =	sadd.s32 $0x3, s22;
	v25 =	vor.u32 v3, v8;
	v8 =	vmov v30;
	[tilespmem:s21+$0x80] =	vst v32;
	v19 =	vld.idx.msk [tilespmem:v29+s14+$0x0], $0xffff  }
0x4f: {  	_ = 	snop  }
0x50: {  	[tilespmem:s21+$0xFFFFFF80] =	vst v14  }
0x51: {  	[tilespmem:s21+$0x0] =	vst v16  }
0x52: {  	[tilespmem:s20+$0x20] =	vst v20  }
0x53: {  	v62 =	vmov s24;
	v23 =	vld.idx.msk [tilespmem:v23+s14+$0x0], $0xffff;
	v11 =	vor.u32 v3, v11;
	[tilespmem:s20+$0xFFFFFF20] =	vst v18  }
0x54: {  	v32 =	vmov s22;
	v36 =	vor.u32 v0, v17;
	s31 =	sadd.s32 $0x200, s21;
	v14 =	vand.u32 $0x7F, v62;
	v63 =	vld.idx.msk [tilespmem:v27+s14+$0x0], $0xffff;
	[tilespmem:s21+$0xFFFFFF00] =	vst v22  }
0x55: {  	v43 =	vor.u32 v1, v10;
	v30 =	vld.idx.msk [tilespmem:v24+s14+$0x0], $0xffff;
	v20 =	vand.u32 $0x7C, v32;
	v14 =	vbroadcast v14, $0x0;
	[tilespmem:s31+$0xFFFFFF80] =	vst v15  }
0x56: {  	v31 =	vor.u32 v2, v12;
	v35 =	vld.idx.msk [tilespmem:v25+s14+$0x0], $0xffff;
	v20 =	vbroadcast v20, $0x0;
	[tilespmem:s20+$0xB0] =	vst v21  }
0x57: {  	v26 =	vld.idx.msk [tilespmem:v26+s14+$0x0], $0xffff;
	v34 =	vor.u32 v0, v14;
	[tilespmem:s20+$0xFFFFFFB0] =	vst v19  }
0x58: {  	v37 =	vor.u32 v0, v20;
	[tilespmem:s21+$0x90] =	vst v23;
	v11 =	vld.idx.msk [tilespmem:v11+s14+$0x0], $0xffff  }
0x59: {  	v33 =	vor.u32 v2, v9;
	v42 =	vld.idx.msk [tilespmem:v36+s14+$0x0], $0xffff;
	[tilespmem:s21+$0xFFFFFF90] =	vst v63  }
0x5a: {  	v38 =	vor.u32 v2, v8;
	v50 =	vld.idx.msk [tilespmem:v43+s14+$0x0], $0xffff;
	[tilespmem:s21+$0x10] =	vst v30  }
0x5b: {  	v47 =	vor.u32 v2, v13;
	v24 =	vld.idx.msk [tilespmem:v31+s14+$0x0], $0xffff;
	[tilespmem:s20+$0x30] =	vst v35  }
0x5c: {  	v45 =	vor.u32 v1, v17;
	[tilespmem:s21+$0xFFFFFF10] =	vst v26;
	v21 =	vld.idx.msk [tilespmem:v34+s14+$0x0], $0xffff  }
0x5d: {  	v41 =	vor.u32 v1, v14;
	v44 =	vld.idx.msk [tilespmem:v37+s14+$0x0], $0xffff;
	[tilespmem:s20+$0xFFFFFF30] =	vst v11  }
0x5e: {  	v46 =	vor.u32 v1, v20;
	v39 =	vld.idx.msk [tilespmem:v33+s14+$0x0], $0xffff;
	[tilespmem:s31+$0x0] =	vst v42  }
0x5f: {  	v40 =	vor.u32 v3, v12;
	v22 =	vld.idx.msk [tilespmem:v38+s14+$0x0], $0xffff;
	[tilespmem:s31+$0xFFFFFF90] =	vst v50  }
0x60: {  	v53 =	vor.u32 v2, v10;
	v56 =	vld.idx.msk [tilespmem:v47+s14+$0x0], $0xffff;
	[tilespmem:s21+$0xA0] =	vst v24  }
0x61: {  	v48 =	vor.u32 v3, v9;
	v52 =	vld.idx.msk [tilespmem:v45+s14+$0x0], $0xffff;
	[tilespmem:s31+$0x80] =	vst v21  }
0x62: {  	v55 =	vor.u32 v2, v17;
	[tilespmem:s31+$0xFFFFFF00] =	vst v44;
	v49 =	vld.idx.msk [tilespmem:v41+s14+$0x0], $0xffff  }
0x63: {  	v51 =	vor.u32 v2, v14;
	[tilespmem:s21+$0xFFFFFFA0] =	vst v39;
	v54 =	vld.idx.msk [tilespmem:v46+s14+$0x0], $0xffff  }
0x64: {  	v57 =	vor.u32 v2, v20;
	v12 =	vld.idx.msk [tilespmem:v40+s14+$0x0], $0xffff;
	[tilespmem:s21+$0x20] =	vst v22  }
0x65: {  	v8 =	vor.u32 v3, v8;
	v16 =	vld.idx.msk [tilespmem:v53+s14+$0x0], $0xffff;
	[tilespmem:s21+$0xFFFFFF20] =	vst v56  }
0x66: {  	v58 =	vor.u32 v3, v13;
	v9 =	vld.idx.msk [tilespmem:v48+s14+$0x0], $0xffff;
	[tilespmem:s31+$0x10] =	vst v52  }
0x67: {  	v60 =	vor.u32 v3, v10;
	v61 =	vld.idx.msk [tilespmem:v55+s14+$0x0], $0xffff;
	[tilespmem:s31+$0x90] =	vst v49  }
0x68: {  	v62 =	vor.u32 v3, v17;
	[tilespmem:s31+$0xFFFFFF10] =	vst v54;
	v15 =	vld.idx.msk [tilespmem:v51+s14+$0x0], $0xffff  }
0x69: {  	v59 =	vor.u32 v3, v14;
	[tilespmem:s21+$0xB0] =	vst v12;
	v12 =	vld.idx.msk [tilespmem:v57+s14+$0x0], $0xffff  }
0x6a: {  	v63 =	vor.u32 v3, v20;
	v8 =	vld.idx.msk [tilespmem:v8+s14+$0x0], $0xffff;
	[tilespmem:s31+$0xFFFFFFA0] =	vst v16  }
0x6b: {  	v13 =	vld.idx.msk [tilespmem:v58+s14+$0x0], $0xffff;
	[tilespmem:s21+$0xFFFFFFB0] =	vst v9  }
0x6c: {  	v10 =	vld.idx.msk [tilespmem:v60+s14+$0x0], $0xffff;
	[tilespmem:s31+$0x20] =	vst v61  }
0x6d: {  	v14 =	vld.idx.msk [tilespmem:v62+s14+$0x0], $0xffff;
	[tilespmem:s31+$0xA0] =	vst v15  }
0x6e: {  	[tilespmem:s31+$0xFFFFFF20] =	vst v12;
	v11 =	vld.idx.msk [tilespmem:v59+s14+$0x0], $0xffff  }
0x6f: {  	[tilespmem:s21+$0x30] =	vst v8;
	v8 =	vld.idx.msk [tilespmem:v63+s14+$0x0], $0xffff  }
0x70: {  	[tilespmem:s21+$0xFFFFFF30] =	vst v13  }
0x71: {  	[tilespmem:s31+$0xFFFFFFB0] =	vst v10  }
0x72: {  	[tilespmem:s31+$0x30] =	vst v14  }
0x73: {  	[tilespmem:s31+$0xB0] =	vst v11  }
0x74: {  	[tilespmem:s31+$0xFFFFFF30] =	vst v8  }
0x75: {  	[hbm4b:s7+s4] =	stream.linear.scatter [tilespmem:s16], [sflag:$0x5], $0x2000, $0x38;
	[tilespmem:$0x1C000] =	vst v63  }
0x76: {  	_ =	swait.ge [sflag:s15], $0x2000  }
0x77: {  	[sflag:s15] =	ssyncset.done $0x0  }
0x78: {  	[sflag:s15] =	ssyncadd.s32 $0xFFFFE000  }
.LBB2_5:
0x79: {  	s20 =	simm.s32 $0x0;
	p1 =	por $0x0, $0x0;
	s23 =	simm.s32 $0x0  }
0x7a: {  	[tilespmem:s20], [sflag:$0x1] =	stream.strided.gather [hbm4b:s8+s17], $0x4000, s18, s17, $0x38;
	[tilespmem:$0x1C000] =	vst v63  }
.LBB2_6:
0x7b: {  	s21 =	sadd.s32 $0x1, s23  }
0x7c: {  	p2 =	sge.u32 s21, s6  }
0x7d: {  	s22 =	sand.u32 $0x1, s23;
	s28 =	simm.s32 $0x1;
	s25 =	sshll.u32 @!p2 s21, $0x10  }
0x7e: {  	v8 =	vmov s28;
	s28 =	simm.s32 $0x3;
	s24 =	sxor.u32 @!p2 $0x1, s22;
	s25 =	sor.u32 @!p2 s9, s25  }
0x7f: {  	s29 =	simm.s32 @!p2 $0x800;
	s30 =	simm.s32 @!p2 $0x7A1400;
	s25 =	sshrl.u32 @!p2 s25, $0x3  }
0x80: {  	v9 =	vshll.u32 v8, $0x3;
	v10 =	vmov s28;
	s26 =	sshll.u32 @!p2 s24, $0xE;
	s24 =	sadd.s32 @!p2 $0x1, s24;
	s25 =	sadd.s32 @!p2 s0, s25  }
0x81: {  	v8 =	vand.u32 $0x7D, v8;
	v9 =	vand.u32 $0x400, v9;
	v11 =	vshll.u32 v10, $0x3;
	[tilespmem:s26], [sflag:s24] =	stream.strided.gather @!p2 [hbm4b:s25+s29], $0x4000, s30, s29, $0x38;
	[tilespmem:$0x1C000] =	vst v63  }
0x82: {  	v13 =	vor.u32 v8, v9;
	v8 =	vand.u32 $0x7F, v10;
	v9 =	vand.u32 $0x400, v11;
	s24 =	sadd.s32 $0x1, s22;
	s26 =	simm.s32 $0x2  }
0x83: {  	v10 =	vor.u32 v4, v13;
	v16 =	vor.u32 v8, v9;
	_ =	swait.ge [sflag:s24], $0x4000;
	v11 =	vmov s26  }
0x84: {  	v9 =	vmov s20;
	p2 =	slt.u32 s23, $0x2;
	v12 =	vor.u32 v4, v16;
	[sflag:s24] =	ssyncset.done $0x0;
	v8 =	vshll.u32 v11, $0x3  }
0x85: {  	v14 =	vshll.u32 v9, $0x3;
	s25 =	sadd.s32 @!p2 $0x3, s22;
	v11 =	vand.u32 $0x7E, v11;
	[sflag:s24] =	ssyncadd.s32 $0xFFFFC000;
	v8 =	vand.u32 $0x400, v8  }
0x86: {  	_ =	swait.ge @!p2 [sflag:s25], $0x8000;
	v26 =	vor.u32 v11, v8;
	v8 =	vand.u32 $0x7C, v9;
	v9 =	vand.u32 $0x400, v14  }
0x87: {  	s26 =	simm.s32 $0x5;
	[sflag:s25] =	ssyncset.done @!p2 $0x0;
	v14 =	vor.u32 v4, v26;
	v11 =	vor.u32 v8, v9  }
0x88: {  	s24 =	sshll.u32 s22, $0xE;
	v8 =	vmov s26;
	[sflag:s25] =	ssyncadd.s32 @!p2 $0xFFFF8000;
	v15 =	vor.u32 v4, v11  }
0x89: {  	v9 =	vshll.u32 v8, $0x3;
	v12 =	vld.idx.msk [tilespmem:v12+s24+$0x0], $0xffff  }
0x8a: {  	v17 =	vor.u32 v5, v16;
	s26 =	simm.s32 $0x6;
	s25 =	simm.s32 $0x1;
	v8 =	vand.u32 $0x7D, v8;
	v10 =	vld.idx.msk [tilespmem:v10+s24+$0x0], $0xffff;
	v9 =	vand.u32 $0x400, v9  }
0x8b: {  	v18 =	vor.u32 v5, v13;
	s25 =	simm.s32 @!p1 $0x0;
	v9 =	vor.u32 v8, v9;
	v8 =	vmov s26  }
0x8c: {  	v27 =	vor.u32 v6, v16;
	s25 =	sshll.u32 s25, $0xF;
	v19 =	vor.u32 v4, v9;
	v20 =	vshll.u32 v8, $0x3;
	v14 =	vld.idx.msk [tilespmem:v14+s24+$0x0], $0xffff  }
0x8d: {  	s28 =	simm.s32 $0x7;
	v21 =	vor.u32 v5, v26;
	s26 =	sadd.s32 $0x8100, s25;
	v8 =	vand.u32 $0x7E, v8;
	v22 =	vld.idx.msk [tilespmem:v15+s24+$0x0], $0xffff;
	v15 =	vand.u32 $0x400, v20  }
0x8e: {  	s25 =	simm.s32 $0x4;
	v20 =	vor.u32 v5, v11;
	v8 =	vor.u32 v8, v15;
	[tilespmem:s26+$0x80] =	vst v12;
	v15 =	vmov s28  }
0x8f: {  	v12 =	vmov s25;
	[tilespmem:s26+$0xFFFFFF80] =	vst v10;
	v23 =	vor.u32 v4, v8;
	v10 =	vld.idx.msk [tilespmem:v17+s24+$0x0], $0xffff;
	v17 =	vshll.u32 v15, $0x3  }
0x90: {  	v24 =	vand.u32 $0x7C, v12;
	v18 =	vld.idx.msk [tilespmem:v18+s24+$0x0], $0xffff;
	v25 =	vand.u32 $0x7F, v15;
	v17 =	vand.u32 $0x400, v17  }
0x91: {  	s25 =	simm.s32 $0x9;
	v15 =	vld.idx.msk [tilespmem:v19+s24+$0x0], $0xffff;
	v19 =	vor.u32 v6, v13;
	[tilespmem:s26+$0x0] =	vst v14;
	v14 =	vshll.u32 v12, $0x3;
	v12 =	vor.u32 v25, v17  }
0x92: {  	v29 =	vor.u32 v6, v26;
	v17 =	vmov s25;
	[tilespmem:s26+$0xFFFFFF00] =	vst v22;
	v21 =	vld.idx.msk [tilespmem:v21+s24+$0x0], $0xffff;
	v22 =	vor.u32 v4, v12  }
0x93: {  	v14 =	vand.u32 $0x400, v14;
	v25 =	vand.u32 $0x7D, v17;
	v28 =	vshll.u32 v17, $0x3;
	v20 =	vld.idx.msk [tilespmem:v20+s24+$0x0], $0xffff  }
0x94: {  	v14 =	vor.u32 v24, v14;
	v24 =	vor.u32 v6, v11;
	v17 =	vld.idx.msk [tilespmem:v23+s24+$0x0], $0xffff;
	v23 =	vand.u32 $0x400, v28;
	[tilespmem:s26+$0x90] =	vst v10  }
0x95: {  	[tilespmem:s26+$0xFFFFFF90] =	vst v18;
	v10 =	vor.u32 v25, v23;
	v23 =	vor.u32 v4, v14;
	v28 =	vld.idx.msk [tilespmem:v27+s24+$0x0], $0xffff  }
0x96: {  	v19 =	vld.idx.msk [tilespmem:v19+s24+$0x0], $0xffff;
	v30 =	vor.u32 v4, v10  }
0x97: {  	v32 =	vor.u32 v7, v13;
	[tilespmem:s26+$0x10] =	vst v21;
	v31 =	vld.idx.msk [tilespmem:v22+s24+$0x0], $0xffff  }
0x98: {  	v22 =	vor.u32 v7, v16;
	[tilespmem:s26+$0xFFFFFF10] =	vst v20;
	v20 =	vld.idx.msk [tilespmem:v29+s24+$0x0], $0xffff  }
0x99: {  	s25 =	simm.s32 $0xA;
	v25 =	vor.u32 v5, v12;
	v18 =	vld.idx.msk [tilespmem:v24+s24+$0x0], $0xffff  }
0x9a: {  	v13 =	vmov s25;
	v27 =	vor.u32 v5, v9;
	v21 =	vld.idx.msk [tilespmem:v23+s24+$0x0], $0xffff  }
0x9b: {  	v24 =	vor.u32 v5, v8;
	v23 =	vshll.u32 v13, $0x3;
	[tilespmem:s26+$0xFFFFFFA0] =	vst v19;
	v16 =	vld.idx.msk [tilespmem:v30+s24+$0x0], $0xffff  }
0x9c: {  	s31 =	simm.s32 $0xB;
	s28 =	sadd.s32 $0x200, s26;
	s25 =	sshll.u32 s22, $0xF;
	[tilespmem:s26+$0xA0] =	vst v28;
	v13 =	vand.u32 $0x7E, v13;
	v28 =	vand.u32 $0x400, v23;
	v23 =	vor.u32 v5, v14;
	v19 =	vld.idx.msk [tilespmem:v32+s24+$0x0], $0xffff  }
0x9d: {  	s29 =	simm.s32 $0x8;
	s30 =	simm.s32 $0xC;
	v26 =	vor.u32 v7, v26;
	s25 =	sadd.s32 $0x8000, s25;
	v22 =	vld.idx.msk [tilespmem:v22+s24+$0x0], $0xffff;
	v13 =	vor.u32 v13, v28;
	[tilespmem:s28+$0x80] =	vst v31  }
.LBB2_7:
0x9e: {  	p2 =	slt.u32 s30, $0xFC;
	v28 =	vmov s29;
	v29 =	vor.u32 v4, v13;
	v30 =	vmov s31;
	[tilespmem:s28+$0xFFFFFF80] =	vst v15;
	v25 =	vld.idx.msk [tilespmem:v25+s24+$0x0], $0xffff;
	s29 =	smov.u32 s30  }
0x9f: {  	v32 =	vor.u32 v7, v11;
	v11 =	vmovc v14;
	v31 =	vand.u32 $0x7C, v28;
	v15 =	vshll.u32 v30, $0x3;
	v27 =	vld.idx.msk [tilespmem:v27+s24+$0x0], $0xffff;
	[tilespmem:s28+$0x0] =	vst v17  }
0xa0: {  	v14 =	vand.u32 $0x7F, v30;
	v34 =	vand.u32 $0x400, v15;
	[tilespmem:s28+$0xFFFFFF00] =	vst v21;
	v21 =	vld.idx.msk [tilespmem:v24+s24+$0x0], $0xffff;
	v24 =	vor.u32 v6, v12  }
0xa1: {  	s31 =	sadd.s32 $0x1, s30;
	v17 =	vshll.u32 v28, $0x3;
	v30 =	vor.u32 v6, v9;
	v28 =	vor.u32 v14, v34;
	v23 =	vld.idx.msk [tilespmem:v23+s24+$0x0], $0xffff;
	[tilespmem:s26+$0x20] =	vst v20  }
0xa2: {  	v14 =	vmov s31;
	v20 =	vand.u32 $0x400, v17;
	v33 =	vor.u32 v4, v28;
	v26 =	vld.idx.msk [tilespmem:v26+s24+$0x0], $0xffff;
	[tilespmem:s26+$0xB0] =	vst v22;
	v15 =	vmovc v16  }
0xa3: {  	v16 =	vand.u32 $0x7D, v14;
	v14 =	vshll.u32 v14, $0x3;
	v22 =	vor.u32 v6, v8;
	v17 =	vld.idx.msk [tilespmem:v29+s24+$0x0], $0xffff;
	[tilespmem:s26+$0xFFFFFF20] =	vst v18  }
0xa4: {  	v18 =	vand.u32 $0x400, v14;
	v14 =	vor.u32 v31, v20;
	v29 =	vor.u32 v6, v11;
	[tilespmem:s28+$0x90] =	vst v25;
	v31 =	vld.idx.msk [tilespmem:v32+s24+$0x0], $0xffff  }
0xa5: {  	v16 =	vor.u32 v16, v18;
	v32 =	vor.u32 v4, v14;
	[tilespmem:s28+$0xFFFFFF90] =	vst v27;
	v34 =	vld.idx.msk [tilespmem:v24+s24+$0x0], $0xffff  }
0xa6: {  	v24 =	vor.u32 v4, v16;
	v30 =	vld.idx.msk [tilespmem:v30+s24+$0x0], $0xffff;
	[tilespmem:s28+$0x10] =	vst v21  }
0xa7: {  	v35 =	vor.u32 v7, v12;
	v12 =	vmov v28;
	v33 =	vld.idx.msk [tilespmem:v33+s24+$0x0], $0xffff;
	[tilespmem:s28+$0xFFFFFF10] =	vst v23  }
0xa8: {  	v28 =	vor.u32 v7, v9;
	v9 =	vmov v10;
	v10 =	vmov v16;
	v20 =	vld.idx.msk [tilespmem:v22+s24+$0x0], $0xffff;
	[tilespmem:s26+$0xFFFFFFB0] =	vst v19  }
.Ltmp2:
0xa9: {  	s31 =	sadd.s32 $0x2, s30;
	v25 =	vor.u32 v5, v12;
	v18 =	vld.idx.msk [tilespmem:v29+s24+$0x0], $0xffff;
	[tilespmem:s26+$0x30] =	vst v26;
	(pc) =	sbr.rel @p2 .LBB2_7-.Ltmp2, $4  }
0xaa: {  	v27 =	vor.u32 v5, v9;
	v19 =	vmov s31;
	v21 =	vld.idx.msk [tilespmem:v32+s24+$0x0], $0xffff;
	[tilespmem:s26+$0xFFFFFF30] =	vst v31;
	s26 =	smov.u32 s28  }
0xab: {  	v22 =	vshll.u32 v19, $0x3;
	v16 =	vld.idx.msk [tilespmem:v24+s24+$0x0], $0xffff;
	v24 =	vor.u32 v5, v13;
	[tilespmem:s28+$0xA0] =	vst v34  }
0xac: {  	v23 =	vor.u32 v5, v14;
	v29 =	vand.u32 $0x7E, v19;
	v31 =	vand.u32 $0x400, v22;
	s28 =	sadd.s32 $0x200, s28;
	[tilespmem:s26+$0xFFFFFFA0] =	vst v30;
	v22 =	vld.idx.msk [tilespmem:v35+s24+$0x0], $0xffff  }
0xad: {  	s30 =	sadd.s32 $0x4, s30;
	s31 =	sadd.s32 $0x3, s29;
	v26 =	vor.u32 v7, v8;
	v8 =	vmov v13;
	v13 =	vor.u32 v29, v31;
	[tilespmem:s28+$0x80] =	vst v33;
	v19 =	vld.idx.msk [tilespmem:v28+s24+$0x0], $0xffff  }
0xae: {  	_ = 	snop  }
0xaf: {  	[tilespmem:s28+$0xFFFFFF80] =	vst v15  }
0xb0: {  	[tilespmem:s28+$0x0] =	vst v17  }
0xb1: {  	v59 =	vmov s31;
	[tilespmem:s26+$0x20] =	vst v20  }
0xb2: {  	v25 =	vld.idx.msk [tilespmem:v25+s24+$0x0], $0xffff;
	v11 =	vor.u32 v7, v11;
	v62 =	vor.u32 v6, v12;
	v63 =	vmov s29;
	[tilespmem:s26+$0xFFFFFF20] =	vst v18  }
0xb3: {  	v38 =	vor.u32 v4, v13;
	v44 =	vor.u32 v5, v10;
	s31 =	sadd.s32 $0x200, s28;
	v60 =	vshll.u32 v59, $0x3;
	v27 =	vld.idx.msk [tilespmem:v27+s24+$0x0], $0xffff;
	[tilespmem:s28+$0xFFFFFF00] =	vst v21  }
0xb4: {  	v15 =	vand.u32 $0x7F, v59;
	v61 =	vld.idx.msk [tilespmem:v24+s24+$0x0], $0xffff;
	v34 =	vshll.u32 v63, $0x3;
	v17 =	vand.u32 $0x400, v60;
	[tilespmem:s31+$0xFFFFFF80] =	vst v16  }
0xb5: {  	v35 =	vand.u32 $0x7C, v63;
	v37 =	vld.idx.msk [tilespmem:v26+s24+$0x0], $0xffff;
	v36 =	vand.u32 $0x400, v34;
	v15 =	vor.u32 v15, v17;
	[tilespmem:s26+$0xB0] =	vst v22  }
0xb6: {  	v32 =	vld.idx.msk [tilespmem:v23+s24+$0x0], $0xffff;
	v18 =	vor.u32 v35, v36;
	v28 =	vor.u32 v4, v15;
	[tilespmem:s26+$0xFFFFFFB0] =	vst v19  }
0xb7: {  	v20 =	vor.u32 v4, v18;
	[tilespmem:s28+$0x90] =	vst v25;
	v11 =	vld.idx.msk [tilespmem:v11+s24+$0x0], $0xffff  }
0xb8: {  	v33 =	vor.u32 v6, v9;
	v43 =	vld.idx.msk [tilespmem:v38+s24+$0x0], $0xffff;
	[tilespmem:s28+$0xFFFFFF90] =	vst v27  }
0xb9: {  	v39 =	vor.u32 v6, v8;
	v51 =	vld.idx.msk [tilespmem:v44+s24+$0x0], $0xffff;
	[tilespmem:s28+$0x10] =	vst v61  }
0xba: {  	v46 =	vor.u32 v5, v13;
	v24 =	vld.idx.msk [tilespmem:v62+s24+$0x0], $0xffff;
	[tilespmem:s26+$0x30] =	vst v37  }
0xbb: {  	v54 =	vor.u32 v6, v10;
	[tilespmem:s28+$0xFFFFFF10] =	vst v32;
	v40 =	vld.idx.msk [tilespmem:v28+s24+$0x0], $0xffff  }
0xbc: {  	v42 =	vor.u32 v5, v15;
	v45 =	vld.idx.msk [tilespmem:v20+s24+$0x0], $0xffff;
	[tilespmem:s26+$0xFFFFFF30] =	vst v11  }
0xbd: {  	v47 =	vor.u32 v5, v18;
	v23 =	vld.idx.msk [tilespmem:v33+s24+$0x0], $0xffff;
	[tilespmem:s31+$0x0] =	vst v43  }
0xbe: {  	v41 =	vor.u32 v7, v12;
	v21 =	vld.idx.msk [tilespmem:v39+s24+$0x0], $0xffff;
	[tilespmem:s31+$0xFFFFFF90] =	vst v51  }
0xbf: {  	v48 =	vor.u32 v6, v14;
	[tilespmem:s28+$0xA0] =	vst v24;
	v53 =	vld.idx.msk [tilespmem:v46+s24+$0x0], $0xffff  }
0xc0: {  	v49 =	vor.u32 v7, v9;
	v17 =	vld.idx.msk [tilespmem:v54+s24+$0x0], $0xffff;
	[tilespmem:s31+$0x80] =	vst v40  }
0xc1: {  	v56 =	vor.u32 v6, v13;
	[tilespmem:s31+$0xFFFFFF00] =	vst v45;
	v50 =	vld.idx.msk [tilespmem:v42+s24+$0x0], $0xffff  }
0xc2: {  	v52 =	vor.u32 v6, v15;
	[tilespmem:s28+$0xFFFFFFA0] =	vst v23;
	v55 =	vld.idx.msk [tilespmem:v47+s24+$0x0], $0xffff  }
0xc3: {  	v57 =	vor.u32 v6, v18;
	v12 =	vld.idx.msk [tilespmem:v41+s24+$0x0], $0xffff;
	[tilespmem:s28+$0x20] =	vst v21  }
0xc4: {  	v8 =	vor.u32 v7, v8;
	v23 =	vld.idx.msk [tilespmem:v48+s24+$0x0], $0xffff;
	[tilespmem:s31+$0x10] =	vst v53  }
0xc5: {  	v60 =	vor.u32 v7, v10;
	v9 =	vld.idx.msk [tilespmem:v49+s24+$0x0], $0xffff;
	[tilespmem:s31+$0xFFFFFFA0] =	vst v17  }
0xc6: {  	v58 =	vor.u32 v7, v14;
	v61 =	vld.idx.msk [tilespmem:v56+s24+$0x0], $0xffff;
	[tilespmem:s31+$0x90] =	vst v50  }
0xc7: {  	v62 =	vor.u32 v7, v13;
	[tilespmem:s31+$0xFFFFFF10] =	vst v55;
	v16 =	vld.idx.msk [tilespmem:v52+s24+$0x0], $0xffff  }
0xc8: {  	v59 =	vor.u32 v7, v15;
	[tilespmem:s28+$0xB0] =	vst v12;
	v12 =	vld.idx.msk [tilespmem:v57+s24+$0x0], $0xffff  }
0xc9: {  	v63 =	vor.u32 v7, v18;
	v8 =	vld.idx.msk [tilespmem:v8+s24+$0x0], $0xffff;
	[tilespmem:s28+$0xFFFFFF20] =	vst v23  }
0xca: {  	v10 =	vld.idx.msk [tilespmem:v60+s24+$0x0], $0xffff;
	[tilespmem:s28+$0xFFFFFFB0] =	vst v9  }
0xcb: {  	v14 =	vld.idx.msk [tilespmem:v58+s24+$0x0], $0xffff;
	[tilespmem:s31+$0x20] =	vst v61  }
0xcc: {  	v13 =	vld.idx.msk [tilespmem:v62+s24+$0x0], $0xffff;
	[tilespmem:s31+$0xA0] =	vst v16  }
0xcd: {  	[tilespmem:s31+$0xFFFFFF20] =	vst v12;
	v11 =	vld.idx.msk [tilespmem:v59+s24+$0x0], $0xffff  }
0xce: {  	[tilespmem:s28+$0x30] =	vst v8;
	v8 =	vld.idx.msk [tilespmem:v63+s24+$0x0], $0xffff  }
0xcf: {  	[tilespmem:s31+$0xFFFFFFB0] =	vst v10  }
0xd0: {  	s23 =	sshll.u32 s23, $0x14;
	p2 =	sne.s32 s21, s6;
	[tilespmem:s28+$0xFFFFFF30] =	vst v14  }
.Ltmp3:
0xd1: {  	s23 =	sor.u32 s10, s23;
	[tilespmem:s31+$0x30] =	vst v13;
	(pc) =	sbr.rel @p2 .LBB2_6-.Ltmp3, $4  }
0xd2: {  	s23 =	sshrl.u32 s23, $0x3;
	[tilespmem:s31+$0xB0] =	vst v11  }
0xd3: {  	s22 =	sadd.s32 $0x3, s22;
	s23 =	sadd.s32 s5, s23;
	[tilespmem:s31+$0xFFFFFF30] =	vst v8  }
0xd4: {  	[hbm4b:s23+s4] =	stream.linear.scatter [tilespmem:s25], [sflag:s22], $0x8000, $0x38;
	[tilespmem:$0x1C000] =	vst v63  }
0xd5: {  	p1 =	por !p1, !p1;
	s23 =	smov.u32 s21  }
0xd6: {  	s19 =	sadd.s32 $0x1, s19  }
0xd7: {  	_ =	swait.ge [sflag:s11], $0x8000;
	p1 =	sne.s32 s19, s13  }
.Ltmp4:
0xd8: {  	[sflag:s11] =	ssyncset.done $0x0;
	(pc) =	sbr.rel @p1 .LBB2_1-.Ltmp4, $4  }
0xd9: {  	[sflag:s11] =	ssyncadd.s32 $0xFFFF8000  }
0xda: {  	_ =	swait.ge [sflag:s12], $0x8000  }
0xdb: {  	[sflag:s12] =	ssyncset.done $0x0  }
0xdc: {  	[sflag:s12] =	ssyncadd.s32 $0xFFFF8000  }
0xdd: {  	_ =	sfence.sel $0x180000  }
0xde: {  	[bflag:$0x0] =	sbarrier.arrive $0xFFFF  }
0xdf: {  	p0 =	sne.s32 s3, $0x0;
	_ =	strace $0x90000047  }
0xe0: {  	s0 =	sadd.s32 @!p0 $0x100000, s2;
	[bflag:$0x2] =	sbarrier.arrive $0xFFFF  }
0xe1: {  	[sflag:s0] =	ssyncadd.tile.s32 @!p0 $0x1;
	_ =	shalt  }
.Lfunc_end2:
_tile_overlayer_lowered:
.L_overlay_start_2:
0xe2: {  	(tag) =	ssettag $0x2  }
0xe3: {  	s0 =	rddreg [dreg:$0x0];
	s2 =	stileid.u32  }
0xe4: {  	s1 =	rddreg [dreg:$0x1];
	p0 =	sne.s32 s2, $0x0  }
0xe5: {  	s3 =	rddreg [dreg:$0x2];
	[bflag:$0x3] =	sbarrier.arrive $0xFFFF;
	s2 =	simm.s32 @!p0 $0x1C05  }
0xe6: {  	[timem:s3], [sflag:s2] =	dma.local @!p0 [hbm:s0], s1  }
0xe7: {  	s0 =	simm.s32 @!p0 $0x5  }
0xe8: {  	_ =	swait.ge @!p0 [sflag:s0], s1  }
0xe9: {  	s1 =	ssub.s32 @!p0 $0x0, s1;
	[sflag:s0] =	ssyncset.done @!p0 $0x0  }
0xea: {  	[sflag:s0] =	ssyncadd.s32 @!p0 s1  }
0xeb: {  	[bflag:$0x3] =	sbarrier.arrive $0xFFFF  }
0xec: {  	_ =	shalt  }

// kernel: kernel.7.cloned.1.call-start
scs
__scs_entry_jumppad:
0x0: {  	(pc) =	sbr.rel $0x88, $3  }
0x1: {  	(tag) =	ssettag $0x0;
	lr =	simm.s32 $0x1  }
0x2: {  	[smem:$0x3F9E] =	sst lr;
	_ =	strace $0xD0000000  }
0x3: {  	_ = 	snop  }
0x4: {  	_ = 	snop  }
0x5: {  	_ = 	snop  }
0x6: {  	_ = 	snop  }
0x7: {  	_ = 	snop  }
__scs_overlays_trampoline_lowered:
0x8: {  	[smem:$0x3FAD] =	sst s0  }
0x9: {  	[smem:$0x3FAE] =	sst s1  }
0xa: {  	[smem:$0x3FAF] =	sst s2  }
0xb: {  	[smem:$0x3FB0] =	sst s3  }
0xc: {  	[smem:$0x3FB1] =	sst s4  }
0xd: {  	[smem:$0x3FB2] =	sst s5  }
0xe: {  	[smem:$0x3FB3] =	sst s6  }
0xf: {  	[smem:$0x3FB4] =	sst s7  }
0x10: {  	[smem:$0x3FB5] =	sst s8  }
0x11: {  	[smem:$0x3FB6] =	sst s9;
	s0 =	simm.s32 @!p0 $0x0  }
0x12: {  	s1 =	sld [smem:$0x3F9C];
	s0 =	simm.s32 @p0 $0x1  }
0x13: {  	[smem:$0x3FB7] =	sst s0;
	s0 =	simm.s32 @!p1 $0x0  }
0x14: {  	s2 =	sld [smem:$0x3F9B];
	s0 =	simm.s32 @p1 $0x1  }
0x15: {  	[smem:$0x3FB8] =	sst s0;
	s0 =	simm.s32 @!p2 $0x0  }
0x16: {  	s3 =	sld [smem:$0x3FDB];
	s0 =	simm.s32 @p2 $0x1  }
0x17: {  	s4 =	simm.s32 $0x1BF5;
	[smem:$0x3FBA] =	sst s0  }
0x18: {  	s0 =	sld [smem:$0x3F9D];
	_ =	swait.ge [sflag:s4], $0x0  }
0x19: {  	s7 =	sld [smem:$0x3F9E]  }
0x1a: {  	s8 =	sadd.s32 $0xFFFFE003, lr  }
0x1b: {  	s9 =	sadd.s32 $0xFFFFFEF7, lr;
	s5 =	simm.s32 $0xFFFFFFFF;
	p2 =	slt.u32 s8, $0xFFFFF086  }
0x1c: {  	p1 =	slt.u32 s9, $0xF7A;
	s5 =	simm.s32 @!p2 $0x0  }
0x1d: {  	s5 =	simm.s32 @p1 $0x1;
	p0 =	seq.s32 s7, s2  }
0x1e: {  	s7 =	smul.u32 @!p0 $0xF7A, s2;
	p2 =	seq.s32 @!p0 s5, $0x0  }
0x1f: {  	s9 =	smul.u32 $0xF7A, s1;
	s8 =	simm.s32 @!p0 $0x1BF5;
	p2 =	por !p2, p0  }
0x20: {  	[sflag:s8] =	ssyncset.s32 @!p0 $0xFFFFF086;
	s6 =	sadd.s32 @!p0 s3, s7;
	s7 =	simm.s32 @!p0 $0x108  }
0x21: {  	s3 =	sadd.s32 s3, s9;
	s6 =	sadd.s32 @!p0 $0x88, s6;
	s7 =	simm.s32 @p2 $0x1082  }
0x22: {  	[simem:s7], [sflag:s8] =	dma.local @!p0 [hbm:s6], $0xF7A  }
0x23: {  	s9 =	sor.u32 $0xD0000000, s2;
	s6 =	simm.s32 $0x108;
	_ =	swait.ge @!p0 [sflag:s8], $0x0  }
0x24: {  	s3 =	sadd.s32 $0x88, s3;
	s6 =	simm.s32 @!p1 $0x1082;
	[sflag:s4] =	ssyncset.s32 $0xFFFFF086  }
0x25: {  	[simem:s6], [sflag:s4] =	dma.local [hbm:s3], $0xF7A  }
0x26: {  	[smem:$0x3F9E] =	sst s1;
	(tag) =	ssettag s2;
	_ =	strace s9  }
0x27: {  	s1 =	sld [smem:$0x3FAE]  }
0x28: {  	s2 =	sld [smem:$0x3FAF]  }
0x29: {  	s4 =	sld [smem:$0x3FB1]  }
0x2a: {  	p0 =	seq.s32 s5, $0x0;
	s5 =	sld [smem:$0x3FB2]  }
0x2b: {  	s6 =	sld [smem:$0x3FB3]  }
0x2c: {  	s7 =	sld [smem:$0x3FB4]  }
0x2d: {  	s3 =	simm.s32 $0x108;
	s8 =	sld [smem:$0x3FB5]  }
0x2e: {  	s3 =	simm.s32 @!p0 $0x1082;
	s9 =	sld [smem:$0x3FB6]  }
0x2f: {  	lr =	sadd.s32 s0, s3;
	s0 =	sld [smem:$0x3FAD]  }
0x30: {  	s3 =	sld [smem:$0x3FB0]  }
0x31: {  	[smem:$0x3FB9] =	sst s10  }
0x32: {  	s10 =	sld [smem:$0x3FB7];
	_ =	sdelay $0x3  }
0x33: {  	p0 =	seq.s32 s10, $0x1;
	s10 =	sld [smem:$0x3FB9];
	_ =	sdelay $0x3  }
0x34: {  	[smem:$0x3FB9] =	sst s10  }
0x35: {  	s10 =	sld [smem:$0x3FB8];
	_ =	sdelay $0x3  }
0x36: {  	p1 =	seq.s32 s10, $0x1;
	s10 =	sld [smem:$0x3FB9];
	_ =	sdelay $0x3  }
0x37: {  	[smem:$0x3FB9] =	sst s10  }
0x38: {  	s10 =	sld [smem:$0x3FBA]  }
0x39: {  	_ = 	snop;
	(pc) =	sbr.ind lr, $3  }
0x3a: {  	_ = 	snop  }
0x3b: {  	_ = 	snop  }
0x3c: {  	p2 =	seq.s32 s10, $0x1;
	s10 =	sld [smem:$0x3FB9]  }
0x3d: {  	_ =	shalt  }
0x3e: {  	_ =	shalt  }
0x3f: {  	_ =	shalt  }
0x40: {  	_ =	shalt  }
0x41: {  	_ =	shalt  }
0x42: {  	_ =	shalt  }
0x43: {  	_ =	shalt  }
0x44: {  	_ =	shalt  }
0x45: {  	_ =	shalt  }
0x46: {  	_ =	shalt  }
0x47: {  	_ =	shalt  }
0x48: {  	_ =	shalt  }
0x49: {  	_ =	shalt  }
0x4a: {  	_ =	shalt  }
0x4b: {  	_ =	shalt  }
0x4c: {  	_ =	shalt  }
0x4d: {  	_ =	shalt  }
0x4e: {  	_ =	shalt  }
0x4f: {  	_ =	shalt  }
0x50: {  	_ =	shalt  }
0x51: {  	_ =	shalt  }
0x52: {  	_ =	shalt  }
0x53: {  	_ =	shalt  }
0x54: {  	_ =	shalt  }
0x55: {  	_ =	shalt  }
0x56: {  	_ =	shalt  }
0x57: {  	_ =	shalt  }
0x58: {  	_ =	shalt  }
0x59: {  	_ =	shalt  }
0x5a: {  	_ =	shalt  }
0x5b: {  	_ =	shalt  }
0x5c: {  	_ =	shalt  }
0x5d: {  	_ =	shalt  }
0x5e: {  	_ =	shalt  }
0x5f: {  	_ =	shalt  }
0x60: {  	_ =	shalt  }
0x61: {  	_ =	shalt  }
0x62: {  	_ =	shalt  }
0x63: {  	_ =	shalt  }
0x64: {  	_ =	shalt  }
0x65: {  	_ =	shalt  }
0x66: {  	_ =	shalt  }
0x67: {  	_ =	shalt  }
0x68: {  	_ =	shalt  }
0x69: {  	_ =	shalt  }
0x6a: {  	_ =	shalt  }
0x6b: {  	_ =	shalt  }
0x6c: {  	_ =	shalt  }
0x6d: {  	_ =	shalt  }
0x6e: {  	_ =	shalt  }
0x6f: {  	_ =	shalt  }
0x70: {  	_ =	shalt  }
0x71: {  	_ =	shalt  }
0x72: {  	_ =	shalt  }
0x73: {  	_ =	shalt  }
0x74: {  	_ =	shalt  }
0x75: {  	_ =	shalt  }
0x76: {  	_ =	shalt  }
0x77: {  	_ =	shalt  }
0x78: {  	_ =	shalt  }
0x79: {  	_ =	shalt  }
0x7a: {  	_ =	shalt  }
0x7b: {  	_ =	shalt  }
0x7c: {  	_ =	shalt  }
0x7d: {  	_ =	shalt  }
0x7e: {  	_ =	shalt  }
0x7f: {  	_ =	shalt  }
0x80: {  	_ =	shalt  }
0x81: {  	_ =	shalt  }
0x82: {  	_ =	shalt  }
0x83: {  	_ =	shalt  }
0x84: {  	_ =	shalt  }
0x85: {  	_ =	shalt  }
0x86: {  	_ =	shalt  }
0x87: {  	_ =	shalt  }
.Lfunc_end0:
.L_simem_size_0:
called_computation.1_lowered:
.L_overlay_start_0:
0x88: {  	s2 =	sld [smem:$0x3FD9]  }
0x89: {  	s3 =	sld [smem:$0x3FFE];
	_ =	sdelay $0x1  }
0x8a: {  	s1 =	srdreg.scid  }
0x8b: {  	s0 =	sand.u32 $0x1, s1  }
0x8c: {  	s17 =	sshll.u32 s0, $0xA;
	s2 =	sadd.s32 s3, s2  }
0x8d: {  	s2 =	sadd.s32 s2, s17  }
0x8e: {  	[smem:$0x3FC5] =	sst s2  }
0x8f: {  	_ = 	snop  }
0x90: {  	s2 =	sld [smem:$0x3FC9]  }
0x91: {  	s18 =	sld [smem:$0x3FC8]  }
0x92: {  	s4 =	sld [smem:$0x3FD0];
	(tm) =	ssettm $0x1  }
0x93: {  	s5 =	sld [smem:$0x3FFB];
	_ =	sdelay $0x3  }
0x94: {  	_ =	strace s5  }
0x95: {  	s5 =	sld [smem:$0x3FFC];
	_ =	sdelay $0x3  }
0x96: {  	_ =	strace s5  }
0x97: {  	s5 =	sld [smem:$0x3FFD];
	_ =	sdelay $0x3  }
0x98: {  	_ =	strace s5  }
0x99: {  	_ =	strace $0x8FFFFFFF  }
0x9a: {  	s19 =	sld [smem:$0x3FDB];
	_ =	sdelay $0x1  }
0x9b: {  	s6 =	simm.s32 $_scs_section_size  }
0x9c: {  	s7 =	simm.s32 $_size__tile_overlayer_lowered;
	s8 =	simm.s32 $_tile_overlayer_lowered  }
0x9d: {  	s22 =	simm.s32 $0x1BFF;
	s21 =	sshll.u32 s8, $0x1;
	s5 =	sadd.s32 s6, s19  }
0x9e: {  	s9 =	simm.s32 $0x0;
	s20 =	sshll.u32 s7, $0x1;
	s7 =	sadd.s32 s21, s5  }
0x9f: {  	[timem:s9], [sflag:s22] =	dma.local [hbm:s7], s20  }
0xa0: {  	_ =	swait.ge [sflag:s22], s20  }
0xa1: {  	s6 =	ssub.s32 $0x0, s20;
	[sflag:s22] =	ssyncset.done $0x0  }
0xa2: {  	[sflag:s22] =	ssyncadd.s32 s6;
	_ =	sdelay $0x1  }
0xa3: {  	s23 =	simm.s32 $0x1B8B  }
0xa4: {  	_ =	swait.ge [sflag:s23], $0x1  }
0xa5: {  	[sflag:s23] =	ssyncset.done $0x0  }
0xa6: {  	s25 =	simm.s32 $0x1B8E;
	s24 =	sld [smem:$0x3FFE];
	[sflag:s23] =	ssyncadd.s32 $0xFFFFFFFF  }
0xa7: {  	s26 =	simm.s32 $execute0_lowered;
	[smem:$0x3FD2] =	sst s25  }
0xa8: {  	s7 =	sshll.u32 s26, $0x1;
	_ =	strace $0x80000049;
	[dreg:$0x1] =	wrdreg $0xFFFFFFFF  }
0xa9: {  	s28 =	simm.s32 $_size_execute0_lowered;
	s5 =	sadd.s32 s5, s7;
	[dreg:$0x0] =	wrdreg $0x0  }
0xaa: {  	s7 =	sshll.u32 s28, $0x1;
	[dreg:$0x2] =	wrdreg s5  }
0xab: {  	[dreg:$0x3] =	wrdreg s7  }
0xac: {  	[dreg:$0x4] =	wrdreg $0xC0  }
0xad: {  	_ =	task [dreg:s9], $0x5FFFF  }
0xae: {  	[dreg:$0x1] =	wrdreg $0xFFFFFFFF  }
0xaf: {  	[dreg:$0x0] =	wrdreg $0x60  }
0xb0: {  	[dreg:$0x2] =	wrdreg s2  }
0xb1: {  	[dreg:$0x3] =	wrdreg s18  }
0xb2: {  	[dreg:$0x4] =	wrdreg s24  }
0xb3: {  	[dreg:$0x5] =	wrdreg s4  }
0xb4: {  	[dreg:$0x6] =	wrdreg $0x9  }
0xb5: {  	_ =	task.clear_ibuf [dreg:s9], $0x7FFFF;
	_ =	strace $0x90000049  }
0xb6: {  	s29 =	simm.s32 $0x9;
	_ =	strace $0x8000004B  }
0xb7: {  	_ =	swait.ge [sflag:s29], $0x1  }
0xb8: {  	[sflag:s29] =	ssyncadd.s32 $0xFFFFFFFF  }
0xb9: {  	_ =	strace $0x9000004B  }
0xba: {  	_ =	sfence  }
0xbb: {  	s30 =	sld [smem:$0x0];
	_ =	sdelay $0x2  }
0xbc: {  	s31 =	sshll.u32 s1, $0xD;
	s1 =	sshrl.u32 s1, $0x2  }
0xbd: {  	s3 =	sand.u32 $0x4000, s31;
	s1 =	sadd.s32 s1, s30  }
0xbe: {  	s0 =	sor.u32 s3, s0;
	s1 =	sshll.u32 s1, $0x11  }
0xbf: {  	s0 =	sor.u32 s1, s0  }
0xc0: {  	s0 =	sadd.s32 $0x8F2B, s0  }
0xc1: {  	[sflag:s0] =	ssyncadd.remote.s32 $0x1  }
0xc2: {  	_ =	sfence.sel $0xFFFF  }
0xc3: {  	[dreg:$0x0] =	wrdreg $0xFFFFFFFF;
	(pc) =	sbr.abs _section_cstart, $3  }
0xc4: {  	[dreg:$0x1] =	wrdreg $0xFFFFFFFF  }
0xc5: {  	_ =	task.clear_ibuf [dreg:s9], $0x2FFFF;
	_ =	strace $0x9FFFFFFF  }
0xc6: {  	(tm) =	ssettm $0x7FFFFFFF  }
0xc7: {  	_ =	shalt  }
tec
execute0_lowered:
.L_overlay_start_1:
0x0: {  	(tag) =	ssettag $0x1  }
0x1: {  	s1 =	rddreg [dreg:$0x0]  }
0x2: {  	s2 =	rddreg [dreg:$0x1]  }
0x3: {  	s0 =	rddreg [dreg:$0x2]  }
0x4: {  	s4 =	rddreg [dreg:$0x3];
	s3 =	srdreg.scid;
	s5 =	simm.s32 $0x0  }
0x5: {  	s6 =	stileid.u32;
	s15 =	simm.s32 $0x400;
	s17 =	simm.s32 $0x1  }
0x6: {  	s18 =	simm.s32 $0x80;
	s19 =	simm.s32 $0x1000;
	s3 =	sand.u32 $0x1, s3  }
0x7: {  	s21 =	simm.s32 $0x1080;
	s6 =	sshll.u32 s6, $0xB;
	s7 =	sshll.u32 s3, $0xA  }
0x8: {  	[smem:$0x7FF] =	sst s5;
	s3 =	ssub.s32 $0x2, s3;
	s6 =	sor.u32 s7, s6  }
0x9: {  	_ =	strace $0x8000004A;
	s28 =	sshrl.u32 s3, $0x1;
	s8 =	sshrl.u32 s6, $0x3  }
0xa: {  	v0 =	vlaneseq.u32;
	s7 =	sadd.s32 $0x800, s0;
	s0 =	ssub.s32 s3, s28;
	s29 =	sadd.s32 s1, s8  }
0xb: {  	v0 =	vmul.u32 $0x80, v0;
	s30 =	sor.u32 $0x1000, s8;
	s8 =	sadd.s32 s2, s8;
	[dreg:$0x5] =	wrdreg s29  }
0xc: {  	s22 =	simm.s32 $0x5100;
	s0 =	smax.u32 s0, $0x1;
	[dreg:$0x6] =	wrdreg s8  }
0xd: {  	s23 =	simm.s32 $0xC8000;
	v1 =	vor.u32 $0x800, v0;
	s31 =	sadd.s32 s1, s30;
	[dreg:$0x9] =	wrdreg s0  }
0xe: {  	s24 =	simm.s32 $0xD100;
	v2 =	vor.u32 $0x1000, v0;
	v3 =	vor.u32 $0x1800, v0;
	v4 =	vor.u32 $0x2000, v0;
	s3 =	sadd.s32 s2, s30;
	[dreg:$0x7] =	wrdreg s31  }
0xf: {  	s26 =	simm.s32 $0x0;
	v5 =	vor.u32 $0x2800, v0;
	v6 =	vor.u32 $0x3000, v0;
	v7 =	vor.u32 $0x3800, v0;
	s12 =	sor.u32 $0x10000, s6;
	[dreg:$0x8] =	wrdreg s3  }
.LBB2_1:
0x10: {  	s0 =	rddreg [dreg:$0x5]  }
0x11: {  	[tilespmem:s5], [sflag:$0x1] =	stream.linear.gather [hbm4b:s0+s5], $0x400, $0x38;
	[tilespmem:$0x1D100] =	vst v63  }
0x12: {  	s20 =	rddreg [dreg:$0x6];
	s3 =	simm.s32 $0x800  }
0x13: {  	[tilespmem:s3], [sflag:$0x1] =	stream.linear.gather [hbm4b:s20+s5], $0x400, $0x38;
	[tilespmem:$0x1D100] =	vst v63  }
0x14: {  	s25 =	rddreg [dreg:$0x7]  }
0x15: {  	[tilespmem:s15], [sflag:$0x2] =	stream.linear.gather [hbm4b:s25+s5], $0x400, $0x38;
	[tilespmem:$0x1D100] =	vst v63  }
0x16: {  	s29 =	rddreg [dreg:$0x8];
	s30 =	simm.s32 $0xC00  }
0x17: {  	[tilespmem:s30], [sflag:$0x2] =	stream.linear.gather [hbm4b:s29+s5], $0x400, $0x38;
	[tilespmem:$0x1D100] =	vst v63  }
0x18: {  	_ =	swait.ge [sflag:s17], $0x400  }
0x19: {  	[sflag:s17] =	ssyncset.done $0x0  }
0x1a: {  	[sflag:s17] =	ssyncadd.s32 $0xFFFFFC00  }
0x1b: {  	_ =	swait.ge [sflag:s17], $0x400  }
0x1c: {  	[sflag:s17] =	ssyncset.done $0x0  }
0x1d: {  	[sflag:s17] =	ssyncadd.s32 $0xFFFFFC00  }
0x1e: {  	v8 =	vld [tilespmem:$0x0]  }
0x1f: {  	v9 =	vld [tilespmem:$0x10]  }
0x20: {  	v10 =	vld [tilespmem:$0x20]  }
0x21: {  	v11 =	vld [tilespmem:$0x30]  }
0x22: {  	v12 =	vld [tilespmem:$0x40]  }
0x23: {  	v62 =	vld [tilespmem:$0x60];
	[tilespmem:$0x1000] =	vst v8  }
0x24: {  	v63 =	vld [tilespmem:$0x70];
	[tilespmem:$0x1010] =	vst v9  }
0x25: {  	v8 =	vld [tilespmem:$0x50];
	[tilespmem:$0x1020] =	vst v10  }
0x26: {  	[tilespmem:$0x1030] =	vst v11  }
0x27: {  	[tilespmem:$0x1040] =	vst v12  }
0x28: {  	[tilespmem:$0x1060] =	vst v62  }
0x29: {  	[tilespmem:$0x1070] =	vst v63  }
0x2a: {  	s31 =	simm.s32 $0x1100;
	s28 =	simm.s32 $0x0;
	[tilespmem:$0x1050] =	vst v8  }
0x2b: {  	[tilespmem:s31], [sflag:$0x3] =	stream.indirect.gather [hbm4b:s7+s18], $0x80, s19, s18, $0xb8;
	[tilespmem:$0x1D100] =	vst v63  }
.LBB2_2:
0x2c: {  	s29 =	sand.u32 $0x1, s28  }
0x2d: {  	s3 =	simm.s32 $0x0;
	s13 =	simm.s32 $0xD500;
	s31 =	sshll.u32 s29, $0xA  }
0x2e: {  	p0 =	seq.s32 s28, $0x0;
	s0 =	sxor.u32 $0x1, s29;
	s8 =	sor.u32 $0x800, s31  }
0x2f: {  	p1 =	seq.s32 s28, $0x18;
	s30 =	sadd.s32 $0x1, s0;
	s0 =	sshll.u32 s0, $0xA;
	v8 =	vmov s31;
	v9 =	vmov s8  }
.LBB2_3:
0x30: {  	s8 =	smul.u32 $0xAB, s3;
	_ =	sdelay $0x1  }
0x31: {  	s8 =	sshrl.u32 s8, $0x9  }
0x32: {  	s8 =	sand.u32 $0x7F, s8  }
0x33: {  	s8 =	smul.u32 $0x3, s8;
	_ =	sdelay $0x1  }
0x34: {  	p2 =	sne.s32 s3, $0x0;
	s8 =	ssub.s32 s3, s8  }
.Ltmp0:
0x35: {  	s8 =	sand.u32 $0xFF, s8;
	(pc) =	sbr.rel @!p2 .LBB2_4-.Ltmp0, $4  }
0x36: {  	s9 =	sadd.s32 $0x3, s8  }
0x37: {  	_ =	swait.ge [sflag:s9], $0x4000  }
0x38: {  	[sflag:s9] =	ssyncset.done $0x0  }
0x39: {  	[sflag:s9] =	ssyncadd.s32 $0xFFFFC000  }
0x3a: {  	p2 =	sgt.u32 s3, $0x5  }
.Ltmp1:
0x3b: {  	_ = 	snop;
	(pc) =	sbr.rel @p2 .LBB2_9-.Ltmp1, $1  }
0x3c: {  	_ =	sdelay $0x3  }
0x3d: {  	s10 =	sadd.s32 $0x2, s3  }
0x3e: {  	s9 =	smul.u32 $0xAB, s10  }
0x3f: {  	s11 =	sand.u32 $0x1, s3  }
0x40: {  	p2 =	seq.s32 s11, $0x1;
	s9 =	sshrl.u32 s9, $0x9  }
.Ltmp2:
0x41: {  	s9 =	sand.u32 $0x7F, s9;
	(pc) =	sbr.rel @!p2 .LBB2_7-.Ltmp2, $3  }
0x42: {  	s9 =	smul.u32 $0x3, s9;
	_ =	sdelay $0x1  }
0x43: {  	s9 =	ssub.s32 s10, s9  }
0x44: {  	s9 =	sand.u32 $0xFF, s9  }
0x45: {  	_ =	sdelay $0x1  }
0x46: {  	s10 =	sshll.u32 s10, $0x7  }
0x47: {  	s10 =	sand.u32 $0x3FFFFF80, s10  }
0x48: {  	v10 =	vld.idx.msk [tilespmem:v8+s10+$0x0 ss:$0x1], $0xffff;
	_ =	sdelay $0x4  }
0x49: {  	[tilespmem:$0x1080] =	vst v10  }
0x4a: {  	v10 =	vld.idx.msk [tilespmem:v8+s10+$0x10 ss:$0x1], $0xffff;
	_ =	sdelay $0x4  }
0x4b: {  	[tilespmem:$0x1090] =	vst v10  }
0x4c: {  	v10 =	vld.idx.msk [tilespmem:v8+s10+$0x20 ss:$0x1], $0xffff;
	_ =	sdelay $0x4  }
0x4d: {  	[tilespmem:$0x10A0] =	vst v10  }
0x4e: {  	v10 =	vld.idx.msk [tilespmem:v8+s10+$0x30 ss:$0x1], $0xffff;
	_ =	sdelay $0x4  }
0x4f: {  	[tilespmem:$0x10B0] =	vst v10  }
0x50: {  	v10 =	vld.idx.msk [tilespmem:v8+s10+$0x40 ss:$0x1], $0xffff;
	_ =	sdelay $0x4  }
0x51: {  	[tilespmem:$0x10C0] =	vst v10  }
0x52: {  	v10 =	vld.idx.msk [tilespmem:v8+s10+$0x50 ss:$0x1], $0xffff;
	_ =	sdelay $0x4  }
0x53: {  	[tilespmem:$0x10D0] =	vst v10  }
0x54: {  	v10 =	vld.idx.msk [tilespmem:v8+s10+$0x60 ss:$0x1], $0xffff;
	_ =	sdelay $0x4  }
0x55: {  	[tilespmem:$0x10E0] =	vst v10  }
0x56: {  	v10 =	vld.idx.msk [tilespmem:v8+s10+$0x70 ss:$0x1], $0xffff;
	_ =	sdelay $0x1  }
.Ltmp3:
0x57: {  	_ = 	snop;
	(pc) =	sbr.rel .LBB2_10-.Ltmp3, $4  }
0x58: {  	_ = 	snop  }
0x59: {  	s20 =	sshll.u32 s9, $0xE  }
0x5a: {  	s25 =	sadd.s32 $0x3, s9;
	s10 =	sor.u32 $0x1100, s20;
	[tilespmem:$0x10F0] =	vst v10  }
0x5b: {  	[tilespmem:s10], [sflag:s25] =	stream.indirect.gather [hbm4b:s7+s18], $0x80, s21, s18, $0xb8;
	[tilespmem:$0x1D100] =	vst v63  }
.LBB2_4:
0x5c: {  	v10 =	vld [tilespmem:s31+$0x80];
	_ =	sdelay $0x4  }
0x5d: {  	[tilespmem:$0x1080] =	vst v10  }
0x5e: {  	v10 =	vld [tilespmem:s31+$0x90];
	_ =	sdelay $0x4  }
0x5f: {  	[tilespmem:$0x1090] =	vst v10  }
0x60: {  	v10 =	vld [tilespmem:s31+$0xA0];
	_ =	sdelay $0x4  }
0x61: {  	[tilespmem:$0x10A0] =	vst v10  }
0x62: {  	v10 =	vld [tilespmem:s31+$0xB0];
	_ =	sdelay $0x4  }
0x63: {  	[tilespmem:$0x10B0] =	vst v10  }
0x64: {  	v10 =	vld [tilespmem:s31+$0xC0];
	_ =	sdelay $0x4  }
0x65: {  	[tilespmem:$0x10C0] =	vst v10  }
0x66: {  	v10 =	vld [tilespmem:s31+$0xD0];
	_ =	sdelay $0x4  }
0x67: {  	[tilespmem:$0x10D0] =	vst v10  }
0x68: {  	v10 =	vld [tilespmem:s31+$0xE0];
	_ =	sdelay $0x4  }
0x69: {  	[tilespmem:$0x10E0] =	vst v10  }
0x6a: {  	v10 =	vld [tilespmem:s31+$0xF0];
	_ =	sdelay $0x4  }
0x6b: {  	s9 =	simm.s32 $0x2;
	s10 =	simm.s32 $0x2;
	[tilespmem:$0x10F0] =	vst v10  }
0x6c: {  	[tilespmem:s22], [sflag:$0x4] =	stream.indirect.gather [hbm4b:s7+s18], $0x80, s21, s18, $0xb8;
	[tilespmem:$0x1D100] =	vst v63  }
.LBB2_7:
0x6d: {  	_ =	sdelay $0x1  }
0x6e: {  	s10 =	sshll.u32 s10, $0x7  }
0x6f: {  	s10 =	sand.u32 $0x3FFFFF80, s10  }
0x70: {  	v10 =	vld.idx.msk [tilespmem:v8+s10+$0x0 ss:$0x1], $0xffff;
	_ =	sdelay $0x4  }
0x71: {  	[tilespmem:$0x1000] =	vst v10  }
0x72: {  	v10 =	vld.idx.msk [tilespmem:v8+s10+$0x10 ss:$0x1], $0xffff;
	_ =	sdelay $0x4  }
0x73: {  	[tilespmem:$0x1010] =	vst v10  }
0x74: {  	v10 =	vld.idx.msk [tilespmem:v8+s10+$0x20 ss:$0x1], $0xffff;
	_ =	sdelay $0x4  }
0x75: {  	[tilespmem:$0x1020] =	vst v10  }
0x76: {  	v10 =	vld.idx.msk [tilespmem:v8+s10+$0x30 ss:$0x1], $0xffff;
	_ =	sdelay $0x4  }
0x77: {  	[tilespmem:$0x1030] =	vst v10  }
0x78: {  	v10 =	vld.idx.msk [tilespmem:v8+s10+$0x40 ss:$0x1], $0xffff;
	_ =	sdelay $0x4  }
0x79: {  	[tilespmem:$0x1040] =	vst v10  }
0x7a: {  	v10 =	vld.idx.msk [tilespmem:v8+s10+$0x50 ss:$0x1], $0xffff;
	_ =	sdelay $0x4  }
0x7b: {  	[tilespmem:$0x1050] =	vst v10  }
0x7c: {  	v10 =	vld.idx.msk [tilespmem:v8+s10+$0x60 ss:$0x1], $0xffff;
	_ =	sdelay $0x4  }
0x7d: {  	[tilespmem:$0x1060] =	vst v10  }
0x7e: {  	v10 =	vld.idx.msk [tilespmem:v8+s10+$0x70 ss:$0x1], $0xffff;
	_ =	sdelay $0x1  }
.Ltmp4:
0x7f: {  	_ = 	snop;
	(pc) =	sbr.rel .LBB2_10-.Ltmp4, $4  }
0x80: {  	_ = 	snop  }
0x81: {  	s20 =	sshll.u32 s9, $0xE  }
0x82: {  	s25 =	sadd.s32 $0x3, s9;
	s10 =	sor.u32 $0x1100, s20;
	[tilespmem:$0x1070] =	vst v10  }
0x83: {  	[tilespmem:s10], [sflag:s25] =	stream.indirect.gather [hbm4b:s7+s18], $0x80, s19, s18, $0xb8;
	[tilespmem:$0x1D100] =	vst v63  }
.LBB2_9:
0x84: {  	p2 =	sne.s32 @!p1 s3, $0x7  }
0x85: {  	p2 =	por p2, p1  }
0x86: {  	_ =	swait.ge @!p2 [sflag:s30], $0x400  }
0x87: {  	[sflag:s30] =	ssyncset.done @!p2 $0x0  }
0x88: {  	[sflag:s30] =	ssyncadd.s32 @!p2 $0xFFFFFC00  }
0x89: {  	_ =	swait.ge @!p2 [sflag:s30], $0x400  }
0x8a: {  	[sflag:s30] =	ssyncset.done @!p2 $0x0  }
0x8b: {  	[sflag:s30] =	ssyncadd.s32 @!p2 $0xFFFFFC00  }
0x8c: {  	v10 =	vld @!p2 [tilespmem:s0+$0x0];
	_ =	sdelay $0x4  }
0x8d: {  	[tilespmem:$0x1000] =	vst @!p2 v10  }
0x8e: {  	v10 =	vld @!p2 [tilespmem:s0+$0x10];
	_ =	sdelay $0x4  }
0x8f: {  	[tilespmem:$0x1010] =	vst @!p2 v10  }
0x90: {  	v10 =	vld @!p2 [tilespmem:s0+$0x20];
	_ =	sdelay $0x4  }
0x91: {  	[tilespmem:$0x1020] =	vst @!p2 v10  }
0x92: {  	v10 =	vld @!p2 [tilespmem:s0+$0x30];
	_ =	sdelay $0x4  }
0x93: {  	[tilespmem:$0x1030] =	vst @!p2 v10  }
0x94: {  	v10 =	vld @!p2 [tilespmem:s0+$0x40];
	_ =	sdelay $0x4  }
0x95: {  	[tilespmem:$0x1040] =	vst @!p2 v10  }
0x96: {  	v10 =	vld @!p2 [tilespmem:s0+$0x50];
	_ =	sdelay $0x4  }
0x97: {  	[tilespmem:$0x1050] =	vst @!p2 v10  }
0x98: {  	v10 =	vld @!p2 [tilespmem:s0+$0x60];
	_ =	sdelay $0x4  }
0x99: {  	[tilespmem:$0x1060] =	vst @!p2 v10  }
0x9a: {  	v10 =	vld @!p2 [tilespmem:s0+$0x70];
	_ =	sdelay $0x4  }
0x9b: {  	s9 =	simm.s32 @!p2 $0x80;
	s10 =	simm.s32 @!p2 $0x1000;
	s11 =	simm.s32 @!p2 $0x1100;
	[tilespmem:$0x1070] =	vst @!p2 v10  }
0x9c: {  	[tilespmem:s11], [sflag:$0x3] =	stream.indirect.gather @!p2 [hbm4b:s7+s9], $0x80, s10, s9, $0xb8;
	[tilespmem:$0x1D100] =	vst v63  }
.LBB2_10:
0x9d: {  	_ =	sdelay $0x2  }
0x9e: {  	s9 =	sshll.u32 s3, $0x7  }
0x9f: {  	v24 =	vld.idx.msk [tilespmem:v9+s9+$0x0 ss:$0x1], $0xffff  }
0xa0: {  	s10 =	simm.s32 $0x1;
	v22 =	vld.idx.msk [tilespmem:v9+s9+$0x10 ss:$0x1], $0xffff  }
0xa1: {  	s11 =	simm.s32 $0x0;
	v18 =	vld.idx.msk [tilespmem:v9+s9+$0x20 ss:$0x1], $0xffff;
	v10 =	vmov s10  }
0xa2: {  	v14 =	vld.idx.msk [tilespmem:v9+s9+$0x30 ss:$0x1], $0xffff;
	v11 =	vmov s11;
	v10 =	vand.u32 $0x7F, v10  }
0xa3: {  	v13 =	vld.idx.msk [tilespmem:v9+s9+$0x40 ss:$0x1], $0xffff;
	v11 =	vand.u32 $0x7E, v11;
	v27 =	vbroadcast v10, $0x0  }
0xa4: {  	p2 =	sne.s32 @!p0 s3, $0x0;
	v12 =	vld.idx.msk [tilespmem:v9+s9+$0x50 ss:$0x1], $0xffff;
	v26 =	vbroadcast v11, $0x0  }
0xa5: {  	p2 =	por p2, p0;
	v11 =	vld.idx.msk [tilespmem:v9+s9+$0x60 ss:$0x1], $0xffff;
	v15 =	vor.u32 v0, v27  }
0xa6: {  	v10 =	vld.idx.msk [tilespmem:v9+s9+$0x70 ss:$0x1], $0xffff;
	s9 =	simm.s32 @!p2 $0x6;
	v16 =	vor.u32 v0, v26  }
0xa7: {  	_ =	swait.ge @!p2 [sflag:s9], $0x10000  }
0xa8: {  	s8 =	sshll.u32 s8, $0xE;
	[sflag:s9] =	ssyncset.done @!p2 $0x0  }
0xa9: {  	s16 =	sor.u32 $0x1100, s8;
	[sflag:s9] =	ssyncadd.s32 @!p2 $0xFFFF0000  }
0xaa: {  	v15 =	vld.idx.msk [tilespmem:v15+s16+$0x0], $0xffff  }
0xab: {  	v16 =	vld.idx.msk [tilespmem:v16+s16+$0x0], $0xffff;
	_ =	sdelay $0x1  }
0xac: {  	v20 =	vor.u32 v1, v27  }
0xad: {  	s11 =	simm.s32 $0x3;
	v21 =	vor.u32 v1, v26  }
0xae: {  	s14 =	simm.s32 $0x2;
	v17 =	vmov s11;
	v15 =	vmul.f32 v15, v24  }
0xaf: {  	v19 =	vmov s14;
	v17 =	vand.u32 $0x7F, v17;
	v16 =	vmul.f32 v16, v24  }
0xb0: {  	v23 =	vand.u32 $0x7E, v19;
	v19 =	vbroadcast v17, $0x0;
	[tilespmem:s13+$0x0] =	vst v15  }
0xb1: {  	v17 =	vbroadcast v23, $0x0;
	[tilespmem:s13+$0xFFFFFC00] =	vst v16;
	v15 =	vld.idx.msk [tilespmem:v20+s16+$0x0], $0xffff  }
0xb2: {  	v16 =	vld.idx.msk [tilespmem:v21+s16+$0x0], $0xffff;
	v20 =	vor.u32 v0, v19  }
0xb3: {  	v21 =	vor.u32 v0, v17  }
0xb4: {  	v23 =	vor.u32 v2, v27  }
0xb5: {  	v25 =	vor.u32 v2, v26  }
0xb6: {  	v15 =	vmul.f32 v15, v22  }
0xb7: {  	v20 =	vld.idx.msk [tilespmem:v20+s16+$0x0], $0xffff;
	v16 =	vmul.f32 v16, v22  }
0xb8: {  	v21 =	vld.idx.msk [tilespmem:v21+s16+$0x0], $0xffff;
	[tilespmem:s13+$0x10] =	vst v15  }
0xb9: {  	[tilespmem:s13+$0xFFFFFC10] =	vst v16;
	v15 =	vld.idx.msk [tilespmem:v23+s16+$0x0], $0xffff  }
0xba: {  	s25 =	simm.s32 $0x5;
	v23 =	vld.idx.msk [tilespmem:v25+s16+$0x0], $0xffff;
	v25 =	vor.u32 v1, v19  }
0xbb: {  	v30 =	vmov s25;
	v28 =	vor.u32 v1, v17  }
0xbc: {  	s20 =	simm.s32 $0x4;
	v30 =	vand.u32 $0x7F, v30;
	v29 =	vor.u32 v3, v27;
	v20 =	vmul.f32 v20, v24  }
0xbd: {  	v31 =	vor.u32 v3, v26;
	v16 =	vmov s20;
	s20 =	sadd.s32 $0x800, s13;
	v21 =	vmul.f32 v21, v24  }
0xbe: {  	v32 =	vand.u32 $0x7E, v16;
	v16 =	vbroadcast v30, $0x0;
	[tilespmem:s20+$0x0] =	vst v20;
	v20 =	vmul.f32 v15, v18  }
0xbf: {  	[tilespmem:s20+$0xFFFFFC00] =	vst v21;
	v15 =	vbroadcast v32, $0x0;
	v21 =	vld.idx.msk [tilespmem:v25+s16+$0x0], $0xffff;
	v23 =	vmul.f32 v23, v18  }
0xc0: {  	v25 =	vld.idx.msk [tilespmem:v28+s16+$0x0], $0xffff;
	[tilespmem:s13+$0x20] =	vst v20;
	v20 =	vor.u32 v0, v16  }
0xc1: {  	v28 =	vor.u32 v0, v15;
	[tilespmem:s13+$0xFFFFFC20] =	vst v23;
	v23 =	vld.idx.msk [tilespmem:v29+s16+$0x0], $0xffff  }
0xc2: {  	v30 =	vor.u32 v2, v19;
	v29 =	vld.idx.msk [tilespmem:v31+s16+$0x0], $0xffff  }
0xc3: {  	v31 =	vor.u32 v2, v17  }
0xc4: {  	v62 =	vor.u32 v4, v27;
	v21 =	vmul.f32 v21, v22  }
0xc5: {  	v33 =	vld.idx.msk [tilespmem:v20+s16+$0x0], $0xffff;
	v20 =	vmul.f32 v25, v22;
	v25 =	vor.u32 v4, v26  }
0xc6: {  	v28 =	vld.idx.msk [tilespmem:v28+s16+$0x0], $0xffff;
	[tilespmem:s20+$0x10] =	vst v21;
	v21 =	vmul.f32 v23, v14  }
0xc7: {  	s9 =	simm.s32 $0x6;
	v23 =	vld.idx.msk [tilespmem:v30+s16+$0x0], $0xffff;
	[tilespmem:s20+$0xFFFFFC10] =	vst v20;
	v20 =	vmul.f32 v29, v14  }
0xc8: {  	v29 =	vmov s9;
	v30 =	vld.idx.msk [tilespmem:v31+s16+$0x0], $0xffff;
	[tilespmem:s13+$0x30] =	vst v21;
	v31 =	vor.u32 v1, v16  }
0xc9: {  	v63 =	vor.u32 v1, v15;
	v21 =	vand.u32 $0x7E, v29;
	[tilespmem:s13+$0xFFFFFC30] =	vst v20;
	v29 =	vld.idx.msk [tilespmem:v62+s16+$0x0], $0xffff  }
0xca: {  	s10 =	simm.s32 $0x7;
	v40 =	vor.u32 v3, v19;
	v20 =	vbroadcast v21, $0x0;
	v25 =	vld.idx.msk [tilespmem:v25+s16+$0x0], $0xffff;
	v21 =	vmul.f32 v33, v24  }
0xcb: {  	v35 =	vmov s10;
	v34 =	vor.u32 v3, v17;
	s8 =	sadd.s32 $0x800, s20;
	v28 =	vmul.f32 v28, v24  }
0xcc: {  	v35 =	vand.u32 $0x7F, v35;
	v36 =	vor.u32 v5, v27;
	v23 =	vmul.f32 v23, v18;
	[tilespmem:s8+$0x0] =	vst v21  }
0xcd: {  	v41 =	vor.u32 v0, v20;
	v21 =	vbroadcast v35, $0x0;
	[tilespmem:s8+$0xFFFFFC00] =	vst v28;
	v28 =	vld.idx.msk [tilespmem:v31+s16+$0x0], $0xffff;
	v30 =	vmul.f32 v30, v18  }
0xce: {  	v31 =	vor.u32 v5, v26;
	v32 =	vld.idx.msk [tilespmem:v63+s16+$0x0], $0xffff;
	[tilespmem:s20+$0x20] =	vst v23;
	v23 =	vmul.f32 v29, v13  }
0xcf: {  	v29 =	vor.u32 v0, v21;
	[tilespmem:s20+$0xFFFFFC20] =	vst v30;
	v30 =	vld.idx.msk [tilespmem:v40+s16+$0x0], $0xffff;
	v25 =	vmul.f32 v25, v13  }
0xd0: {  	s11 =	simm.s32 $0x8;
	v43 =	vor.u32 v2, v16;
	v42 =	vld.idx.msk [tilespmem:v34+s16+$0x0], $0xffff;
	[tilespmem:s13+$0x40] =	vst v23  }
0xd1: {  	v44 =	vor.u32 v2, v15;
	v23 =	vmov s11;
	[tilespmem:s13+$0xFFFFFC40] =	vst v25;
	v25 =	vld.idx.msk [tilespmem:v36+s16+$0x0], $0xffff  }
0xd2: {  	v37 =	vor.u32 v4, v19;
	v35 =	vld.idx.msk [tilespmem:v41+s16+$0x0], $0xffff;
	v23 =	vand.u32 $0x7E, v23;
	v28 =	vmul.f32 v28, v22  }
0xd3: {  	v38 =	vor.u32 v4, v17;
	v31 =	vld.idx.msk [tilespmem:v31+s16+$0x0], $0xffff;
	v32 =	vmul.f32 v32, v22;
	v23 =	vbroadcast v23, $0x0  }
0xd4: {  	v29 =	vld.idx.msk [tilespmem:v29+s16+$0x0], $0xffff;
	[tilespmem:s8+$0x10] =	vst v28;
	v28 =	vmul.f32 v30, v14;
	v30 =	vor.u32 v6, v27  }
0xd5: {  	[tilespmem:s8+$0xFFFFFC10] =	vst v32;
	v46 =	vor.u32 v0, v23;
	v45 =	vld.idx.msk [tilespmem:v43+s16+$0x0], $0xffff;
	v33 =	vmul.f32 v42, v14  }
0xd6: {  	v39 =	vor.u32 v6, v26;
	v36 =	vld.idx.msk [tilespmem:v44+s16+$0x0], $0xffff;
	[tilespmem:s20+$0x30] =	vst v28;
	v25 =	vmul.f32 v25, v12  }
0xd7: {  	v40 =	vor.u32 v1, v21;
	[tilespmem:s20+$0xFFFFFC30] =	vst v33;
	v47 =	vld.idx.msk [tilespmem:v37+s16+$0x0], $0xffff  }
0xd8: {  	v28 =	vmul.f32 v31, v12;
	v31 =	vor.u32 v1, v20;
	v48 =	vld.idx.msk [tilespmem:v38+s16+$0x0], $0xffff;
	[tilespmem:s13+$0x50] =	vst v25  }
0xd9: {  	s14 =	simm.s32 $0x9;
	v25 =	vmul.f32 v29, v24;
	v29 =	vor.u32 v3, v16;
	v30 =	vld.idx.msk [tilespmem:v30+s16+$0x0], $0xffff  }
0xda: {  	s10 =	sadd.s32 $0x800, s8;
	v49 =	vor.u32 v3, v15;
	v41 =	vmov s14;
	v35 =	vmul.f32 v35, v24;
	[tilespmem:s13+$0xFFFFFC50] =	vst v28;
	v28 =	vld.idx.msk [tilespmem:v46+s16+$0x0], $0xffff  }
0xdb: {  	v51 =	vor.u32 v5, v19;
	v50 =	vand.u32 $0x7F, v41;
	v39 =	vld.idx.msk [tilespmem:v39+s16+$0x0], $0xffff;
	[tilespmem:s10+$0x0] =	vst v25;
	v32 =	vmul.f32 v45, v18  }
0xdc: {  	v54 =	vor.u32 v5, v17;
	[tilespmem:s10+$0xFFFFFC00] =	vst v35;
	v25 =	vbroadcast v50, $0x0;
	v53 =	vmul.f32 v36, v18;
	v52 =	vld.idx.msk [tilespmem:v40+s16+$0x0], $0xffff  }
0xdd: {  	v27 =	vor.u32 v7, v27;
	v31 =	vld.idx.msk [tilespmem:v31+s16+$0x0], $0xffff;
	[tilespmem:s8+$0x20] =	vst v32;
	v55 =	vmul.f32 v47, v13  }
0xde: {  	v56 =	vor.u32 v0, v25;
	[tilespmem:s8+$0xFFFFFC20] =	vst v53;
	v57 =	vld.idx.msk [tilespmem:v29+s16+$0x0], $0xffff;
	v29 =	vmul.f32 v48, v13  }
0xdf: {  	v58 =	vor.u32 v7, v26;
	v38 =	vld.idx.msk [tilespmem:v49+s16+$0x0], $0xffff;
	[tilespmem:s20+$0x40] =	vst v55;
	v26 =	vmul.f32 v30, v11  }
0xe0: {  	v61 =	vor.u32 v4, v15;
	v59 =	vor.u32 v2, v21;
	[tilespmem:s20+$0xFFFFFC40] =	vst v29;
	v41 =	vld.idx.msk [tilespmem:v51+s16+$0x0], $0xffff  }
0xe1: {  	s25 =	simm.s32 $0xA;
	v60 =	vor.u32 v2, v20;
	v30 =	vmul.f32 v39, v11;
	v36 =	vld.idx.msk [tilespmem:v54+s16+$0x0], $0xffff;
	[tilespmem:s13+$0x60] =	vst v26  }
0xe2: {  	v42 =	vor.u32 v4, v16;
	v26 =	vmov s25;
	v34 =	vmul.f32 v52, v22;
	v27 =	vld.idx.msk [tilespmem:v27+s16+$0x0], $0xffff  }
0xe3: {  	v44 =	vor.u32 v6, v19;
	[tilespmem:s13+$0xFFFFFC60] =	vst v30;
	v26 =	vand.u32 $0x7E, v26;
	v43 =	vld.idx.msk [tilespmem:v56+s16+$0x0], $0xffff;
	v30 =	vmul.f32 v31, v22  }
0xe4: {  	v35 =	vor.u32 v3, v21;
	v26 =	vbroadcast v26, $0x0;
	[tilespmem:s10+$0x10] =	vst v34;
	v62 =	vmul.f32 v57, v14;
	v31 =	vld.idx.msk [tilespmem:v58+s16+$0x0], $0xffff  }
0xe5: {  	v29 =	vor.u32 v6, v17;
	v63 =	vmul.f32 v38, v14;
	[tilespmem:s10+$0xFFFFFC10] =	vst v30;
	v37 =	vld.idx.msk [tilespmem:v59+s16+$0x0], $0xffff  }
0xe6: {  	v40 =	vor.u32 v0, v26;
	v32 =	vld.idx.msk [tilespmem:v60+s16+$0x0], $0xffff;
	[tilespmem:s8+$0x30] =	vst v62;
	v41 =	vmul.f32 v41, v12  }
0xe7: {  	v38 =	vor.u32 v1, v25;
	[tilespmem:s8+$0xFFFFFC30] =	vst v63;
	v34 =	vld.idx.msk [tilespmem:v42+s16+$0x0], $0xffff;
	v36 =	vmul.f32 v36, v12  }
0xe8: {  	s9 =	smov.u32 s10;
	v39 =	vor.u32 v1, v23;
	v33 =	vld.idx.msk [tilespmem:v61+s16+$0x0], $0xffff;
	[tilespmem:s20+$0x50] =	vst v41;
	v41 =	vmul.f32 v27, v10  }
0xe9: {  	s11 =	simm.s32 $0xC;
	s14 =	smov.u32 s13;
	s25 =	simm.s32 $0xB;
	v30 =	vor.u32 v3, v20;
	v42 =	vmul.f32 v43, v24;
	[tilespmem:s20+$0xFFFFFC50] =	vst v36;
	v36 =	vld.idx.msk [tilespmem:v44+s16+$0x0], $0xffff  }
.LBB2_11:
0xea: {  	p2 =	slt.u32 s11, $0x3E;
	v27 =	vmov s25;
	v43 =	vmul.f32 v28, v24;
	s10 =	sadd.s32 $0x800, s10;
	v29 =	vld.idx.msk [tilespmem:v29+s16+$0x0], $0xffff;
	v31 =	vmul.f32 v31, v10;
	[tilespmem:s14+$0x70] =	vst v41  }
0xeb: {  	v37 =	vmul.f32 v37, v18;
	v28 =	vld.idx.msk [tilespmem:v40+s16+$0x0], $0xffff;
	v27 =	vand.u32 $0x7F, v27;
	[tilespmem:s10+$0x0] =	vst v42;
	v40 =	vor.u32 v5, v16  }
0xec: {  	v41 =	vor.u32 v5, v15;
	v32 =	vmul.f32 v32, v18;
	v27 =	vbroadcast v27, $0x0;
	[tilespmem:s10+$0xFFFFFC00] =	vst v43;
	v38 =	vld.idx.msk [tilespmem:v38+s16+$0x0], $0xffff  }
0xed: {  	v34 =	vmul.f32 v34, v13;
	v39 =	vld.idx.msk [tilespmem:v39+s16+$0x0], $0xffff;
	[tilespmem:s9+$0x20] =	vst v37;
	v37 =	vor.u32 v7, v19;
	v19 =	vmov v16  }
0xee: {  	v33 =	vmul.f32 v33, v13;
	v16 =	vmov v21;
	v42 =	vor.u32 v0, v27;
	[tilespmem:s9+$0xFFFFFC20] =	vst v32;
	v32 =	vld.idx.msk [tilespmem:v35+s16+$0x0], $0xffff  }
0xef: {  	v21 =	vmov v25;
	v43 =	vmul.f32 v36, v11;
	v35 =	vld.idx.msk [tilespmem:v30+s16+$0x0], $0xffff;
	[tilespmem:s8+$0x40] =	vst v34;
	v30 =	vor.u32 v7, v17  }
0xf0: {  	v25 =	vmov v27;
	v34 =	vor.u32 v2, v21;
	v36 =	vmul.f32 v29, v11;
	[tilespmem:s8+$0xFFFFFC40] =	vst v33;
	v33 =	vld.idx.msk [tilespmem:v40+s16+$0x0], $0xffff  }
0xf1: {  	v27 =	vor.u32 v2, v23;
	v29 =	vor.u32 v6, v15;
	v17 =	vmov v15;
	v41 =	vld.idx.msk [tilespmem:v41+s16+$0x0], $0xffff;
	[tilespmem:s20+$0x60] =	vst v43  }
0xf2: {  	v15 =	vmovc v20;
	v40 =	vmov s11;
	v38 =	vmul.f32 v38, v22;
	v43 =	vor.u32 v4, v16;
	[tilespmem:s20+$0xFFFFFC60] =	vst v36;
	v36 =	vld.idx.msk [tilespmem:v37+s16+$0x0], $0xffff  }
0xf3: {  	v44 =	vor.u32 v4, v15;
	v40 =	vand.u32 $0x7E, v40;
	v37 =	vmul.f32 v39, v22;
	v42 =	vld.idx.msk [tilespmem:v42+s16+$0x0], $0xffff;
	[tilespmem:s14+$0xFFFFFC70] =	vst v31;
	s14 =	smov.u32 s20;
	s20 =	smov.u32 s8;
	s8 =	smov.u32 s9  }
0xf4: {  	v45 =	vor.u32 v6, v19;
	v39 =	vbroadcast v40, $0x0;
	s9 =	smov.u32 s10;
	[tilespmem:s10+$0x10] =	vst v38;
	v38 =	vmul.f32 v32, v14;
	v31 =	vld.idx.msk [tilespmem:v30+s16+$0x0], $0xffff  }
.Ltmp5:
0xf5: {  	v20 =	vmov v23;
	v30 =	vor.u32 v3, v23;
	[tilespmem:s10+$0xFFFFFC10] =	vst v37;
	v37 =	vld.idx.msk [tilespmem:v34+s16+$0x0], $0xffff;
	v34 =	vmul.f32 v35, v14;
	(pc) =	sbr.rel @p2 .LBB2_11-.Ltmp5, $4  }
0xf6: {  	v40 =	vor.u32 v0, v39;
	v23 =	vmov v26;
	v32 =	vld.idx.msk [tilespmem:v27+s16+$0x0], $0xffff;
	[tilespmem:s8+$0x30] =	vst v38;
	v27 =	vmul.f32 v33, v12  }
0xf7: {  	v26 =	vmov v39;
	v38 =	vor.u32 v1, v25;
	[tilespmem:s8+$0xFFFFFC30] =	vst v34;
	v34 =	vld.idx.msk [tilespmem:v43+s16+$0x0], $0xffff;
	v43 =	vmul.f32 v41, v12  }
0xf8: {  	v39 =	vor.u32 v1, v23;
	v41 =	vmul.f32 v36, v10;
	v33 =	vld.idx.msk [tilespmem:v44+s16+$0x0], $0xffff;
	[tilespmem:s20+$0x50] =	vst v27  }
0xf9: {  	s25 =	sadd.s32 $0x1, s11;
	s11 =	sadd.s32 $0x2, s11;
	v35 =	vor.u32 v3, v21;
	v42 =	vmul.f32 v42, v24;
	[tilespmem:s20+$0xFFFFFC50] =	vst v43;
	v36 =	vld.idx.msk [tilespmem:v45+s16+$0x0], $0xffff  }
0xfa: {  	v27 =	vmov s25  }
0xfb: {  	v27 =	vand.u32 $0x7F, v27  }
0xfc: {  	v27 =	vbroadcast v27, $0x0;
	_ =	sdelay $0x1  }
0xfd: {  	v43 =	vor.u32 v0, v27;
	_ =	sdelay $0x4  }
0xfe: {  	v43 =	vld.idx.msk [tilespmem:v43+s16+$0x0], $0xffff  }
0xff: {  	v40 =	vld.idx.msk [tilespmem:v40+s16+$0x0], $0xffff;
	_ =	sdelay $0x1  }
0x100: {  	v44 =	vor.u32 v1, v27  }
0x101: {  	v28 =	vmul.f32 v28, v24;
	s10 =	sadd.s32 $0x800, s10;
	v45 =	vor.u32 v1, v26  }
0x102: {  	[tilespmem:s10+$0x0] =	vst v42;
	v50 =	vmul.f32 v43, v24  }
0x103: {  	s11 =	sadd.s32 $0x800, s10;
	[tilespmem:s10+$0xFFFFFC00] =	vst v28;
	v52 =	vld.idx.msk [tilespmem:v38+s16+$0x0], $0xffff;
	v51 =	vmul.f32 v40, v24  }
0x104: {  	v53 =	vld.idx.msk [tilespmem:v39+s16+$0x0], $0xffff;
	[tilespmem:s11+$0x0] =	vst v50  }
0x105: {  	[tilespmem:s11+$0xFFFFFC00] =	vst v51;
	v54 =	vld.idx.msk [tilespmem:v44+s16+$0x0], $0xffff  }
0x106: {  	v55 =	vor.u32 v2, v25;
	v56 =	vld.idx.msk [tilespmem:v45+s16+$0x0], $0xffff  }
0x107: {  	v37 =	vmul.f32 v37, v18;
	v57 =	vor.u32 v2, v23  }
0x108: {  	[tilespmem:s14+$0x70] =	vst v41;
	v58 =	vor.u32 v2, v27;
	v28 =	vmul.f32 v52, v22  }
0x109: {  	v60 =	vor.u32 v2, v26;
	[tilespmem:s9+$0x20] =	vst v37;
	v59 =	vmul.f32 v53, v22  }
0x10a: {  	v29 =	vld.idx.msk [tilespmem:v29+s16+$0x0], $0xffff;
	[tilespmem:s10+$0x10] =	vst v28;
	v24 =	vmul.f32 v54, v22  }
0x10b: {  	[tilespmem:s10+$0xFFFFFC10] =	vst v59;
	v28 =	vld.idx.msk [tilespmem:v55+s16+$0x0], $0xffff;
	v61 =	vmul.f32 v56, v22  }
0x10c: {  	v32 =	vmul.f32 v32, v18;
	v37 =	vld.idx.msk [tilespmem:v57+s16+$0x0], $0xffff;
	[tilespmem:s11+$0x10] =	vst v24  }
0x10d: {  	v48 =	vor.u32 v5, v16;
	v62 =	vmul.f32 v34, v13;
	[tilespmem:s11+$0xFFFFFC10] =	vst v61;
	v63 =	vld.idx.msk [tilespmem:v58+s16+$0x0], $0xffff  }
0x10e: {  	v41 =	vor.u32 v3, v25;
	[tilespmem:s9+$0xFFFFFC20] =	vst v32;
	v40 =	vmul.f32 v33, v13;
	v42 =	vld.idx.msk [tilespmem:v60+s16+$0x0], $0xffff  }
0x10f: {  	v35 =	vld.idx.msk [tilespmem:v35+s16+$0x0], $0xffff;
	[tilespmem:s8+$0x40] =	vst v62;
	v29 =	vmul.f32 v29, v11;
	v44 =	vor.u32 v3, v23  }
0x110: {  	v47 =	vor.u32 v3, v26;
	[tilespmem:s8+$0xFFFFFC40] =	vst v40;
	v45 =	vor.u32 v3, v27;
	v28 =	vmul.f32 v28, v18  }
0x111: {  	v49 =	vor.u32 v5, v15;
	v30 =	vld.idx.msk [tilespmem:v30+s16+$0x0], $0xffff;
	[tilespmem:s20+$0xFFFFFC60] =	vst v29;
	v46 =	vmul.f32 v37, v18  }
0x112: {  	v17 =	vor.u32 v7, v17;
	v60 =	vld.idx.msk [tilespmem:v48+s16+$0x0], $0xffff;
	[tilespmem:s10+$0x20] =	vst v28;
	v22 =	vmul.f32 v63, v18  }
0x113: {  	v39 =	vor.u32 v4, v26;
	[tilespmem:s10+$0xFFFFFC20] =	vst v46;
	v50 =	vld.idx.msk [tilespmem:v41+s16+$0x0], $0xffff;
	v51 =	vmul.f32 v42, v18  }
0x114: {  	v52 =	vor.u32 v4, v21;
	v57 =	vmul.f32 v35, v14;
	v53 =	vld.idx.msk [tilespmem:v44+s16+$0x0], $0xffff;
	[tilespmem:s11+$0x20] =	vst v22  }
0x115: {  	v55 =	vor.u32 v4, v20;
	v43 =	vmul.f32 v36, v11;
	[tilespmem:s11+$0xFFFFFC20] =	vst v51;
	v56 =	vld.idx.msk [tilespmem:v45+s16+$0x0], $0xffff  }
0x116: {  	[tilespmem:s9+$0x30] =	vst v57;
	v61 =	vmul.f32 v30, v14;
	v59 =	vld.idx.msk [tilespmem:v47+s16+$0x0], $0xffff;
	v58 =	vor.u32 v4, v25  }
0x117: {  	v62 =	vor.u32 v4, v23;
	v17 =	vld.idx.msk [tilespmem:v17+s16+$0x0], $0xffff;
	[tilespmem:s20+$0x60] =	vst v43;
	v42 =	vmul.f32 v60, v12  }
0x118: {  	v28 =	vld.idx.msk [tilespmem:v49+s16+$0x0], $0xffff;
	[tilespmem:s9+$0xFFFFFC30] =	vst v61;
	v24 =	vmul.f32 v50, v14;
	v63 =	vor.u32 v4, v27  }
0x119: {  	v40 =	vor.u32 v6, v16;
	v37 =	vld.idx.msk [tilespmem:v52+s16+$0x0], $0xffff;
	[tilespmem:s8+$0x50] =	vst v42;
	v38 =	vmul.f32 v53, v14  }
0x11a: {  	v54 =	vmul.f32 v31, v10;
	v31 =	vld.idx.msk [tilespmem:v55+s16+$0x0], $0xffff;
	[tilespmem:s10+$0x30] =	vst v24;
	v18 =	vmul.f32 v56, v14  }
0x11b: {  	v19 =	vor.u32 v7, v19;
	[tilespmem:s10+$0xFFFFFC30] =	vst v38;
	v41 =	vmul.f32 v59, v14;
	v32 =	vld.idx.msk [tilespmem:v58+s16+$0x0], $0xffff  }
0x11c: {  	v43 =	vor.u32 v5, v21;
	v30 =	vld.idx.msk [tilespmem:v62+s16+$0x0], $0xffff;
	[tilespmem:s11+$0x30] =	vst v18  }
0x11d: {  	v44 =	vmul.f32 v28, v12;
	[tilespmem:s11+$0xFFFFFC30] =	vst v41;
	v45 =	vor.u32 v5, v20;
	v46 =	vld.idx.msk [tilespmem:v63+s16+$0x0], $0xffff  }
0x11e: {  	[tilespmem:s14+$0xFFFFFC70] =	vst v54;
	v47 =	vor.u32 v5, v25;
	v22 =	vmul.f32 v37, v13;
	v48 =	vld.idx.msk [tilespmem:v39+s16+$0x0], $0xffff  }
0x11f: {  	[tilespmem:s8+$0xFFFFFC50] =	vst v44;
	v50 =	vor.u32 v5, v23;
	v24 =	vld.idx.msk [tilespmem:v40+s16+$0x0], $0xffff;
	v49 =	vmul.f32 v31, v13  }
0x120: {  	v52 =	vor.u32 v5, v27;
	v19 =	vld.idx.msk [tilespmem:v19+s16+$0x0], $0xffff;
	[tilespmem:s9+$0x40] =	vst v22;
	v51 =	vmul.f32 v32, v13  }
0x121: {  	v54 =	vor.u32 v5, v26;
	[tilespmem:s9+$0xFFFFFC40] =	vst v49;
	v53 =	vld.idx.msk [tilespmem:v43+s16+$0x0], $0xffff;
	v30 =	vmul.f32 v30, v13  }
0x122: {  	v41 =	vor.u32 v7, v16;
	[tilespmem:s10+$0x40] =	vst v51;
	v28 =	vld.idx.msk [tilespmem:v45+s16+$0x0], $0xffff;
	v14 =	vmul.f32 v46, v13  }
0x123: {  	v55 =	vor.u32 v6, v15;
	[tilespmem:s10+$0xFFFFFC40] =	vst v30;
	v22 =	vld.idx.msk [tilespmem:v47+s16+$0x0], $0xffff;
	v56 =	vmul.f32 v48, v13  }
0x124: {  	v57 =	vor.u32 v6, v21;
	v58 =	vmul.f32 v24, v11;
	v30 =	vld.idx.msk [tilespmem:v50+s16+$0x0], $0xffff;
	[tilespmem:s11+$0x40] =	vst v14  }
0x125: {  	v19 =	vmul.f32 v19, v10;
	v59 =	vor.u32 v6, v20;
	[tilespmem:s11+$0xFFFFFC40] =	vst v56;
	v60 =	vld.idx.msk [tilespmem:v52+s16+$0x0], $0xffff  }
0x126: {  	v61 =	vor.u32 v6, v25;
	[tilespmem:s8+$0x60] =	vst v58;
	v18 =	vmul.f32 v53, v12;
	v62 =	vld.idx.msk [tilespmem:v54+s16+$0x0], $0xffff  }
0x127: {  	v35 =	vor.u32 v6, v23;
	[tilespmem:s20+$0x70] =	vst v19;
	v16 =	vld.idx.msk [tilespmem:v41+s16+$0x0], $0xffff;
	v34 =	vmul.f32 v28, v12  }
0x128: {  	v37 =	vor.u32 v6, v27;
	v63 =	vld.idx.msk [tilespmem:v55+s16+$0x0], $0xffff;
	[tilespmem:s9+$0x50] =	vst v18;
	v36 =	vmul.f32 v22, v12  }
0x129: {  	v40 =	vor.u32 v6, v26;
	v38 =	vld.idx.msk [tilespmem:v57+s16+$0x0], $0xffff;
	v39 =	vmul.f32 v30, v12;
	[tilespmem:s9+$0xFFFFFC50] =	vst v34  }
0x12a: {  	[tilespmem:s10+$0x50] =	vst v36;
	v24 =	vld.idx.msk [tilespmem:v59+s16+$0x0], $0xffff;
	v13 =	vmul.f32 v60, v12  }
0x12b: {  	v42 =	vor.u32 v7, v15;
	[tilespmem:s10+$0xFFFFFC50] =	vst v39;
	v18 =	vld.idx.msk [tilespmem:v61+s16+$0x0], $0xffff;
	v43 =	vmul.f32 v62, v12  }
0x12c: {  	v45 =	vor.u32 v7, v21;
	v16 =	vmul.f32 v16, v10;
	v28 =	vld.idx.msk [tilespmem:v35+s16+$0x0], $0xffff;
	[tilespmem:s11+$0x50] =	vst v13  }
0x12d: {  	v47 =	vor.u32 v7, v20;
	v44 =	vmul.f32 v63, v11;
	[tilespmem:s11+$0xFFFFFC50] =	vst v43;
	v48 =	vld.idx.msk [tilespmem:v37+s16+$0x0], $0xffff  }
0x12e: {  	v49 =	vor.u32 v7, v25;
	[tilespmem:s8+$0x70] =	vst v16;
	v14 =	vmul.f32 v38, v11;
	v50 =	vld.idx.msk [tilespmem:v40+s16+$0x0], $0xffff  }
0x12f: {  	[tilespmem:s8+$0xFFFFFC60] =	vst v44;
	v52 =	vor.u32 v7, v23;
	v51 =	vmul.f32 v24, v11  }
0x130: {  	v54 =	vor.u32 v7, v27;
	v15 =	vld.idx.msk [tilespmem:v42+s16+$0x0], $0xffff;
	[tilespmem:s9+$0x60] =	vst v14;
	v53 =	vmul.f32 v18, v11  }
0x131: {  	v57 =	vor.u32 v7, v26;
	v55 =	vld.idx.msk [tilespmem:v45+s16+$0x0], $0xffff;
	v56 =	vmul.f32 v28, v11;
	[tilespmem:s9+$0xFFFFFC60] =	vst v51  }
0x132: {  	v46 =	vmul.f32 v17, v10;
	[tilespmem:s10+$0x60] =	vst v53;
	v17 =	vld.idx.msk [tilespmem:v47+s16+$0x0], $0xffff;
	v12 =	vmul.f32 v48, v11  }
0x133: {  	[tilespmem:s10+$0xFFFFFC60] =	vst v56;
	v14 =	vld.idx.msk [tilespmem:v49+s16+$0x0], $0xffff;
	v11 =	vmul.f32 v50, v11  }
0x134: {  	v58 =	vld.idx.msk [tilespmem:v52+s16+$0x0], $0xffff;
	[tilespmem:s11+$0x60] =	vst v12  }
0x135: {  	v59 =	vmul.f32 v15, v10;
	[tilespmem:s11+$0xFFFFFC60] =	vst v11;
	v11 =	vld.idx.msk [tilespmem:v54+s16+$0x0], $0xffff  }
0x136: {  	[tilespmem:s20+$0xFFFFFC70] =	vst v46;
	v13 =	vmul.f32 v55, v10;
	v60 =	vld.idx.msk [tilespmem:v57+s16+$0x0], $0xffff  }
0x137: {  	s3 =	sadd.s32 $0x1, s3;
	[tilespmem:s8+$0xFFFFFC70] =	vst v59;
	v61 =	vmul.f32 v17, v10  }
0x138: {  	p2 =	sne.s32 s3, $0x8;
	[tilespmem:s9+$0x70] =	vst v13;
	v62 =	vmul.f32 v14, v10  }
.Ltmp6:
0x139: {  	v63 =	vmul.f32 v58, v10;
	[tilespmem:s9+$0xFFFFFC70] =	vst v61;
	(pc) =	sbr.rel @p2 .LBB2_3-.Ltmp6, $4  }
0x13a: {  	[tilespmem:s10+$0x70] =	vst v62;
	v11 =	vmul.f32 v11, v10  }
0x13b: {  	[tilespmem:s10+$0xFFFFFC70] =	vst v63;
	v10 =	vmul.f32 v60, v10  }
0x13c: {  	[tilespmem:s11+$0x70] =	vst v11  }
0x13d: {  	s13 =	sadd.s32 $0x80, s13;
	[tilespmem:s11+$0xFFFFFC70] =	vst v10  }
0x13e: {  	p0 =	slt.u32 s28, $0x17  }
0x13f: {  	s0 =	sshll.u32 @p0 s28, $0xF  }
0x140: {  	s3 =	sadd.s32 @p0 s12, s0  }
0x141: {  	s8 =	sadd.s32 @p0 $0x1, s29;
	s3 =	sshrl.u32 @p0 s3, $0x3  }
0x142: {  	s9 =	sshll.u32 @p0 s29, $0xA;
	s11 =	simm.s32 @p0 $0x0;
	s10 =	sadd.s32 @p0 s1, s3  }
0x143: {  	[tilespmem:s9], [sflag:s8] =	stream.linear.gather @p0 [hbm4b:s10+s11], $0x400, $0x38;
	[tilespmem:$0x1D100] =	vst v63  }
0x144: {  	s3 =	sadd.s32 @p0 s2, s3;
	s9 =	sor.u32 @p0 $0x800, s9  }
0x145: {  	[tilespmem:s9], [sflag:s8] =	stream.linear.gather @p0 [hbm4b:s3+s11], $0x400, $0x38;
	[tilespmem:$0x1D100] =	vst v63  }
0x146: {  	s3 =	sshll.u32 @!p0 s28, $0xF;
	s28 =	sadd.s32 $0x1, s28  }
0x147: {  	s3 =	smov.u32 @p0 s0;
	p0 =	sne.s32 s28, $0x19  }
.Ltmp7:
0x148: {  	_ = 	snop;
	(pc) =	sbr.rel @p0 .LBB2_2-.Ltmp7, $4  }
0x149: {  	s0 =	sor.u32 s6, s3  }
0x14a: {  	s0 =	sshrl.u32 s0, $0x3  }
0x14b: {  	s0 =	sadd.s32 s4, s0  }
0x14c: {  	[hbm4b:s0+s15] =	stream.strided.scatter [tilespmem:s24], [sflag:$0x6], $0x10000, s23, s15, $0x38;
	[tilespmem:$0x1D100] =	vst v63  }
0x14d: {  	s3 =	simm.s32 $0x6  }
0x14e: {  	_ =	swait.ge [sflag:s3], $0x10000  }
0x14f: {  	s26 =	sadd.s32 $0x1, s26;
	s0 =	rddreg [dreg:$0x9]  }
0x150: {  	p0 =	sne.s32 s26, s0  }
.Ltmp8:
0x151: {  	_ = 	snop;
	(pc) =	sbr.rel @p0 .LBB2_1-.Ltmp8, $3  }
0x152: {  	_ =	sdelay $0x1  }
0x153: {  	[sflag:s3] =	ssyncset.done $0x0  }
0x154: {  	[sflag:s3] =	ssyncadd.s32 $0xFFFF0000  }
0x155: {  	_ =	sfence.sel $0x180000  }
0x156: {  	[bflag:$0x0] =	sbarrier.arrive $0xFFFF  }
0x157: {  	_ =	strace $0x9000004A  }
0x158: {  	s0 =	stileid.u32;
	[bflag:$0x2] =	sbarrier.arrive $0xFFFF  }
0x159: {  	p0 =	sne.s32 s0, $0x0;
	s0 =	rddreg [dreg:$0x4]  }
0x15a: {  	s0 =	sadd.s32 @!p0 $0x100000, s0  }
0x15b: {  	[sflag:s0] =	ssyncadd.tile.s32 @!p0 $0x1;
	_ =	shalt  }
.Lfunc_end2:
_tile_overlayer_lowered:
.L_overlay_start_2:
0x15c: {  	(tag) =	ssettag $0x2  }
0x15d: {  	s0 =	rddreg [dreg:$0x0];
	s2 =	stileid.u32  }
0x15e: {  	s1 =	rddreg [dreg:$0x1];
	p0 =	sne.s32 s2, $0x0  }
0x15f: {  	s3 =	rddreg [dreg:$0x2];
	[bflag:$0x3] =	sbarrier.arrive $0xFFFF;
	s2 =	simm.s32 @!p0 $0x1C07  }
0x160: {  	[timem:s3], [sflag:s2] =	dma.local @!p0 [hbm:s0], s1  }
0x161: {  	s0 =	simm.s32 @!p0 $0x7  }
0x162: {  	_ =	swait.ge @!p0 [sflag:s0], s1  }
0x163: {  	s1 =	ssub.s32 @!p0 $0x0, s1;
	[sflag:s0] =	ssyncset.done @!p0 $0x0  }
0x164: {  	[sflag:s0] =	ssyncadd.s32 @!p0 s1  }
0x165: {  	[bflag:$0x3] =	sbarrier.arrive $0xFFFF  }
0x166: {  	_ =	shalt  }

</sc_bundles>
